<compile_context>
chip_gen: v7x
topology: tpu7x:2x2x1
jax: 0.10.2.dev20260603
libtpu: 0.0.44.dev20260713+nightly
codegen_flags: <defaults>
</compile_context>

<pallas_src>
import functools

import jax
import jax.numpy as jnp
from jax import lax
from jax.experimental import pallas as pl
from jax.experimental.pallas import tpu as pltpu
from jax.experimental.pallas import tpu_sc as plsc

NUM_CORES = 2
NUM_SUBCORES = 16
LANES = 16
NUM_WORKERS = NUM_CORES * NUM_SUBCORES

BATCH = 16384
EMBED = 32
B_PER_W = BATCH // NUM_WORKERS
NBUF = 8
STAGE = 4
N_STAGES = B_PER_W // STAGE
IDX_PAD = B_PER_W + LANES


def _body(user_hbm, item_hbm, utab_hbm, itab_hbm, out_hbm,
          idx_u, idx_i, ub, ib, out_v, *sems):
  sem_u = sems[:NBUF]
  sem_i = sems[NBUF:]
  wid = lax.axis_index("s") * NUM_CORES + lax.axis_index("c")
  base = wid * B_PER_W

  pltpu.sync_copy(user_hbm.at[pl.ds(base, B_PER_W)],
                  idx_u.at[pl.ds(0, B_PER_W)])
  pltpu.sync_copy(item_hbm.at[pl.ds(base, B_PER_W)],
                  idx_i.at[pl.ds(0, B_PER_W)])

  iota = lax.iota(jnp.int32, LANES)

  def col_base(idx_vec, j):
    r = idx_vec[j]
    c = pl.multiple_of(r // 128 * 128, 128)
    return c, r - c

  def issue_stage(stage, slots):
    ru = idx_u[pl.ds(stage * STAGE, LANES)]
    ri = idx_i[pl.ds(stage * STAGE, LANES)]
    for j in range(STAGE):
      s = slots[j]
      cu, _ = col_base(ru, j)
      ci, _ = col_base(ri, j)
      pltpu.async_copy(utab_hbm.at[:, pl.ds(cu, 128)], ub.at[s], sem_u[s])
      pltpu.async_copy(itab_hbm.at[:, pl.ds(ci, 128)], ib.at[s], sem_i[s])

  def consume_stage(stage, slots, outacc):
    ru = idx_u[pl.ds(stage * STAGE, LANES)]
    ri = idx_i[pl.ds(stage * STAGE, LANES)]
    dummy = utab_hbm.at[:, pl.ds(0, 128)]
    for j in range(STAGE):
      s = slots[j]
      pltpu.make_async_copy(dummy, ub.at[s], sem_u[s]).wait()
      pltpu.make_async_copy(dummy, ib.at[s], sem_i[s]).wait()
      _, lu = col_base(ru, j)
      _, li = col_base(ri, j)
      svec = jnp.full((LANES,), s, jnp.int32)
      luv = jnp.full((LANES,), lu, jnp.int32)
      liv = jnp.full((LANES,), li, jnp.int32)
      u_lo = plsc.load_gather(ub, [svec, iota, luv])
      u_hi = plsc.load_gather(ub, [svec, iota + LANES, luv])
      i_lo = plsc.load_gather(ib, [svec, iota, liv])
      i_hi = plsc.load_gather(ib, [svec, iota + LANES, liv])
      dot = jnp.sum(u_lo * i_lo + u_hi * i_hi)
      n = stage * STAGE + j
      outacc = jnp.where(iota == n % LANES,
                         jnp.full((LANES,), dot, jnp.float32), outacc)
    return outacc

  lo = tuple(range(STAGE))
  hi = tuple(range(STAGE, NBUF))

  issue_stage(0, lo)

  def step(h2, outacc):
    issue_stage(2 * h2 + 1, hi)
    outacc = consume_stage(2 * h2, lo, outacc)

    @pl.when(h2 < N_STAGES // 2 - 1)
    def _():
      issue_stage(2 * h2 + 2, lo)

    outacc = consume_stage(2 * h2 + 1, hi, outacc)

    @pl.when(h2 % 2 == 1)
    def _():
      out_v[pl.ds(h2 // 2 * LANES, LANES)] = 1.0 / (1.0 + jnp.exp(-outacc))

    return jnp.where(h2 % 2 == 1, jnp.zeros((LANES,), jnp.float32), outacc)

  lax.fori_loop(0, N_STAGES // 2, step, jnp.zeros((LANES,), jnp.float32))

  pltpu.sync_copy(out_v, out_hbm.at[pl.ds(base, B_PER_W)])


@jax.jit
def kernel(user, item, user_table, item_table):
  mesh = plsc.VectorSubcoreMesh(core_axis_name="c", subcore_axis_name="s")
  return pl.kernel(
      _body,
      out_type=jax.ShapeDtypeStruct((BATCH,), jnp.float32),
      mesh=mesh,
      compiler_params=pltpu.CompilerParams(
          use_tc_tiling_on_sc=True, needs_layout_passes=False),
      scratch_types=[
          pltpu.VMEM((IDX_PAD,), jnp.int32),
          pltpu.VMEM((IDX_PAD,), jnp.int32),
          pltpu.VMEM((NBUF, EMBED, 128), jnp.float32),
          pltpu.VMEM((NBUF, EMBED, 128), jnp.float32),
          pltpu.VMEM((B_PER_W,), jnp.float32),
      ] + [pltpu.SemaphoreType.DMA] * (2 * NBUF),
  )(user, item, user_table.T, item_table.T)

# --- scband reference (transcript-rebuilt; emitter-appended) ---
"""Pipeline reference for scband-probabilistic-matrix-factorization-model-24464133718075 (READ-ONLY COPY).

The authoritative reference and input builder live on the scoring server;
editing this copy changes nothing except your own understanding.
"""

import jax, jax.numpy as jnp
import numpy as np

NUM_USERS = 1000000
NUM_ITEMS = 1000000
EMBED = 32
BATCH = 16384

def setup_inputs(seed: int = 0) -> dict:
    key = jax.random.key(seed)
    k1, k2, k3, k4 = jax.random.split(key, 4)
    user = jax.random.randint(k1, (BATCH,), 0, NUM_USERS, dtype=jnp.int64 if jax.config.jax_enable_x64 else jnp.int32)
    item = jax.random.randint(k2, (BATCH,), 0, NUM_ITEMS, dtype=jnp.int64 if jax.config.jax_enable_x64 else jnp.int32)
    user_table = jax.random.normal(k3, (NUM_USERS, EMBED), dtype=jnp.float32) * 0.01
    item_table = jax.random.normal(k4, (NUM_ITEMS, EMBED), dtype=jnp.float32) * 0.01
    return {"user": user, "item": item, "user_table": user_table, "item_table": item_table}

def reference(user, item, user_table, item_table):
    # Embedding lookups (gather)
    user_mf_e = jnp.take(user_table, user, axis=0)  # [B, E]
    item_mf_e = jnp.take(item_table, item, axis=0)  # [B, E]
    # dot product prediction
    mf_output = jnp.sum(user_mf_e * item_mf_e, axis=-1)  # [B]
    output = jax.nn.sigmoid(mf_output)
    return output

if __name__ == "__main__":
    import jax
    _d = setup_inputs()
    print(jax.jit(kernel)(*tuple(_d.values())))

</pallas_src>

<mosaic_0001>
#map = affine_map<(d0, d1) -> (0)>
#map1 = affine_map<(d0, d1) -> (0, 0)>
module attributes {stable_mosaic.version = 14 : i64} {
  func.func @_body(%arg0: i32, %arg1: i32, %arg2: memref<16384xi32, #tpu.memory_space<hbm>>, %arg3: memref<16384xi32, #tpu.memory_space<hbm>>, %arg4: memref<32x1000000xf32, #tpu.memory_space<hbm>>, %arg5: memref<32x1000000xf32, #tpu.memory_space<hbm>>, %arg6: memref<16384xf32, #tpu.memory_space<hbm>>, %arg7: memref<528xi32, #tpu.memory_space<vmem>>, %arg8: memref<528xi32, #tpu.memory_space<vmem>>, %arg9: memref<8x32x128xf32, #tpu.memory_space<vmem>>, %arg10: memref<8x32x128xf32, #tpu.memory_space<vmem>>, %arg11: memref<512xf32, #tpu.memory_space<vmem>>, %arg12: memref<!tpu.dma_semaphore, #tpu.memory_space<semaphore_mem>>, %arg13: memref<!tpu.dma_semaphore, #tpu.memory_space<semaphore_mem>>, %arg14: memref<!tpu.dma_semaphore, #tpu.memory_space<semaphore_mem>>, %arg15: memref<!tpu.dma_semaphore, #tpu.memory_space<semaphore_mem>>, %arg16: memref<!tpu.dma_semaphore, #tpu.memory_space<semaphore_mem>>, %arg17: memref<!tpu.dma_semaphore, #tpu.memory_space<semaphore_mem>>, %arg18: memref<!tpu.dma_semaphore, #tpu.memory_space<semaphore_mem>>, %arg19: memref<!tpu.dma_semaphore, #tpu.memory_space<semaphore_mem>>, %arg20: memref<!tpu.dma_semaphore, #tpu.memory_space<semaphore_mem>>, %arg21: memref<!tpu.dma_semaphore, #tpu.memory_space<semaphore_mem>>, %arg22: memref<!tpu.dma_semaphore, #tpu.memory_space<semaphore_mem>>, %arg23: memref<!tpu.dma_semaphore, #tpu.memory_space<semaphore_mem>>, %arg24: memref<!tpu.dma_semaphore, #tpu.memory_space<semaphore_mem>>, %arg25: memref<!tpu.dma_semaphore, #tpu.memory_space<semaphore_mem>>, %arg26: memref<!tpu.dma_semaphore, #tpu.memory_space<semaphore_mem>>, %arg27: memref<!tpu.dma_semaphore, #tpu.memory_space<semaphore_mem>>) attributes {dimension_semantics = [#tpu.dimension_semantics<core_parallel>, #tpu.dimension_semantics<subcore_parallel>], iteration_bounds = array<i64: 2, 16>, scalar_prefetch = 0 : i64, scratch_operands = 21 : i64, tpu.core_type = #tpu.core_type<sc_vector_subcore>, window_params = [{transform_indices = #map}, {transform_indices = #map}, {transform_indices = #map1}, {transform_indices = #map1}, {transform_indices = #map}]} {
    %mul3A = arith.constant 2 : i32
    %mul3A_0 = arith.muli %arg1, %mul3A : i32
    %add3A = arith.addi %mul3A_0, %arg0 : i32
    %mul3A_1 = arith.constant 512 : i32
    %mul3A_2 = arith.muli %add3A, %mul3A_1 : i32
    "tpu.region"() ({
      %run_scoped3A = tpu.sem_alloc : memref<!tpu.dma_semaphore, #tpu.memory_space<semaphore_mem>>
      %dma_start3A_344 = arith.constant 0 : i32
      %dma_start3A_345 = tpu.memref_slice %arg7[%dma_start3A_344] : memref<528xi32, #tpu.memory_space<vmem>> -> memref<512xi32, #tpu.memory_space<vmem>>
      %dma_start3A_346 = tpu.memref_slice %arg2[%mul3A_2] : memref<16384xi32, #tpu.memory_space<hbm>> -> memref<512xi32, #tpu.memory_space<hbm>>
      %dma_start3A_347 = arith.constant 0 : i32
      %dma_start3A_348 = tpu.memref_slice %arg7[%dma_start3A_347] : memref<528xi32, #tpu.memory_space<vmem>> -> memref<512xi32, #tpu.memory_space<vmem>>
      %dma_start3A_349 = tpu.memref_slice %arg2[%mul3A_2] : memref<16384xi32, #tpu.memory_space<hbm>> -> memref<512xi32, #tpu.memory_space<hbm>>
      tpu.enqueue_dma source(%dma_start3A_349 : memref<512xi32, #tpu.memory_space<hbm>>) target(%dma_start3A_348 : memref<512xi32, #tpu.memory_space<vmem>>) target_semaphore(%run_scoped3A : memref<!tpu.dma_semaphore, #tpu.memory_space<semaphore_mem>>)
      %dma_wait3A = arith.constant 0 : i32
      %dma_wait3A_350 = tpu.memref_slice %arg7[%dma_wait3A] : memref<528xi32, #tpu.memory_space<vmem>> -> memref<512xi32, #tpu.memory_space<vmem>>
      %dma_wait3A_351 = tpu.memref_slice %arg2[%mul3A_2] : memref<16384xi32, #tpu.memory_space<hbm>> -> memref<512xi32, #tpu.memory_space<hbm>>
      %dma_wait3A_352 = arith.constant 0 : i32
      %dma_wait3A_353 = tpu.memref_slice %arg7[%dma_wait3A_352] : memref<528xi32, #tpu.memory_space<vmem>> -> memref<512xi32, #tpu.memory_space<vmem>>
      %dma_wait3A_354 = tpu.memref_slice %arg2[%mul3A_2] : memref<16384xi32, #tpu.memory_space<hbm>> -> memref<512xi32, #tpu.memory_space<hbm>>
      tpu.wait_dma2 semaphore(%run_scoped3A : memref<!tpu.dma_semaphore, #tpu.memory_space<semaphore_mem>>) src(%dma_wait3A_354 : memref<512xi32, #tpu.memory_space<hbm>>) dst(%dma_wait3A_353 : memref<512xi32, #tpu.memory_space<vmem>>)
      tpu.yield
    }) : () -> ()
    "tpu.region"() ({
      %run_scoped3A = tpu.sem_alloc : memref<!tpu.dma_semaphore, #tpu.memory_space<semaphore_mem>>
      %dma_start3A_344 = arith.constant 0 : i32
      %dma_start3A_345 = tpu.memref_slice %arg8[%dma_start3A_344] : memref<528xi32, #tpu.memory_space<vmem>> -> memref<512xi32, #tpu.memory_space<vmem>>
      %dma_start3A_346 = tpu.memref_slice %arg3[%mul3A_2] : memref<16384xi32, #tpu.memory_space<hbm>> -> memref<512xi32, #tpu.memory_space<hbm>>
      %dma_start3A_347 = arith.constant 0 : i32
      %dma_start3A_348 = tpu.memref_slice %arg8[%dma_start3A_347] : memref<528xi32, #tpu.memory_space<vmem>> -> memref<512xi32, #tpu.memory_space<vmem>>
      %dma_start3A_349 = tpu.memref_slice %arg3[%mul3A_2] : memref<16384xi32, #tpu.memory_space<hbm>> -> memref<512xi32, #tpu.memory_space<hbm>>
      tpu.enqueue_dma source(%dma_start3A_349 : memref<512xi32, #tpu.memory_space<hbm>>) target(%dma_start3A_348 : memref<512xi32, #tpu.memory_space<vmem>>) target_semaphore(%run_scoped3A : memref<!tpu.dma_semaphore, #tpu.memory_space<semaphore_mem>>)
      %dma_wait3A = arith.constant 0 : i32
      %dma_wait3A_350 = tpu.memref_slice %arg8[%dma_wait3A] : memref<528xi32, #tpu.memory_space<vmem>> -> memref<512xi32, #tpu.memory_space<vmem>>
      %dma_wait3A_351 = tpu.memref_slice %arg3[%mul3A_2] : memref<16384xi32, #tpu.memory_space<hbm>> -> memref<512xi32, #tpu.memory_space<hbm>>
      %dma_wait3A_352 = arith.constant 0 : i32
      %dma_wait3A_353 = tpu.memref_slice %arg8[%dma_wait3A_352] : memref<528xi32, #tpu.memory_space<vmem>> -> memref<512xi32, #tpu.memory_space<vmem>>
      %dma_wait3A_354 = tpu.memref_slice %arg3[%mul3A_2] : memref<16384xi32, #tpu.memory_space<hbm>> -> memref<512xi32, #tpu.memory_space<hbm>>
      tpu.wait_dma2 semaphore(%run_scoped3A : memref<!tpu.dma_semaphore, #tpu.memory_space<semaphore_mem>>) src(%dma_wait3A_354 : memref<512xi32, #tpu.memory_space<hbm>>) dst(%dma_wait3A_353 : memref<512xi32, #tpu.memory_space<vmem>>)
      tpu.yield
    }) : () -> ()
    %iota3A = tpu.iota {dimensions = array<i32: 0>} : vector<16xi32>
    %get3A = arith.constant 0 : index
    %get3A_3 = tpu.vector_load %arg7[%get3A] {strides = array<i32>} : memref<528xi32, #tpu.memory_space<vmem>>, vector<16xi32>,
    %get3A_4 = arith.constant 0 : index
    %get3A_5 = tpu.vector_load %arg8[%get3A_4] {strides = array<i32>} : memref<528xi32, #tpu.memory_space<vmem>>, vector<16xi32>,
    %slice3A = vector.extract_strided_slice %get3A_3 {offsets = [0], sizes = [1], strides = [1]} : vector<16xi32> to vector<1xi32>
    %squeeze3A = vector.extract %slice3A[0] : i32 from vector<1xi32>
    %jit3A = arith.constant 128 : i32
    %div3A = arith.divsi %squeeze3A, %jit3A : i32
    %sign3A = arith.constant 0 : i32
    %sign3A_6 = arith.cmpi sgt, %squeeze3A, %sign3A : i32
    %sign3A_7 = arith.extui %sign3A_6 : i1 to i32
    %sign3A_8 = arith.constant 0 : i32
    %sign3A_9 = arith.cmpi slt, %squeeze3A, %sign3A_8 : i32
    %sign3A_10 = arith.extui %sign3A_9 : i1 to i32
    %sign3A_11 = arith.subi %sign3A_7, %sign3A_10 : i32
    %sign3A_12 = arith.constant 0 : i32
    %sign3A_13 = arith.cmpi sgt, %jit3A, %sign3A_12 : i32
    %sign3A_14 = arith.extui %sign3A_13 : i1 to i32
    %sign3A_15 = arith.constant 0 : i32
    %sign3A_16 = arith.cmpi slt, %jit3A, %sign3A_15 : i32
    %sign3A_17 = arith.extui %sign3A_16 : i1 to i32
    %sign3A_18 = arith.subi %sign3A_14, %sign3A_17 : i32
    %ne3A = arith.cmpi ne, %sign3A_11, %sign3A_18 : i32
    %rem3A = arith.remsi %squeeze3A, %jit3A : i32
    %ne3A_19 = arith.constant 0 : i32
    %ne3A_20 = arith.cmpi ne, %rem3A, %ne3A_19 : i32
    %and3A = arith.andi %ne3A, %ne3A_20 : i1
    %sub3A = arith.constant 1 : i32
    %sub3A_21 = arith.subi %div3A, %sub3A : i32
    %select_n3A = arith.select %and3A, %sub3A_21, %div3A : i32
    %mul3A_22 = arith.constant 128 : i32
    %mul3A_23 = arith.muli %select_n3A, %mul3A_22 : i32
    %multiple_of3A = tpu.assume_multiple %mul3A_23, 128 : i32
    %sub3A_24 = arith.subi %squeeze3A, %multiple_of3A : i32
    %slice3A_25 = vector.extract_strided_slice %get3A_5 {offsets = [0], sizes = [1], strides = [1]} : vector<16xi32> to vector<1xi32>
    %squeeze3A_26 = vector.extract %slice3A_25[0] : i32 from vector<1xi32>
    %jit3A_27 = arith.constant 128 : i32
    %div3A_28 = arith.divsi %squeeze3A_26, %jit3A_27 : i32
    %sign3A_29 = arith.constant 0 : i32
    %sign3A_30 = arith.cmpi sgt, %squeeze3A_26, %sign3A_29 : i32
    %sign3A_31 = arith.extui %sign3A_30 : i1 to i32
    %sign3A_32 = arith.constant 0 : i32
    %sign3A_33 = arith.cmpi slt, %squeeze3A_26, %sign3A_32 : i32
    %sign3A_34 = arith.extui %sign3A_33 : i1 to i32
    %sign3A_35 = arith.subi %sign3A_31, %sign3A_34 : i32
    %sign3A_36 = arith.constant 0 : i32
    %sign3A_37 = arith.cmpi sgt, %jit3A_27, %sign3A_36 : i32
    %sign3A_38 = arith.extui %sign3A_37 : i1 to i32
    %sign3A_39 = arith.constant 0 : i32
    %sign3A_40 = arith.cmpi slt, %jit3A_27, %sign3A_39 : i32
    %sign3A_41 = arith.extui %sign3A_40 : i1 to i32
    %sign3A_42 = arith.subi %sign3A_38, %sign3A_41 : i32
    %ne3A_43 = arith.cmpi ne, %sign3A_35, %sign3A_42 : i32
    %rem3A_44 = arith.remsi %squeeze3A_26, %jit3A_27 : i32
    %ne3A_45 = arith.constant 0 : i32
    %ne3A_46 = arith.cmpi ne, %rem3A_44, %ne3A_45 : i32
    %and3A_47 = arith.andi %ne3A_43, %ne3A_46 : i1
    %sub3A_48 = arith.constant 1 : i32
    %sub3A_49 = arith.subi %div3A_28, %sub3A_48 : i32
    %select_n3A_50 = arith.select %and3A_47, %sub3A_49, %div3A_28 : i32
    %mul3A_51 = arith.constant 128 : i32
    %mul3A_52 = arith.muli %select_n3A_50, %mul3A_51 : i32
    %multiple_of3A_53 = tpu.assume_multiple %mul3A_52, 128 : i32
    %sub3A_54 = arith.subi %squeeze3A_26, %multiple_of3A_53 : i32
    %dma_start3A = arith.constant 0 : i32
    %dma_start3A_55 = arith.constant 0 : i32
    %dma_start3A_56 = arith.constant 0 : i32
    %dma_start3A_57 = tpu.memref_slice %arg9[%dma_start3A, %dma_start3A_55, %dma_start3A_56] : memref<8x32x128xf32, #tpu.memory_space<vmem>> -> memref<1x32x128xf32, #tpu.memory_space<vmem>>
    %dma_start3A_58 = tpu.memref_squeeze %dma_start3A_57 : memref<1x32x128xf32, #tpu.memory_space<vmem>> -> memref<32x128xf32, #tpu.memory_space<vmem>>
    %dma_start3A_59 = arith.constant 0 : i32
    %dma_start3A_60 = tpu.memref_slice %arg4[%dma_start3A_59, %multiple_of3A] : memref<32x1000000xf32, #tpu.memory_space<hbm>> -> memref<32x128xf32, #tpu.memory_space<hbm>>
    %dma_start3A_61 = arith.constant 0 : i32
    %dma_start3A_62 = arith.constant 0 : i32
    %dma_start3A_63 = tpu.memref_slice %arg9[%dma_start3A, %dma_start3A_61, %dma_start3A_62] : memref<8x32x128xf32, #tpu.memory_space<vmem>> -> memref<1x32x128xf32, #tpu.memory_space<vmem>>
    %dma_start3A_64 = tpu.memref_squeeze %dma_start3A_63 : memref<1x32x128xf32, #tpu.memory_space<vmem>> -> memref<32x128xf32, #tpu.memory_space<vmem>>
    %dma_start3A_65 = arith.constant 0 : i32
    %dma_start3A_66 = tpu.memref_slice %arg4[%dma_start3A_65, %multiple_of3A] : memref<32x1000000xf32, #tpu.memory_space<hbm>> -> memref<32x128xf32, #tpu.memory_space<hbm>>
    tpu.enqueue_dma source(%dma_start3A_66 : memref<32x128xf32, #tpu.memory_space<hbm>>) target(%dma_start3A_64 : memref<32x128xf32, #tpu.memory_space<vmem>>) target_semaphore(%arg12 : memref<!tpu.dma_semaphore, #tpu.memory_space<semaphore_mem>>)
    %dma_start3A_67 = arith.constant 0 : i32
    %dma_start3A_68 = arith.constant 0 : i32
    %dma_start3A_69 = arith.constant 0 : i32
    %dma_start3A_70 = tpu.memref_slice %arg10[%dma_start3A_67, %dma_start3A_68, %dma_start3A_69] : memref<8x32x128xf32, #tpu.memory_space<vmem>> -> memref<1x32x128xf32, #tpu.memory_space<vmem>>
    %dma_start3A_71 = tpu.memref_squeeze %dma_start3A_70 : memref<1x32x128xf32, #tpu.memory_space<vmem>> -> memref<32x128xf32, #tpu.memory_space<vmem>>
    %dma_start3A_72 = arith.constant 0 : i32
    %dma_start3A_73 = tpu.memref_slice %arg5[%dma_start3A_72, %multiple_of3A_53] : memref<32x1000000xf32, #tpu.memory_space<hbm>> -> memref<32x128xf32, #tpu.memory_space<hbm>>
    %dma_start3A_74 = arith.constant 0 : i32
    %dma_start3A_75 = arith.constant 0 : i32
    %dma_start3A_76 = tpu.memref_slice %arg10[%dma_start3A_67, %dma_start3A_74, %dma_start3A_75] : memref<8x32x128xf32, #tpu.memory_space<vmem>> -> memref<1x32x128xf32, #tpu.memory_space<vmem>>
    %dma_start3A_77 = tpu.memref_squeeze %dma_start3A_76 : memref<1x32x128xf32, #tpu.memory_space<vmem>> -> memref<32x128xf32, #tpu.memory_space<vmem>>
    %dma_start3A_78 = arith.constant 0 : i32
    %dma_start3A_79 = tpu.memref_slice %arg5[%dma_start3A_78, %multiple_of3A_53] : memref<32x1000000xf32, #tpu.memory_space<hbm>> -> memref<32x128xf32, #tpu.memory_space<hbm>>
    tpu.enqueue_dma source(%dma_start3A_79 : memref<32x128xf32, #tpu.memory_space<hbm>>) target(%dma_start3A_77 : memref<32x128xf32, #tpu.memory_space<vmem>>) target_semaphore(%arg20 : memref<!tpu.dma_semaphore, #tpu.memory_space<semaphore_mem>>)
    %slice3A_80 = vector.extract_strided_slice %get3A_3 {offsets = [1], sizes = [1], strides = [1]} : vector<16xi32> to vector<1xi32>
    %squeeze3A_81 = vector.extract %slice3A_80[0] : i32 from vector<1xi32>
    %jit3A_82 = arith.constant 128 : i32
    %div3A_83 = arith.divsi %squeeze3A_81, %jit3A_82 : i32
    %sign3A_84 = arith.constant 0 : i32
    %sign3A_85 = arith.cmpi sgt, %squeeze3A_81, %sign3A_84 : i32
    %sign3A_86 = arith.extui %sign3A_85 : i1 to i32
    %sign3A_87 = arith.constant 0 : i32
    %sign3A_88 = arith.cmpi slt, %squeeze3A_81, %sign3A_87 : i32
    %sign3A_89 = arith.extui %sign3A_88 : i1 to i32
    %sign3A_90 = arith.subi %sign3A_86, %sign3A_89 : i32
    %sign3A_91 = arith.constant 0 : i32
    %sign3A_92 = arith.cmpi sgt, %jit3A_82, %sign3A_91 : i32
    %sign3A_93 = arith.extui %sign3A_92 : i1 to i32
    %sign3A_94 = arith.constant 0 : i32
    %sign3A_95 = arith.cmpi slt, %jit3A_82, %sign3A_94 : i32
    %sign3A_96 = arith.extui %sign3A_95 : i1 to i32
    %sign3A_97 = arith.subi %sign3A_93, %sign3A_96 : i32
    %ne3A_98 = arith.cmpi ne, %sign3A_90, %sign3A_97 : i32
    %rem3A_99 = arith.remsi %squeeze3A_81, %jit3A_82 : i32
    %ne3A_100 = arith.constant 0 : i32
    %ne3A_101 = arith.cmpi ne, %rem3A_99, %ne3A_100 : i32
    %and3A_102 = arith.andi %ne3A_98, %ne3A_101 : i1
    %sub3A_103 = arith.constant 1 : i32
    %sub3A_104 = arith.subi %div3A_83, %sub3A_103 : i32
    %select_n3A_105 = arith.select %and3A_102, %sub3A_104, %div3A_83 : i32
    %mul3A_106 = arith.constant 128 : i32
    %mul3A_107 = arith.muli %select_n3A_105, %mul3A_106 : i32
    %multiple_of3A_108 = tpu.assume_multiple %mul3A_107, 128 : i32
    %sub3A_109 = arith.subi %squeeze3A_81, %multiple_of3A_108 : i32
    %slice3A_110 = vector.extract_strided_slice %get3A_5 {offsets = [1], sizes = [1], strides = [1]} : vector<16xi32> to vector<1xi32>
    %squeeze3A_111 = vector.extract %slice3A_110[0] : i32 from vector<1xi32>
    %jit3A_112 = arith.constant 128 : i32
    %div3A_113 = arith.divsi %squeeze3A_111, %jit3A_112 : i32
    %sign3A_114 = arith.constant 0 : i32
    %sign3A_115 = arith.cmpi sgt, %squeeze3A_111, %sign3A_114 : i32
    %sign3A_116 = arith.extui %sign3A_115 : i1 to i32
    %sign3A_117 = arith.constant 0 : i32
    %sign3A_118 = arith.cmpi slt, %squeeze3A_111, %sign3A_117 : i32
    %sign3A_119 = arith.extui %sign3A_118 : i1 to i32
    %sign3A_120 = arith.subi %sign3A_116, %sign3A_119 : i32
    %sign3A_121 = arith.constant 0 : i32
    %sign3A_122 = arith.cmpi sgt, %jit3A_112, %sign3A_121 : i32
    %sign3A_123 = arith.extui %sign3A_122 : i1 to i32
    %sign3A_124 = arith.constant 0 : i32
    %sign3A_125 = arith.cmpi slt, %jit3A_112, %sign3A_124 : i32
    %sign3A_126 = arith.extui %sign3A_125 : i1 to i32
    %sign3A_127 = arith.subi %sign3A_123, %sign3A_126 : i32
    %ne3A_128 = arith.cmpi ne, %sign3A_120, %sign3A_127 : i32
    %rem3A_129 = arith.remsi %squeeze3A_111, %jit3A_112 : i32
    %ne3A_130 = arith.constant 0 : i32
    %ne3A_131 = arith.cmpi ne, %rem3A_129, %ne3A_130 : i32
    %and3A_132 = arith.andi %ne3A_128, %ne3A_131 : i1
    %sub3A_133 = arith.constant 1 : i32
    %sub3A_134 = arith.subi %div3A_113, %sub3A_133 : i32
    %select_n3A_135 = arith.select %and3A_132, %sub3A_134, %div3A_113 : i32
    %mul3A_136 = arith.constant 128 : i32
    %mul3A_137 = arith.muli %select_n3A_135, %mul3A_136 : i32
    %multiple_of3A_138 = tpu.assume_multiple %mul3A_137, 128 : i32
    %sub3A_139 = arith.subi %squeeze3A_111, %multiple_of3A_138 : i32
    %dma_start3A_140 = arith.constant 1 : i32
    %dma_start3A_141 = arith.constant 0 : i32
    %dma_start3A_142 = arith.constant 0 : i32
    %dma_start3A_143 = tpu.memref_slice %arg9[%dma_start3A_140, %dma_start3A_141, %dma_start3A_142] : memref<8x32x128xf32, #tpu.memory_space<vmem>> -> memref<1x32x128xf32, #tpu.memory_space<vmem>>
    %dma_start3A_144 = tpu.memref_squeeze %dma_start3A_143 : memref<1x32x128xf32, #tpu.memory_space<vmem>> -> memref<32x128xf32, #tpu.memory_space<vmem>>
    %dma_start3A_145 = arith.constant 0 : i32
    %dma_start3A_146 = tpu.memref_slice %arg4[%dma_start3A_145, %multiple_of3A_108] : memref<32x1000000xf32, #tpu.memory_space<hbm>> -> memref<32x128xf32, #tpu.memory_space<hbm>>
    %dma_start3A_147 = arith.constant 0 : i32
    %dma_start3A_148 = arith.constant 0 : i32
    %dma_start3A_149 = tpu.memref_slice %arg9[%dma_start3A_140, %dma_start3A_147, %dma_start3A_148] : memref<8x32x128xf32, #tpu.memory_space<vmem>> -> memref<1x32x128xf32, #tpu.memory_space<vmem>>
    %dma_start3A_150 = tpu.memref_squeeze %dma_start3A_149 : memref<1x32x128xf32, #tpu.memory_space<vmem>> -> memref<32x128xf32, #tpu.memory_space<vmem>>
    %dma_start3A_151 = arith.constant 0 : i32
    %dma_start3A_152 = tpu.memref_slice %arg4[%dma_start3A_151, %multiple_of3A_108] : memref<32x1000000xf32, #tpu.memory_space<hbm>> -> memref<32x128xf32, #tpu.memory_space<hbm>>
    tpu.enqueue_dma source(%dma_start3A_152 : memref<32x128xf32, #tpu.memory_space<hbm>>) target(%dma_start3A_150 : memref<32x128xf32, #tpu.memory_space<vmem>>) target_semaphore(%arg13 : memref<!tpu.dma_semaphore, #tpu.memory_space<semaphore_mem>>)
    %dma_start3A_153 = arith.constant 1 : i32
    %dma_start3A_154 = arith.constant 0 : i32
    %dma_start3A_155 = arith.constant 0 : i32
    %dma_start3A_156 = tpu.memref_slice %arg10[%dma_start3A_153, %dma_start3A_154, %dma_start3A_155] : memref<8x32x128xf32, #tpu.memory_space<vmem>> -> memref<1x32x128xf32, #tpu.memory_space<vmem>>
    %dma_start3A_157 = tpu.memref_squeeze %dma_start3A_156 : memref<1x32x128xf32, #tpu.memory_space<vmem>> -> memref<32x128xf32, #tpu.memory_space<vmem>>
    %dma_start3A_158 = arith.constant 0 : i32
    %dma_start3A_159 = tpu.memref_slice %arg5[%dma_start3A_158, %multiple_of3A_138] : memref<32x1000000xf32, #tpu.memory_space<hbm>> -> memref<32x128xf32, #tpu.memory_space<hbm>>
    %dma_start3A_160 = arith.constant 0 : i32
    %dma_start3A_161 = arith.constant 0 : i32
    %dma_start3A_162 = tpu.memref_slice %arg10[%dma_start3A_153, %dma_start3A_160, %dma_start3A_161] : memref<8x32x128xf32, #tpu.memory_space<vmem>> -> memref<1x32x128xf32, #tpu.memory_space<vmem>>
    %dma_start3A_163 = tpu.memref_squeeze %dma_start3A_162 : memref<1x32x128xf32, #tpu.memory_space<vmem>> -> memref<32x128xf32, #tpu.memory_space<vmem>>
    %dma_start3A_164 = arith.constant 0 : i32
    %dma_start3A_165 = tpu.memref_slice %arg5[%dma_start3A_164, %multiple_of3A_138] : memref<32x1000000xf32, #tpu.memory_space<hbm>> -> memref<32x128xf32, #tpu.memory_space<hbm>>
    tpu.enqueue_dma source(%dma_start3A_165 : memref<32x128xf32, #tpu.memory_space<hbm>>) target(%dma_start3A_163 : memref<32x128xf32, #tpu.memory_space<vmem>>) target_semaphore(%arg21 : memref<!tpu.dma_semaphore, #tpu.memory_space<semaphore_mem>>)
    %slice3A_166 = vector.extract_strided_slice %get3A_3 {offsets = [2], sizes = [1], strides = [1]} : vector<16xi32> to vector<1xi32>
    %squeeze3A_167 = vector.extract %slice3A_166[0] : i32 from vector<1xi32>
    %jit3A_168 = arith.constant 128 : i32
    %div3A_169 = arith.divsi %squeeze3A_167, %jit3A_168 : i32
    %sign3A_170 = arith.constant 0 : i32
    %sign3A_171 = arith.cmpi sgt, %squeeze3A_167, %sign3A_170 : i32
    %sign3A_172 = arith.extui %sign3A_171 : i1 to i32
    %sign3A_173 = arith.constant 0 : i32
    %sign3A_174 = arith.cmpi slt, %squeeze3A_167, %sign3A_173 : i32
    %sign3A_175 = arith.extui %sign3A_174 : i1 to i32
    %sign3A_176 = arith.subi %sign3A_172, %sign3A_175 : i32
    %sign3A_177 = arith.constant 0 : i32
    %sign3A_178 = arith.cmpi sgt, %jit3A_168, %sign3A_177 : i32
    %sign3A_179 = arith.extui %sign3A_178 : i1 to i32
    %sign3A_180 = arith.constant 0 : i32
    %sign3A_181 = arith.cmpi slt, %jit3A_168, %sign3A_180 : i32
    %sign3A_182 = arith.extui %sign3A_181 : i1 to i32
    %sign3A_183 = arith.subi %sign3A_179, %sign3A_182 : i32
    %ne3A_184 = arith.cmpi ne, %sign3A_176, %sign3A_183 : i32
    %rem3A_185 = arith.remsi %squeeze3A_167, %jit3A_168 : i32
    %ne3A_186 = arith.constant 0 : i32
    %ne3A_187 = arith.cmpi ne, %rem3A_185, %ne3A_186 : i32
    %and3A_188 = arith.andi %ne3A_184, %ne3A_187 : i1
    %sub3A_189 = arith.constant 1 : i32
    %sub3A_190 = arith.subi %div3A_169, %sub3A_189 : i32
    %select_n3A_191 = arith.select %and3A_188, %sub3A_190, %div3A_169 : i32
    %mul3A_192 = arith.constant 128 : i32
    %mul3A_193 = arith.muli %select_n3A_191, %mul3A_192 : i32
    %multiple_of3A_194 = tpu.assume_multiple %mul3A_193, 128 : i32
    %sub3A_195 = arith.subi %squeeze3A_167, %multiple_of3A_194 : i32
    %slice3A_196 = vector.extract_strided_slice %get3A_5 {offsets = [2], sizes = [1], strides = [1]} : vector<16xi32> to vector<1xi32>
    %squeeze3A_197 = vector.extract %slice3A_196[0] : i32 from vector<1xi32>
    %jit3A_198 = arith.constant 128 : i32
    %div3A_199 = arith.divsi %squeeze3A_197, %jit3A_198 : i32
    %sign3A_200 = arith.constant 0 : i32
    %sign3A_201 = arith.cmpi sgt, %squeeze3A_197, %sign3A_200 : i32
    %sign3A_202 = arith.extui %sign3A_201 : i1 to i32
    %sign3A_203 = arith.constant 0 : i32
    %sign3A_204 = arith.cmpi slt, %squeeze3A_197, %sign3A_203 : i32
    %sign3A_205 = arith.extui %sign3A_204 : i1 to i32
    %sign3A_206 = arith.subi %sign3A_202, %sign3A_205 : i32
    %sign3A_207 = arith.constant 0 : i32
    %sign3A_208 = arith.cmpi sgt, %jit3A_198, %sign3A_207 : i32
    %sign3A_209 = arith.extui %sign3A_208 : i1 to i32
    %sign3A_210 = arith.constant 0 : i32
    %sign3A_211 = arith.cmpi slt, %jit3A_198, %sign3A_210 : i32
    %sign3A_212 = arith.extui %sign3A_211 : i1 to i32
    %sign3A_213 = arith.subi %sign3A_209, %sign3A_212 : i32
    %ne3A_214 = arith.cmpi ne, %sign3A_206, %sign3A_213 : i32
    %rem3A_215 = arith.remsi %squeeze3A_197, %jit3A_198 : i32
    %ne3A_216 = arith.constant 0 : i32
    %ne3A_217 = arith.cmpi ne, %rem3A_215, %ne3A_216 : i32
    %and3A_218 = arith.andi %ne3A_214, %ne3A_217 : i1
    %sub3A_219 = arith.constant 1 : i32
    %sub3A_220 = arith.subi %div3A_199, %sub3A_219 : i32
    %select_n3A_221 = arith.select %and3A_218, %sub3A_220, %div3A_199 : i32
    %mul3A_222 = arith.constant 128 : i32
    %mul3A_223 = arith.muli %select_n3A_221, %mul3A_222 : i32
    %multiple_of3A_224 = tpu.assume_multiple %mul3A_223, 128 : i32
    %sub3A_225 = arith.subi %squeeze3A_197, %multiple_of3A_224 : i32
    %dma_start3A_226 = arith.constant 2 : i32
    %dma_start3A_227 = arith.constant 0 : i32
    %dma_start3A_228 = arith.constant 0 : i32
    %dma_start3A_229 = tpu.memref_slice %arg9[%dma_start3A_226, %dma_start3A_227, %dma_start3A_228] : memref<8x32x128xf32, #tpu.memory_space<vmem>> -> memref<1x32x128xf32, #tpu.memory_space<vmem>>
    %dma_start3A_230 = tpu.memref_squeeze %dma_start3A_229 : memref<1x32x128xf32, #tpu.memory_space<vmem>> -> memref<32x128xf32, #tpu.memory_space<vmem>>
    %dma_start3A_231 = arith.constant 0 : i32
    %dma_start3A_232 = tpu.memref_slice %arg4[%dma_start3A_231, %multiple_of3A_194] : memref<32x1000000xf32, #tpu.memory_space<hbm>> -> memref<32x128xf32, #tpu.memory_space<hbm>>
    %dma_start3A_233 = arith.constant 0 : i32
    %dma_start3A_234 = arith.constant 0 : i32
    %dma_start3A_235 = tpu.memref_slice %arg9[%dma_start3A_226, %dma_start3A_233, %dma_start3A_234] : memref<8x32x128xf32, #tpu.memory_space<vmem>> -> memref<1x32x128xf32, #tpu.memory_space<vmem>>
    %dma_start3A_236 = tpu.memref_squeeze %dma_start3A_235 : memref<1x32x128xf32, #tpu.memory_space<vmem>> -> memref<32x128xf32, #tpu.memory_space<vmem>>
    %dma_start3A_237 = arith.constant 0 : i32
    %dma_start3A_238 = tpu.memref_slice %arg4[%dma_start3A_237, %multiple_of3A_194] : memref<32x1000000xf32, #tpu.memory_space<hbm>> -> memref<32x128xf32, #tpu.memory_space<hbm>>
    tpu.enqueue_dma source(%dma_start3A_238 : memref<32x128xf32, #tpu.memory_space<hbm>>) target(%dma_start3A_236 : memref<32x128xf32, #tpu.memory_space<vmem>>) target_semaphore(%arg14 : memref<!tpu.dma_semaphore, #tpu.memory_space<semaphore_mem>>)
    %dma_start3A_239 = arith.constant 2 : i32
    %dma_start3A_240 = arith.constant 0 : i32
    %dma_start3A_241 = arith.constant 0 : i32
    %dma_start3A_242 = tpu.memref_slice %arg10[%dma_start3A_239, %dma_start3A_240, %dma_start3A_241] : memref<8x32x128xf32, #tpu.memory_space<vmem>> -> memref<1x32x128xf32, #tpu.memory_space<vmem>>
    %dma_start3A_243 = tpu.memref_squeeze %dma_start3A_242 : memref<1x32x128xf32, #tpu.memory_space<vmem>> -> memref<32x128xf32, #tpu.memory_space<vmem>>
    %dma_start3A_244 = arith.constant 0 : i32
    %dma_start3A_245 = tpu.memref_slice %arg5[%dma_start3A_244, %multiple_of3A_224] : memref<32x1000000xf32, #tpu.memory_space<hbm>> -> memref<32x128xf32, #tpu.memory_space<hbm>>
    %dma_start3A_246 = arith.constant 0 : i32
    %dma_start3A_247 = arith.constant 0 : i32
    %dma_start3A_248 = tpu.memref_slice %arg10[%dma_start3A_239, %dma_start3A_246, %dma_start3A_247] : memref<8x32x128xf32, #tpu.memory_space<vmem>> -> memref<1x32x128xf32, #tpu.memory_space<vmem>>
    %dma_start3A_249 = tpu.memref_squeeze %dma_start3A_248 : memref<1x32x128xf32, #tpu.memory_space<vmem>> -> memref<32x128xf32, #tpu.memory_space<vmem>>
    %dma_start3A_250 = arith.constant 0 : i32
    %dma_start3A_251 = tpu.memref_slice %arg5[%dma_start3A_250, %multiple_of3A_224] : memref<32x1000000xf32, #tpu.memory_space<hbm>> -> memref<32x128xf32, #tpu.memory_space<hbm>>
    tpu.enqueue_dma source(%dma_start3A_251 : memref<32x128xf32, #tpu.memory_space<hbm>>) target(%dma_start3A_249 : memref<32x128xf32, #tpu.memory_space<vmem>>) target_semaphore(%arg22 : memref<!tpu.dma_semaphore, #tpu.memory_space<semaphore_mem>>)
    %slice3A_252 = vector.extract_strided_slice %get3A_3 {offsets = [3], sizes = [1], strides = [1]} : vector<16xi32> to vector<1xi32>
    %squeeze3A_253 = vector.extract %slice3A_252[0] : i32 from vector<1xi32>
    %jit3A_254 = arith.constant 128 : i32
    %div3A_255 = arith.divsi %squeeze3A_253, %jit3A_254 : i32
    %sign3A_256 = arith.constant 0 : i32
    %sign3A_257 = arith.cmpi sgt, %squeeze3A_253, %sign3A_256 : i32
    %sign3A_258 = arith.extui %sign3A_257 : i1 to i32
    %sign3A_259 = arith.constant 0 : i32
    %sign3A_260 = arith.cmpi slt, %squeeze3A_253, %sign3A_259 : i32
    %sign3A_261 = arith.extui %sign3A_260 : i1 to i32
    %sign3A_262 = arith.subi %sign3A_258, %sign3A_261 : i32
    %sign3A_263 = arith.constant 0 : i32
    %sign3A_264 = arith.cmpi sgt, %jit3A_254, %sign3A_263 : i32
    %sign3A_265 = arith.extui %sign3A_264 : i1 to i32
    %sign3A_266 = arith.constant 0 : i32
    %sign3A_267 = arith.cmpi slt, %jit3A_254, %sign3A_266 : i32
    %sign3A_268 = arith.extui %sign3A_267 : i1 to i32
    %sign3A_269 = arith.subi %sign3A_265, %sign3A_268 : i32
    %ne3A_270 = arith.cmpi ne, %sign3A_262, %sign3A_269 : i32
    %rem3A_271 = arith.remsi %squeeze3A_253, %jit3A_254 : i32
    %ne3A_272 = arith.constant 0 : i32
    %ne3A_273 = arith.cmpi ne, %rem3A_271, %ne3A_272 : i32
    %and3A_274 = arith.andi %ne3A_270, %ne3A_273 : i1
    %sub3A_275 = arith.constant 1 : i32
    %sub3A_276 = arith.subi %div3A_255, %sub3A_275 : i32
    %select_n3A_277 = arith.select %and3A_274, %sub3A_276, %div3A_255 : i32
    %mul3A_278 = arith.constant 128 : i32
    %mul3A_279 = arith.muli %select_n3A_277, %mul3A_278 : i32
    %multiple_of3A_280 = tpu.assume_multiple %mul3A_279, 128 : i32
    %sub3A_281 = arith.subi %squeeze3A_253, %multiple_of3A_280 : i32
    %slice3A_282 = vector.extract_strided_slice %get3A_5 {offsets = [3], sizes = [1], strides = [1]} : vector<16xi32> to vector<1xi32>
    %squeeze3A_283 = vector.extract %slice3A_282[0] : i32 from vector<1xi32>
    %jit3A_284 = arith.constant 128 : i32
    %div3A_285 = arith.divsi %squeeze3A_283, %jit3A_284 : i32
    %sign3A_286 = arith.constant 0 : i32
    %sign3A_287 = arith.cmpi sgt, %squeeze3A_283, %sign3A_286 : i32
    %sign3A_288 = arith.extui %sign3A_287 : i1 to i32
    %sign3A_289 = arith.constant 0 : i32
    %sign3A_290 = arith.cmpi slt, %squeeze3A_283, %sign3A_289 : i32
    %sign3A_291 = arith.extui %sign3A_290 : i1 to i32
    %sign3A_292 = arith.subi %sign3A_288, %sign3A_291 : i32
    %sign3A_293 = arith.constant 0 : i32
    %sign3A_294 = arith.cmpi sgt, %jit3A_284, %sign3A_293 : i32
    %sign3A_295 = arith.extui %sign3A_294 : i1 to i32
    %sign3A_296 = arith.constant 0 : i32
    %sign3A_297 = arith.cmpi slt, %jit3A_284, %sign3A_296 : i32
    %sign3A_298 = arith.extui %sign3A_297 : i1 to i32
    %sign3A_299 = arith.subi %sign3A_295, %sign3A_298 : i32
    %ne3A_300 = arith.cmpi ne, %sign3A_292, %sign3A_299 : i32
    %rem3A_301 = arith.remsi %squeeze3A_283, %jit3A_284 : i32
    %ne3A_302 = arith.constant 0 : i32
    %ne3A_303 = arith.cmpi ne, %rem3A_301, %ne3A_302 : i32
    %and3A_304 = arith.andi %ne3A_300, %ne3A_303 : i1
    %sub3A_305 = arith.constant 1 : i32
    %sub3A_306 = arith.subi %div3A_285, %sub3A_305 : i32
    %select_n3A_307 = arith.select %and3A_304, %sub3A_306, %div3A_285 : i32
    %mul3A_308 = arith.constant 128 : i32
    %mul3A_309 = arith.muli %select_n3A_307, %mul3A_308 : i32
    %multiple_of3A_310 = tpu.assume_multiple %mul3A_309, 128 : i32
    %sub3A_311 = arith.subi %squeeze3A_283, %multiple_of3A_310 : i32
    %dma_start3A_312 = arith.constant 3 : i32
    %dma_start3A_313 = arith.constant 0 : i32
    %dma_start3A_314 = arith.constant 0 : i32
    %dma_start3A_315 = tpu.memref_slice %arg9[%dma_start3A_312, %dma_start3A_313, %dma_start3A_314] : memref<8x32x128xf32, #tpu.memory_space<vmem>> -> memref<1x32x128xf32, #tpu.memory_space<vmem>>
    %dma_start3A_316 = tpu.memref_squeeze %dma_start3A_315 : memref<1x32x128xf32, #tpu.memory_space<vmem>> -> memref<32x128xf32, #tpu.memory_space<vmem>>
    %dma_start3A_317 = arith.constant 0 : i32
    %dma_start3A_318 = tpu.memref_slice %arg4[%dma_start3A_317, %multiple_of3A_280] : memref<32x1000000xf32, #tpu.memory_space<hbm>> -> memref<32x128xf32, #tpu.memory_space<hbm>>
    %dma_start3A_319 = arith.constant 0 : i32
    %dma_start3A_320 = arith.constant 0 : i32
    %dma_start3A_321 = tpu.memref_slice %arg9[%dma_start3A_312, %dma_start3A_319, %dma_start3A_320] : memref<8x32x128xf32, #tpu.memory_space<vmem>> -> memref<1x32x128xf32, #tpu.memory_space<vmem>>
    %dma_start3A_322 = tpu.memref_squeeze %dma_start3A_321 : memref<1x32x128xf32, #tpu.memory_space<vmem>> -> memref<32x128xf32, #tpu.memory_space<vmem>>
    %dma_start3A_323 = arith.constant 0 : i32
    %dma_start3A_324 = tpu.memref_slice %arg4[%dma_start3A_323, %multiple_of3A_280] : memref<32x1000000xf32, #tpu.memory_space<hbm>> -> memref<32x128xf32, #tpu.memory_space<hbm>>
    tpu.enqueue_dma source(%dma_start3A_324 : memref<32x128xf32, #tpu.memory_space<hbm>>) target(%dma_start3A_322 : memref<32x128xf32, #tpu.memory_space<vmem>>) target_semaphore(%arg15 : memref<!tpu.dma_semaphore, #tpu.memory_space<semaphore_mem>>)
    %dma_start3A_325 = arith.constant 3 : i32
    %dma_start3A_326 = arith.constant 0 : i32
    %dma_start3A_327 = arith.constant 0 : i32
    %dma_start3A_328 = tpu.memref_slice %arg10[%dma_start3A_325, %dma_start3A_326, %dma_start3A_327] : memref<8x32x128xf32, #tpu.memory_space<vmem>> -> memref<1x32x128xf32, #tpu.memory_space<vmem>>
    %dma_start3A_329 = tpu.memref_squeeze %dma_start3A_328 : memref<1x32x128xf32, #tpu.memory_space<vmem>> -> memref<32x128xf32, #tpu.memory_space<vmem>>
    %dma_start3A_330 = arith.constant 0 : i32
    %dma_start3A_331 = tpu.memref_slice %arg5[%dma_start3A_330, %multiple_of3A_310] : memref<32x1000000xf32, #tpu.memory_space<hbm>> -> memref<32x128xf32, #tpu.memory_space<hbm>>
    %dma_start3A_332 = arith.constant 0 : i32
    %dma_start3A_333 = arith.constant 0 : i32
    %dma_start3A_334 = tpu.memref_slice %arg10[%dma_start3A_325, %dma_start3A_332, %dma_start3A_333] : memref<8x32x128xf32, #tpu.memory_space<vmem>> -> memref<1x32x128xf32, #tpu.memory_space<vmem>>
    %dma_start3A_335 = tpu.memref_squeeze %dma_start3A_334 : memref<1x32x128xf32, #tpu.memory_space<vmem>> -> memref<32x128xf32, #tpu.memory_space<vmem>>
    %dma_start3A_336 = arith.constant 0 : i32
    %dma_start3A_337 = tpu.memref_slice %arg5[%dma_start3A_336, %multiple_of3A_310] : memref<32x1000000xf32, #tpu.memory_space<hbm>> -> memref<32x128xf32, #tpu.memory_space<hbm>>
    tpu.enqueue_dma source(%dma_start3A_337 : memref<32x128xf32, #tpu.memory_space<hbm>>) target(%dma_start3A_335 : memref<32x128xf32, #tpu.memory_space<vmem>>) target_semaphore(%arg23 : memref<!tpu.dma_semaphore, #tpu.memory_space<semaphore_mem>>)
    %broadcast_in_dim3A = arith.constant 0.000000e+00 : f32
    %broadcast_in_dim3A_338 = vector.broadcast %broadcast_in_dim3A : f32 to vector<16xf32>
    %scan3A = arith.constant 0 : i32
    %scan3A_339 = arith.constant 64 : i32
    %scan3A_340 = arith.addi %scan3A, %scan3A_339 : i32
    %scan3A_341 = arith.constant 1 : i32
    %scan3A_342 = scf.for %scan3A_344 = %scan3A to %scan3A_340 step %scan3A_341 iter_args(%scan3A_345 = %broadcast_in_dim3A_338) -> (vector<16xf32>)  : i32 {
      %mul3A_346 = arith.constant 2 : i32
      %mul3A_347 = arith.muli %mul3A_346, %scan3A_344 : i32
      %add3A_348 = arith.constant 1 : i32
      %add3A_349 = arith.addi %mul3A_347, %add3A_348 : i32
      %mul3A_350 = arith.constant 4 : i32
      %mul3A_351 = arith.muli %add3A_349, %mul3A_350 : i32
      %get3A_352 = arith.index_cast %mul3A_351 : i32 to index
      %get3A_353 = tpu.vector_load %arg7[%get3A_352] {strides = array<i32>} : memref<528xi32, #tpu.memory_space<vmem>>, vector<16xi32>,
      %mul3A_354 = arith.constant 4 : i32
      %mul3A_355 = arith.muli %add3A_349, %mul3A_354 : i32
      %get3A_356 = arith.index_cast %mul3A_355 : i32 to index
      %get3A_357 = tpu.vector_load %arg8[%get3A_356] {strides = array<i32>} : memref<528xi32, #tpu.memory_space<vmem>>, vector<16xi32>,
      %slice3A_358 = vector.extract_strided_slice %get3A_353 {offsets = [0], sizes = [1], strides = [1]} : vector<16xi32> to vector<1xi32>
      %squeeze3A_359 = vector.extract %slice3A_358[0] : i32 from vector<1xi32>
      %jit3A_360 = arith.constant 128 : i32
      %div3A_361 = arith.divsi %squeeze3A_359, %jit3A_360 : i32
      %sign3A_362 = arith.constant 0 : i32
      %sign3A_363 = arith.cmpi sgt, %squeeze3A_359, %sign3A_362 : i32
      %sign3A_364 = arith.extui %sign3A_363 : i1 to i32
      %sign3A_365 = arith.constant 0 : i32
      %sign3A_366 = arith.cmpi slt, %squeeze3A_359, %sign3A_365 : i32
      %sign3A_367 = arith.extui %sign3A_366 : i1 to i32
      %sign3A_368 = arith.subi %sign3A_364, %sign3A_367 : i32
      %sign3A_369 = arith.constant 0 : i32
      %sign3A_370 = arith.cmpi sgt, %jit3A_360, %sign3A_369 : i32
      %sign3A_371 = arith.extui %sign3A_370 : i1 to i32
      %sign3A_372 = arith.constant 0 : i32
      %sign3A_373 = arith.cmpi slt, %jit3A_360, %sign3A_372 : i32
      %sign3A_374 = arith.extui %sign3A_373 : i1 to i32
      %sign3A_375 = arith.subi %sign3A_371, %sign3A_374 : i32
      %ne3A_376 = arith.cmpi ne, %sign3A_368, %sign3A_375 : i32
      %rem3A_377 = arith.remsi %squeeze3A_359, %jit3A_360 : i32
      %ne3A_378 = arith.constant 0 : i32
      %ne3A_379 = arith.cmpi ne, %rem3A_377, %ne3A_378 : i32
      %and3A_380 = arith.andi %ne3A_376, %ne3A_379 : i1
      %sub3A_381 = arith.constant 1 : i32
      %sub3A_382 = arith.subi %div3A_361, %sub3A_381 : i32
      %select_n3A_383 = arith.select %and3A_380, %sub3A_382, %div3A_361 : i32
      %mul3A_384 = arith.constant 128 : i32
      %mul3A_385 = arith.muli %select_n3A_383, %mul3A_384 : i32
      %multiple_of3A_386 = tpu.assume_multiple %mul3A_385, 128 : i32
      %sub3A_387 = arith.subi %squeeze3A_359, %multiple_of3A_386 : i32
      %slice3A_388 = vector.extract_strided_slice %get3A_357 {offsets = [0], sizes = [1], strides = [1]} : vector<16xi32> to vector<1xi32>
      %squeeze3A_389 = vector.extract %slice3A_388[0] : i32 from vector<1xi32>
      %jit3A_390 = arith.constant 128 : i32
      %div3A_391 = arith.divsi %squeeze3A_389, %jit3A_390 : i32
      %sign3A_392 = arith.constant 0 : i32
      %sign3A_393 = arith.cmpi sgt, %squeeze3A_389, %sign3A_392 : i32
      %sign3A_394 = arith.extui %sign3A_393 : i1 to i32
      %sign3A_395 = arith.constant 0 : i32
      %sign3A_396 = arith.cmpi slt, %squeeze3A_389, %sign3A_395 : i32
      %sign3A_397 = arith.extui %sign3A_396 : i1 to i32
      %sign3A_398 = arith.subi %sign3A_394, %sign3A_397 : i32
      %sign3A_399 = arith.constant 0 : i32
      %sign3A_400 = arith.cmpi sgt, %jit3A_390, %sign3A_399 : i32
      %sign3A_401 = arith.extui %sign3A_400 : i1 to i32
      %sign3A_402 = arith.constant 0 : i32
      %sign3A_403 = arith.cmpi slt, %jit3A_390, %sign3A_402 : i32
      %sign3A_404 = arith.extui %sign3A_403 : i1 to i32
      %sign3A_405 = arith.subi %sign3A_401, %sign3A_404 : i32
      %ne3A_406 = arith.cmpi ne, %sign3A_398, %sign3A_405 : i32
      %rem3A_407 = arith.remsi %squeeze3A_389, %jit3A_390 : i32
      %ne3A_408 = arith.constant 0 : i32
      %ne3A_409 = arith.cmpi ne, %rem3A_407, %ne3A_408 : i32
      %and3A_410 = arith.andi %ne3A_406, %ne3A_409 : i1
      %sub3A_411 = arith.constant 1 : i32
      %sub3A_412 = arith.subi %div3A_391, %sub3A_411 : i32
      %select_n3A_413 = arith.select %and3A_410, %sub3A_412, %div3A_391 : i32
      %mul3A_414 = arith.constant 128 : i32
      %mul3A_415 = arith.muli %select_n3A_413, %mul3A_414 : i32
      %multiple_of3A_416 = tpu.assume_multiple %mul3A_415, 128 : i32
      %sub3A_417 = arith.subi %squeeze3A_389, %multiple_of3A_416 : i32
      %dma_start3A_418 = arith.constant 4 : i32
      %dma_start3A_419 = arith.constant 0 : i32
      %dma_start3A_420 = arith.constant 0 : i32
      %dma_start3A_421 = tpu.memref_slice %arg9[%dma_start3A_418, %dma_start3A_419, %dma_start3A_420] : memref<8x32x128xf32, #tpu.memory_space<vmem>> -> memref<1x32x128xf32, #tpu.memory_space<vmem>>
      %dma_start3A_422 = tpu.memref_squeeze %dma_start3A_421 : memref<1x32x128xf32, #tpu.memory_space<vmem>> -> memref<32x128xf32, #tpu.memory_space<vmem>>
      %dma_start3A_423 = arith.constant 0 : i32
      %dma_start3A_424 = tpu.memref_slice %arg4[%dma_start3A_423, %multiple_of3A_386] : memref<32x1000000xf32, #tpu.memory_space<hbm>> -> memref<32x128xf32, #tpu.memory_space<hbm>>
      %dma_start3A_425 = arith.constant 0 : i32
      %dma_start3A_426 = arith.constant 0 : i32
      %dma_start3A_427 = tpu.memref_slice %arg9[%dma_start3A_418, %dma_start3A_425, %dma_start3A_426] : memref<8x32x128xf32, #tpu.memory_space<vmem>> -> memref<1x32x128xf32, #tpu.memory_space<vmem>>
      %dma_start3A_428 = tpu.memref_squeeze %dma_start3A_427 : memref<1x32x128xf32, #tpu.memory_space<vmem>> -> memref<32x128xf32, #tpu.memory_space<vmem>>
      %dma_start3A_429 = arith.constant 0 : i32
      %dma_start3A_430 = tpu.memref_slice %arg4[%dma_start3A_429, %multiple_of3A_386] : memref<32x1000000xf32, #tpu.memory_space<hbm>> -> memref<32x128xf32, #tpu.memory_space<hbm>>
      tpu.enqueue_dma source(%dma_start3A_430 : memref<32x128xf32, #tpu.memory_space<hbm>>) target(%dma_start3A_428 : memref<32x128xf32, #tpu.memory_space<vmem>>) target_semaphore(%arg16 : memref<!tpu.dma_semaphore, #tpu.memory_space<semaphore_mem>>)
      %dma_start3A_431 = arith.constant 4 : i32
      %dma_start3A_432 = arith.constant 0 : i32
      %dma_start3A_433 = arith.constant 0 : i32
      %dma_start3A_434 = tpu.memref_slice %arg10[%dma_start3A_431, %dma_start3A_432, %dma_start3A_433] : memref<8x32x128xf32, #tpu.memory_space<vmem>> -> memref<1x32x128xf32, #tpu.memory_space<vmem>>
      %dma_start3A_435 = tpu.memref_squeeze %dma_start3A_434 : memref<1x32x128xf32, #tpu.memory_space<vmem>> -> memref<32x128xf32, #tpu.memory_space<vmem>>
      %dma_start3A_436 = arith.constant 0 : i32
      %dma_start3A_437 = tpu.memref_slice %arg5[%dma_start3A_436, %multiple_of3A_416] : memref<32x1000000xf32, #tpu.memory_space<hbm>> -> memref<32x128xf32, #tpu.memory_space<hbm>>
      %dma_start3A_438 = arith.constant 0 : i32
      %dma_start3A_439 = arith.constant 0 : i32
      %dma_start3A_440 = tpu.memref_slice %arg10[%dma_start3A_431, %dma_start3A_438, %dma_start3A_439] : memref<8x32x128xf32, #tpu.memory_space<vmem>> -> memref<1x32x128xf32, #tpu.memory_space<vmem>>
      %dma_start3A_441 = tpu.memref_squeeze %dma_start3A_440 : memref<1x32x128xf32, #tpu.memory_space<vmem>> -> memref<32x128xf32, #tpu.memory_space<vmem>>
      %dma_start3A_442 = arith.constant 0 : i32
      %dma_start3A_443 = tpu.memref_slice %arg5[%dma_start3A_442, %multiple_of3A_416] : memref<32x1000000xf32, #tpu.memory_space<hbm>> -> memref<32x128xf32, #tpu.memory_space<hbm>>
      tpu.enqueue_dma source(%dma_start3A_443 : memref<32x128xf32, #tpu.memory_space<hbm>>) target(%dma_start3A_441 : memref<32x128xf32, #tpu.memory_space<vmem>>) target_semaphore(%arg24 : memref<!tpu.dma_semaphore, #tpu.memory_space<semaphore_mem>>)
      %slice3A_444 = vector.extract_strided_slice %get3A_353 {offsets = [1], sizes = [1], strides = [1]} : vector<16xi32> to vector<1xi32>
      %squeeze3A_445 = vector.extract %slice3A_444[0] : i32 from vector<1xi32>
      %jit3A_446 = arith.constant 128 : i32
      %div3A_447 = arith.divsi %squeeze3A_445, %jit3A_446 : i32
      %sign3A_448 = arith.constant 0 : i32
      %sign3A_449 = arith.cmpi sgt, %squeeze3A_445, %sign3A_448 : i32
      %sign3A_450 = arith.extui %sign3A_449 : i1 to i32
      %sign3A_451 = arith.constant 0 : i32
      %sign3A_452 = arith.cmpi slt, %squeeze3A_445, %sign3A_451 : i32
      %sign3A_453 = arith.extui %sign3A_452 : i1 to i32
      %sign3A_454 = arith.subi %sign3A_450, %sign3A_453 : i32
      %sign3A_455 = arith.constant 0 : i32
      %sign3A_456 = arith.cmpi sgt, %jit3A_446, %sign3A_455 : i32
      %sign3A_457 = arith.extui %sign3A_456 : i1 to i32
      %sign3A_458 = arith.constant 0 : i32
      %sign3A_459 = arith.cmpi slt, %jit3A_446, %sign3A_458 : i32
      %sign3A_460 = arith.extui %sign3A_459 : i1 to i32
      %sign3A_461 = arith.subi %sign3A_457, %sign3A_460 : i32
      %ne3A_462 = arith.cmpi ne, %sign3A_454, %sign3A_461 : i32
      %rem3A_463 = arith.remsi %squeeze3A_445, %jit3A_446 : i32
      %ne3A_464 = arith.constant 0 : i32
      %ne3A_465 = arith.cmpi ne, %rem3A_463, %ne3A_464 : i32
      %and3A_466 = arith.andi %ne3A_462, %ne3A_465 : i1
      %sub3A_467 = arith.constant 1 : i32
      %sub3A_468 = arith.subi %div3A_447, %sub3A_467 : i32
      %select_n3A_469 = arith.select %and3A_466, %sub3A_468, %div3A_447 : i32
      %mul3A_470 = arith.constant 128 : i32
      %mul3A_471 = arith.muli %select_n3A_469, %mul3A_470 : i32
      %multiple_of3A_472 = tpu.assume_multiple %mul3A_471, 128 : i32
      %sub3A_473 = arith.subi %squeeze3A_445, %multiple_of3A_472 : i32
      %slice3A_474 = vector.extract_strided_slice %get3A_357 {offsets = [1], sizes = [1], strides = [1]} : vector<16xi32> to vector<1xi32>
      %squeeze3A_475 = vector.extract %slice3A_474[0] : i32 from vector<1xi32>
      %jit3A_476 = arith.constant 128 : i32
      %div3A_477 = arith.divsi %squeeze3A_475, %jit3A_476 : i32
      %sign3A_478 = arith.constant 0 : i32
      %sign3A_479 = arith.cmpi sgt, %squeeze3A_475, %sign3A_478 : i32
      %sign3A_480 = arith.extui %sign3A_479 : i1 to i32
      %sign3A_481 = arith.constant 0 : i32
      %sign3A_482 = arith.cmpi slt, %squeeze3A_475, %sign3A_481 : i32
      %sign3A_483 = arith.extui %sign3A_482 : i1 to i32
      %sign3A_484 = arith.subi %sign3A_480, %sign3A_483 : i32
      %sign3A_485 = arith.constant 0 : i32
      %sign3A_486 = arith.cmpi sgt, %jit3A_476, %sign3A_485 : i32
      %sign3A_487 = arith.extui %sign3A_486 : i1 to i32
      %sign3A_488 = arith.constant 0 : i32
      %sign3A_489 = arith.cmpi slt, %jit3A_476, %sign3A_488 : i32
      %sign3A_490 = arith.extui %sign3A_489 : i1 to i32
      %sign3A_491 = arith.subi %sign3A_487, %sign3A_490 : i32
      %ne3A_492 = arith.cmpi ne, %sign3A_484, %sign3A_491 : i32
      %rem3A_493 = arith.remsi %squeeze3A_475, %jit3A_476 : i32
      %ne3A_494 = arith.constant 0 : i32
      %ne3A_495 = arith.cmpi ne, %rem3A_493, %ne3A_494 : i32
      %and3A_496 = arith.andi %ne3A_492, %ne3A_495 : i1
      %sub3A_497 = arith.constant 1 : i32
      %sub3A_498 = arith.subi %div3A_477, %sub3A_497 : i32
      %select_n3A_499 = arith.select %and3A_496, %sub3A_498, %div3A_477 : i32
      %mul3A_500 = arith.constant 128 : i32
      %mul3A_501 = arith.muli %select_n3A_499, %mul3A_500 : i32
      %multiple_of3A_502 = tpu.assume_multiple %mul3A_501, 128 : i32
      %sub3A_503 = arith.subi %squeeze3A_475, %multiple_of3A_502 : i32
      %dma_start3A_504 = arith.constant 5 : i32
      %dma_start3A_505 = arith.constant 0 : i32
      %dma_start3A_506 = arith.constant 0 : i32
      %dma_start3A_507 = tpu.memref_slice %arg9[%dma_start3A_504, %dma_start3A_505, %dma_start3A_506] : memref<8x32x128xf32, #tpu.memory_space<vmem>> -> memref<1x32x128xf32, #tpu.memory_space<vmem>>
      %dma_start3A_508 = tpu.memref_squeeze %dma_start3A_507 : memref<1x32x128xf32, #tpu.memory_space<vmem>> -> memref<32x128xf32, #tpu.memory_space<vmem>>
      %dma_start3A_509 = arith.constant 0 : i32
      %dma_start3A_510 = tpu.memref_slice %arg4[%dma_start3A_509, %multiple_of3A_472] : memref<32x1000000xf32, #tpu.memory_space<hbm>> -> memref<32x128xf32, #tpu.memory_space<hbm>>
      %dma_start3A_511 = arith.constant 0 : i32
      %dma_start3A_512 = arith.constant 0 : i32
      %dma_start3A_513 = tpu.memref_slice %arg9[%dma_start3A_504, %dma_start3A_511, %dma_start3A_512] : memref<8x32x128xf32, #tpu.memory_space<vmem>> -> memref<1x32x128xf32, #tpu.memory_space<vmem>>
      %dma_start3A_514 = tpu.memref_squeeze %dma_start3A_513 : memref<1x32x128xf32, #tpu.memory_space<vmem>> -> memref<32x128xf32, #tpu.memory_space<vmem>>
      %dma_start3A_515 = arith.constant 0 : i32
      %dma_start3A_516 = tpu.memref_slice %arg4[%dma_start3A_515, %multiple_of3A_472] : memref<32x1000000xf32, #tpu.memory_space<hbm>> -> memref<32x128xf32, #tpu.memory_space<hbm>>
      tpu.enqueue_dma source(%dma_start3A_516 : memref<32x128xf32, #tpu.memory_space<hbm>>) target(%dma_start3A_514 : memref<32x128xf32, #tpu.memory_space<vmem>>) target_semaphore(%arg17 : memref<!tpu.dma_semaphore, #tpu.memory_space<semaphore_mem>>)
      %dma_start3A_517 = arith.constant 5 : i32
      %dma_start3A_518 = arith.constant 0 : i32
      %dma_start3A_519 = arith.constant 0 : i32
      %dma_start3A_520 = tpu.memref_slice %arg10[%dma_start3A_517, %dma_start3A_518, %dma_start3A_519] : memref<8x32x128xf32, #tpu.memory_space<vmem>> -> memref<1x32x128xf32, #tpu.memory_space<vmem>>
      %dma_start3A_521 = tpu.memref_squeeze %dma_start3A_520 : memref<1x32x128xf32, #tpu.memory_space<vmem>> -> memref<32x128xf32, #tpu.memory_space<vmem>>
      %dma_start3A_522 = arith.constant 0 : i32
      %dma_start3A_523 = tpu.memref_slice %arg5[%dma_start3A_522, %multiple_of3A_502] : memref<32x1000000xf32, #tpu.memory_space<hbm>> -> memref<32x128xf32, #tpu.memory_space<hbm>>
      %dma_start3A_524 = arith.constant 0 : i32
      %dma_start3A_525 = arith.constant 0 : i32
      %dma_start3A_526 = tpu.memref_slice %arg10[%dma_start3A_517, %dma_start3A_524, %dma_start3A_525] : memref<8x32x128xf32, #tpu.memory_space<vmem>> -> memref<1x32x128xf32, #tpu.memory_space<vmem>>
      %dma_start3A_527 = tpu.memref_squeeze %dma_start3A_526 : memref<1x32x128xf32, #tpu.memory_space<vmem>> -> memref<32x128xf32, #tpu.memory_space<vmem>>
      %dma_start3A_528 = arith.constant 0 : i32
      %dma_start3A_529 = tpu.memref_slice %arg5[%dma_start3A_528, %multiple_of3A_502] : memref<32x1000000xf32, #tpu.memory_space<hbm>> -> memref<32x128xf32, #tpu.memory_space<hbm>>
      tpu.enqueue_dma source(%dma_start3A_529 : memref<32x128xf32, #tpu.memory_space<hbm>>) target(%dma_start3A_527 : memref<32x128xf32, #tpu.memory_space<vmem>>) target_semaphore(%arg25 : memref<!tpu.dma_semaphore, #tpu.memory_space<semaphore_mem>>)
      %slice3A_530 = vector.extract_strided_slice %get3A_353 {offsets = [2], sizes = [1], strides = [1]} : vector<16xi32> to vector<1xi32>
      %squeeze3A_531 = vector.extract %slice3A_530[0] : i32 from vector<1xi32>
      %jit3A_532 = arith.constant 128 : i32
      %div3A_533 = arith.divsi %squeeze3A_531, %jit3A_532 : i32
      %sign3A_534 = arith.constant 0 : i32
      %sign3A_535 = arith.cmpi sgt, %squeeze3A_531, %sign3A_534 : i32
      %sign3A_536 = arith.extui %sign3A_535 : i1 to i32
      %sign3A_537 = arith.constant 0 : i32
      %sign3A_538 = arith.cmpi slt, %squeeze3A_531, %sign3A_537 : i32
      %sign3A_539 = arith.extui %sign3A_538 : i1 to i32
      %sign3A_540 = arith.subi %sign3A_536, %sign3A_539 : i32
      %sign3A_541 = arith.constant 0 : i32
      %sign3A_542 = arith.cmpi sgt, %jit3A_532, %sign3A_541 : i32
      %sign3A_543 = arith.extui %sign3A_542 : i1 to i32
      %sign3A_544 = arith.constant 0 : i32
      %sign3A_545 = arith.cmpi slt, %jit3A_532, %sign3A_544 : i32
      %sign3A_546 = arith.extui %sign3A_545 : i1 to i32
      %sign3A_547 = arith.subi %sign3A_543, %sign3A_546 : i32
      %ne3A_548 = arith.cmpi ne, %sign3A_540, %sign3A_547 : i32
      %rem3A_549 = arith.remsi %squeeze3A_531, %jit3A_532 : i32
      %ne3A_550 = arith.constant 0 : i32
      %ne3A_551 = arith.cmpi ne, %rem3A_549, %ne3A_550 : i32
      %and3A_552 = arith.andi %ne3A_548, %ne3A_551 : i1
      %sub3A_553 = arith.constant 1 : i32
      %sub3A_554 = arith.subi %div3A_533, %sub3A_553 : i32
      %select_n3A_555 = arith.select %and3A_552, %sub3A_554, %div3A_533 : i32
      %mul3A_556 = arith.constant 128 : i32
      %mul3A_557 = arith.muli %select_n3A_555, %mul3A_556 : i32
      %multiple_of3A_558 = tpu.assume_multiple %mul3A_557, 128 : i32
      %sub3A_559 = arith.subi %squeeze3A_531, %multiple_of3A_558 : i32
      %slice3A_560 = vector.extract_strided_slice %get3A_357 {offsets = [2], sizes = [1], strides = [1]} : vector<16xi32> to vector<1xi32>
      %squeeze3A_561 = vector.extract %slice3A_560[0] : i32 from vector<1xi32>
      %jit3A_562 = arith.constant 128 : i32
      %div3A_563 = arith.divsi %squeeze3A_561, %jit3A_562 : i32
      %sign3A_564 = arith.constant 0 : i32
      %sign3A_565 = arith.cmpi sgt, %squeeze3A_561, %sign3A_564 : i32
      %sign3A_566 = arith.extui %sign3A_565 : i1 to i32
      %sign3A_567 = arith.constant 0 : i32
      %sign3A_568 = arith.cmpi slt, %squeeze3A_561, %sign3A_567 : i32
      %sign3A_569 = arith.extui %sign3A_568 : i1 to i32
      %sign3A_570 = arith.subi %sign3A_566, %sign3A_569 : i32
      %sign3A_571 = arith.constant 0 : i32
      %sign3A_572 = arith.cmpi sgt, %jit3A_562, %sign3A_571 : i32
      %sign3A_573 = arith.extui %sign3A_572 : i1 to i32
      %sign3A_574 = arith.constant 0 : i32
      %sign3A_575 = arith.cmpi slt, %jit3A_562, %sign3A_574 : i32
      %sign3A_576 = arith.extui %sign3A_575 : i1 to i32
      %sign3A_577 = arith.subi %sign3A_573, %sign3A_576 : i32
      %ne3A_578 = arith.cmpi ne, %sign3A_570, %sign3A_577 : i32
      %rem3A_579 = arith.remsi %squeeze3A_561, %jit3A_562 : i32
      %ne3A_580 = arith.constant 0 : i32
      %ne3A_581 = arith.cmpi ne, %rem3A_579, %ne3A_580 : i32
      %and3A_582 = arith.andi %ne3A_578, %ne3A_581 : i1
      %sub3A_583 = arith.constant 1 : i32
      %sub3A_584 = arith.subi %div3A_563, %sub3A_583 : i32
      %select_n3A_585 = arith.select %and3A_582, %sub3A_584, %div3A_563 : i32
      %mul3A_586 = arith.constant 128 : i32
      %mul3A_587 = arith.muli %select_n3A_585, %mul3A_586 : i32
      %multiple_of3A_588 = tpu.assume_multiple %mul3A_587, 128 : i32
      %sub3A_589 = arith.subi %squeeze3A_561, %multiple_of3A_588 : i32
      %dma_start3A_590 = arith.constant 6 : i32
      %dma_start3A_591 = arith.constant 0 : i32
      %dma_start3A_592 = arith.constant 0 : i32
      %dma_start3A_593 = tpu.memref_slice %arg9[%dma_start3A_590, %dma_start3A_591, %dma_start3A_592] : memref<8x32x128xf32, #tpu.memory_space<vmem>> -> memref<1x32x128xf32, #tpu.memory_space<vmem>>
      %dma_start3A_594 = tpu.memref_squeeze %dma_start3A_593 : memref<1x32x128xf32, #tpu.memory_space<vmem>> -> memref<32x128xf32, #tpu.memory_space<vmem>>
      %dma_start3A_595 = arith.constant 0 : i32
      %dma_start3A_596 = tpu.memref_slice %arg4[%dma_start3A_595, %multiple_of3A_558] : memref<32x1000000xf32, #tpu.memory_space<hbm>> -> memref<32x128xf32, #tpu.memory_space<hbm>>
      %dma_start3A_597 = arith.constant 0 : i32
      %dma_start3A_598 = arith.constant 0 : i32
      %dma_start3A_599 = tpu.memref_slice %arg9[%dma_start3A_590, %dma_start3A_597, %dma_start3A_598] : memref<8x32x128xf32, #tpu.memory_space<vmem>> -> memref<1x32x128xf32, #tpu.memory_space<vmem>>
      %dma_start3A_600 = tpu.memref_squeeze %dma_start3A_599 : memref<1x32x128xf32, #tpu.memory_space<vmem>> -> memref<32x128xf32, #tpu.memory_space<vmem>>
      %dma_start3A_601 = arith.constant 0 : i32
      %dma_start3A_602 = tpu.memref_slice %arg4[%dma_start3A_601, %multiple_of3A_558] : memref<32x1000000xf32, #tpu.memory_space<hbm>> -> memref<32x128xf32, #tpu.memory_space<hbm>>
      tpu.enqueue_dma source(%dma_start3A_602 : memref<32x128xf32, #tpu.memory_space<hbm>>) target(%dma_start3A_600 : memref<32x128xf32, #tpu.memory_space<vmem>>) target_semaphore(%arg18 : memref<!tpu.dma_semaphore, #tpu.memory_space<semaphore_mem>>)
      %dma_start3A_603 = arith.constant 6 : i32
      %dma_start3A_604 = arith.constant 0 : i32
      %dma_start3A_605 = arith.constant 0 : i32
      %dma_start3A_606 = tpu.memref_slice %arg10[%dma_start3A_603, %dma_start3A_604, %dma_start3A_605] : memref<8x32x128xf32, #tpu.memory_space<vmem>> -> memref<1x32x128xf32, #tpu.memory_space<vmem>>
      %dma_start3A_607 = tpu.memref_squeeze %dma_start3A_606 : memref<1x32x128xf32, #tpu.memory_space<vmem>> -> memref<32x128xf32, #tpu.memory_space<vmem>>
      %dma_start3A_608 = arith.constant 0 : i32
      %dma_start3A_609 = tpu.memref_slice %arg5[%dma_start3A_608, %multiple_of3A_588] : memref<32x1000000xf32, #tpu.memory_space<hbm>> -> memref<32x128xf32, #tpu.memory_space<hbm>>
      %dma_start3A_610 = arith.constant 0 : i32
      %dma_start3A_611 = arith.constant 0 : i32
      %dma_start3A_612 = tpu.memref_slice %arg10[%dma_start3A_603, %dma_start3A_610, %dma_start3A_611] : memref<8x32x128xf32, #tpu.memory_space<vmem>> -> memref<1x32x128xf32, #tpu.memory_space<vmem>>
      %dma_start3A_613 = tpu.memref_squeeze %dma_start3A_612 : memref<1x32x128xf32, #tpu.memory_space<vmem>> -> memref<32x128xf32, #tpu.memory_space<vmem>>
      %dma_start3A_614 = arith.constant 0 : i32
      %dma_start3A_615 = tpu.memref_slice %arg5[%dma_start3A_614, %multiple_of3A_588] : memref<32x1000000xf32, #tpu.memory_space<hbm>> -> memref<32x128xf32, #tpu.memory_space<hbm>>
      tpu.enqueue_dma source(%dma_start3A_615 : memref<32x128xf32, #tpu.memory_space<hbm>>) target(%dma_start3A_613 : memref<32x128xf32, #tpu.memory_space<vmem>>) target_semaphore(%arg26 : memref<!tpu.dma_semaphore, #tpu.memory_space<semaphore_mem>>)
      %slice3A_616 = vector.extract_strided_slice %get3A_353 {offsets = [3], sizes = [1], strides = [1]} : vector<16xi32> to vector<1xi32>
      %squeeze3A_617 = vector.extract %slice3A_616[0] : i32 from vector<1xi32>
      %jit3A_618 = arith.constant 128 : i32
      %div3A_619 = arith.divsi %squeeze3A_617, %jit3A_618 : i32
      %sign3A_620 = arith.constant 0 : i32
      %sign3A_621 = arith.cmpi sgt, %squeeze3A_617, %sign3A_620 : i32
      %sign3A_622 = arith.extui %sign3A_621 : i1 to i32
      %sign3A_623 = arith.constant 0 : i32
      %sign3A_624 = arith.cmpi slt, %squeeze3A_617, %sign3A_623 : i32
      %sign3A_625 = arith.extui %sign3A_624 : i1 to i32
      %sign3A_626 = arith.subi %sign3A_622, %sign3A_625 : i32
      %sign3A_627 = arith.constant 0 : i32
      %sign3A_628 = arith.cmpi sgt, %jit3A_618, %sign3A_627 : i32
      %sign3A_629 = arith.extui %sign3A_628 : i1 to i32
      %sign3A_630 = arith.constant 0 : i32
      %sign3A_631 = arith.cmpi slt, %jit3A_618, %sign3A_630 : i32
      %sign3A_632 = arith.extui %sign3A_631 : i1 to i32
      %sign3A_633 = arith.subi %sign3A_629, %sign3A_632 : i32
      %ne3A_634 = arith.cmpi ne, %sign3A_626, %sign3A_633 : i32
      %rem3A_635 = arith.remsi %squeeze3A_617, %jit3A_618 : i32
      %ne3A_636 = arith.constant 0 : i32
      %ne3A_637 = arith.cmpi ne, %rem3A_635, %ne3A_636 : i32
      %and3A_638 = arith.andi %ne3A_634, %ne3A_637 : i1
      %sub3A_639 = arith.constant 1 : i32
      %sub3A_640 = arith.subi %div3A_619, %sub3A_639 : i32
      %select_n3A_641 = arith.select %and3A_638, %sub3A_640, %div3A_619 : i32
      %mul3A_642 = arith.constant 128 : i32
      %mul3A_643 = arith.muli %select_n3A_641, %mul3A_642 : i32
      %multiple_of3A_644 = tpu.assume_multiple %mul3A_643, 128 : i32
      %sub3A_645 = arith.subi %squeeze3A_617, %multiple_of3A_644 : i32
      %slice3A_646 = vector.extract_strided_slice %get3A_357 {offsets = [3], sizes = [1], strides = [1]} : vector<16xi32> to vector<1xi32>
      %squeeze3A_647 = vector.extract %slice3A_646[0] : i32 from vector<1xi32>
      %jit3A_648 = arith.constant 128 : i32
      %div3A_649 = arith.divsi %squeeze3A_647, %jit3A_648 : i32
      %sign3A_650 = arith.constant 0 : i32
      %sign3A_651 = arith.cmpi sgt, %squeeze3A_647, %sign3A_650 : i32
      %sign3A_652 = arith.extui %sign3A_651 : i1 to i32
      %sign3A_653 = arith.constant 0 : i32
      %sign3A_654 = arith.cmpi slt, %squeeze3A_647, %sign3A_653 : i32
      %sign3A_655 = arith.extui %sign3A_654 : i1 to i32
      %sign3A_656 = arith.subi %sign3A_652, %sign3A_655 : i32
      %sign3A_657 = arith.constant 0 : i32
      %sign3A_658 = arith.cmpi sgt, %jit3A_648, %sign3A_657 : i32
      %sign3A_659 = arith.extui %sign3A_658 : i1 to i32
      %sign3A_660 = arith.constant 0 : i32
      %sign3A_661 = arith.cmpi slt, %jit3A_648, %sign3A_660 : i32
      %sign3A_662 = arith.extui %sign3A_661 : i1 to i32
      %sign3A_663 = arith.subi %sign3A_659, %sign3A_662 : i32
      %ne3A_664 = arith.cmpi ne, %sign3A_656, %sign3A_663 : i32
      %rem3A_665 = arith.remsi %squeeze3A_647, %jit3A_648 : i32
      %ne3A_666 = arith.constant 0 : i32
      %ne3A_667 = arith.cmpi ne, %rem3A_665, %ne3A_666 : i32
      %and3A_668 = arith.andi %ne3A_664, %ne3A_667 : i1
      %sub3A_669 = arith.constant 1 : i32
      %sub3A_670 = arith.subi %div3A_649, %sub3A_669 : i32
      %select_n3A_671 = arith.select %and3A_668, %sub3A_670, %div3A_649 : i32
      %mul3A_672 = arith.constant 128 : i32
      %mul3A_673 = arith.muli %select_n3A_671, %mul3A_672 : i32
      %multiple_of3A_674 = tpu.assume_multiple %mul3A_673, 128 : i32
      %sub3A_675 = arith.subi %squeeze3A_647, %multiple_of3A_674 : i32
      %dma_start3A_676 = arith.constant 7 : i32
      %dma_start3A_677 = arith.constant 0 : i32
      %dma_start3A_678 = arith.constant 0 : i32
      %dma_start3A_679 = tpu.memref_slice %arg9[%dma_start3A_676, %dma_start3A_677, %dma_start3A_678] : memref<8x32x128xf32, #tpu.memory_space<vmem>> -> memref<1x32x128xf32, #tpu.memory_space<vmem>>
      %dma_start3A_680 = tpu.memref_squeeze %dma_start3A_679 : memref<1x32x128xf32, #tpu.memory_space<vmem>> -> memref<32x128xf32, #tpu.memory_space<vmem>>
      %dma_start3A_681 = arith.constant 0 : i32
      %dma_start3A_682 = tpu.memref_slice %arg4[%dma_start3A_681, %multiple_of3A_644] : memref<32x1000000xf32, #tpu.memory_space<hbm>> -> memref<32x128xf32, #tpu.memory_space<hbm>>
      %dma_start3A_683 = arith.constant 0 : i32
      %dma_start3A_684 = arith.constant 0 : i32
      %dma_start3A_685 = tpu.memref_slice %arg9[%dma_start3A_676, %dma_start3A_683, %dma_start3A_684] : memref<8x32x128xf32, #tpu.memory_space<vmem>> -> memref<1x32x128xf32, #tpu.memory_space<vmem>>
      %dma_start3A_686 = tpu.memref_squeeze %dma_start3A_685 : memref<1x32x128xf32, #tpu.memory_space<vmem>> -> memref<32x128xf32, #tpu.memory_space<vmem>>
      %dma_start3A_687 = arith.constant 0 : i32
      %dma_start3A_688 = tpu.memref_slice %arg4[%dma_start3A_687, %multiple_of3A_644] : memref<32x1000000xf32, #tpu.memory_space<hbm>> -> memref<32x128xf32, #tpu.memory_space<hbm>>
      tpu.enqueue_dma source(%dma_start3A_688 : memref<32x128xf32, #tpu.memory_space<hbm>>) target(%dma_start3A_686 : memref<32x128xf32, #tpu.memory_space<vmem>>) target_semaphore(%arg19 : memref<!tpu.dma_semaphore, #tpu.memory_space<semaphore_mem>>)
      %dma_start3A_689 = arith.constant 7 : i32
      %dma_start3A_690 = arith.constant 0 : i32
      %dma_start3A_691 = arith.constant 0 : i32
      %dma_start3A_692 = tpu.memref_slice %arg10[%dma_start3A_689, %dma_start3A_690, %dma_start3A_691] : memref<8x32x128xf32, #tpu.memory_space<vmem>> -> memref<1x32x128xf32, #tpu.memory_space<vmem>>
      %dma_start3A_693 = tpu.memref_squeeze %dma_start3A_692 : memref<1x32x128xf32, #tpu.memory_space<vmem>> -> memref<32x128xf32, #tpu.memory_space<vmem>>
      %dma_start3A_694 = arith.constant 0 : i32
      %dma_start3A_695 = tpu.memref_slice %arg5[%dma_start3A_694, %multiple_of3A_674] : memref<32x1000000xf32, #tpu.memory_space<hbm>> -> memref<32x128xf32, #tpu.memory_space<hbm>>
      %dma_start3A_696 = arith.constant 0 : i32
      %dma_start3A_697 = arith.constant 0 : i32
      %dma_start3A_698 = tpu.memref_slice %arg10[%dma_start3A_689, %dma_start3A_696, %dma_start3A_697] : memref<8x32x128xf32, #tpu.memory_space<vmem>> -> memref<1x32x128xf32, #tpu.memory_space<vmem>>
      %dma_start3A_699 = tpu.memref_squeeze %dma_start3A_698 : memref<1x32x128xf32, #tpu.memory_space<vmem>> -> memref<32x128xf32, #tpu.memory_space<vmem>>
      %dma_start3A_700 = arith.constant 0 : i32
      %dma_start3A_701 = tpu.memref_slice %arg5[%dma_start3A_700, %multiple_of3A_674] : memref<32x1000000xf32, #tpu.memory_space<hbm>> -> memref<32x128xf32, #tpu.memory_space<hbm>>
      tpu.enqueue_dma source(%dma_start3A_701 : memref<32x128xf32, #tpu.memory_space<hbm>>) target(%dma_start3A_699 : memref<32x128xf32, #tpu.memory_space<vmem>>) target_semaphore(%arg27 : memref<!tpu.dma_semaphore, #tpu.memory_space<semaphore_mem>>)
      %mul3A_702 = arith.constant 2 : i32
      %mul3A_703 = arith.muli %mul3A_702, %scan3A_344 : i32
      %mul3A_704 = arith.constant 4 : i32
      %mul3A_705 = arith.muli %mul3A_703, %mul3A_704 : i32
      %get3A_706 = arith.index_cast %mul3A_705 : i32 to index
      %get3A_707 = tpu.vector_load %arg7[%get3A_706] {strides = array<i32>} : memref<528xi32, #tpu.memory_space<vmem>>, vector<16xi32>,
      %mul3A_708 = arith.constant 4 : i32
      %mul3A_709 = arith.muli %mul3A_703, %mul3A_708 : i32
      %get3A_710 = arith.index_cast %mul3A_709 : i32 to index
      %get3A_711 = tpu.vector_load %arg8[%get3A_710] {strides = array<i32>} : memref<528xi32, #tpu.memory_space<vmem>>, vector<16xi32>,
      %dma_wait3A = arith.constant 0 : i32
      %dma_wait3A_712 = arith.constant 0 : i32
      %dma_wait3A_713 = arith.constant 0 : i32
      %dma_wait3A_714 = tpu.memref_slice %arg9[%dma_wait3A, %dma_wait3A_712, %dma_wait3A_713] : memref<8x32x128xf32, #tpu.memory_space<vmem>> -> memref<1x32x128xf32, #tpu.memory_space<vmem>>
      %dma_wait3A_715 = tpu.memref_squeeze %dma_wait3A_714 : memref<1x32x128xf32, #tpu.memory_space<vmem>> -> memref<32x128xf32, #tpu.memory_space<vmem>>
      %dma_wait3A_716 = arith.constant 0 : i32
      %dma_wait3A_717 = arith.constant 0 : i32
      %dma_wait3A_718 = tpu.memref_slice %arg4[%dma_wait3A_716, %dma_wait3A_717] : memref<32x1000000xf32, #tpu.memory_space<hbm>> -> memref<32x128xf32, #tpu.memory_space<hbm>>
      %dma_wait3A_719 = arith.constant 0 : i32
      %dma_wait3A_720 = arith.constant 0 : i32
      %dma_wait3A_721 = tpu.memref_slice %arg9[%dma_wait3A, %dma_wait3A_719, %dma_wait3A_720] : memref<8x32x128xf32, #tpu.memory_space<vmem>> -> memref<1x32x128xf32, #tpu.memory_space<vmem>>
      %dma_wait3A_722 = tpu.memref_squeeze %dma_wait3A_721 : memref<1x32x128xf32, #tpu.memory_space<vmem>> -> memref<32x128xf32, #tpu.memory_space<vmem>>
      %dma_wait3A_723 = arith.constant 0 : i32
      %dma_wait3A_724 = arith.constant 0 : i32
      %dma_wait3A_725 = tpu.memref_slice %arg4[%dma_wait3A_723, %dma_wait3A_724] : memref<32x1000000xf32, #tpu.memory_space<hbm>> -> memref<32x128xf32, #tpu.memory_space<hbm>>
      tpu.wait_dma2 semaphore(%arg12 : memref<!tpu.dma_semaphore, #tpu.memory_space<semaphore_mem>>) src(%dma_wait3A_725 : memref<32x128xf32, #tpu.memory_space<hbm>>) dst(%dma_wait3A_722 : memref<32x128xf32, #tpu.memory_space<vmem>>)
      %dma_wait3A_726 = arith.constant 0 : i32
      %dma_wait3A_727 = arith.constant 0 : i32
      %dma_wait3A_728 = arith.constant 0 : i32
      %dma_wait3A_729 = tpu.memref_slice %arg10[%dma_wait3A_726, %dma_wait3A_727, %dma_wait3A_728] : memref<8x32x128xf32, #tpu.memory_space<vmem>> -> memref<1x32x128xf32, #tpu.memory_space<vmem>>
      %dma_wait3A_730 = tpu.memref_squeeze %dma_wait3A_729 : memref<1x32x128xf32, #tpu.memory_space<vmem>> -> memref<32x128xf32, #tpu.memory_space<vmem>>
      %dma_wait3A_731 = arith.constant 0 : i32
      %dma_wait3A_732 = arith.constant 0 : i32
      %dma_wait3A_733 = tpu.memref_slice %arg4[%dma_wait3A_731, %dma_wait3A_732] : memref<32x1000000xf32, #tpu.memory_space<hbm>> -> memref<32x128xf32, #tpu.memory_space<hbm>>
      %dma_wait3A_734 = arith.constant 0 : i32
      %dma_wait3A_735 = arith.constant 0 : i32
      %dma_wait3A_736 = tpu.memref_slice %arg10[%dma_wait3A_726, %dma_wait3A_734, %dma_wait3A_735] : memref<8x32x128xf32, #tpu.memory_space<vmem>> -> memref<1x32x128xf32, #tpu.memory_space<vmem>>
      %dma_wait3A_737 = tpu.memref_squeeze %dma_wait3A_736 : memref<1x32x128xf32, #tpu.memory_space<vmem>> -> memref<32x128xf32, #tpu.memory_space<vmem>>
      %dma_wait3A_738 = arith.constant 0 : i32
      %dma_wait3A_739 = arith.constant 0 : i32
      %dma_wait3A_740 = tpu.memref_slice %arg4[%dma_wait3A_738, %dma_wait3A_739] : memref<32x1000000xf32, #tpu.memory_space<hbm>> -> memref<32x128xf32, #tpu.memory_space<hbm>>
      tpu.wait_dma2 semaphore(%arg20 : memref<!tpu.dma_semaphore, #tpu.memory_space<semaphore_mem>>) src(%dma_wait3A_740 : memref<32x128xf32, #tpu.memory_space<hbm>>) dst(%dma_wait3A_737 : memref<32x128xf32, #tpu.memory_space<vmem>>)
      %slice3A_741 = vector.extract_strided_slice %get3A_707 {offsets = [0], sizes = [1], strides = [1]} : vector<16xi32> to vector<1xi32>
      %squeeze3A_742 = vector.extract %slice3A_741[0] : i32 from vector<1xi32>
      %jit3A_743 = arith.constant 128 : i32
      %div3A_744 = arith.divsi %squeeze3A_742, %jit3A_743 : i32
      %sign3A_745 = arith.constant 0 : i32
      %sign3A_746 = arith.cmpi sgt, %squeeze3A_742, %sign3A_745 : i32
      %sign3A_747 = arith.extui %sign3A_746 : i1 to i32
      %sign3A_748 = arith.constant 0 : i32
      %sign3A_749 = arith.cmpi slt, %squeeze3A_742, %sign3A_748 : i32
      %sign3A_750 = arith.extui %sign3A_749 : i1 to i32
      %sign3A_751 = arith.subi %sign3A_747, %sign3A_750 : i32
      %sign3A_752 = arith.constant 0 : i32
      %sign3A_753 = arith.cmpi sgt, %jit3A_743, %sign3A_752 : i32
      %sign3A_754 = arith.extui %sign3A_753 : i1 to i32
      %sign3A_755 = arith.constant 0 : i32
      %sign3A_756 = arith.cmpi slt, %jit3A_743, %sign3A_755 : i32
      %sign3A_757 = arith.extui %sign3A_756 : i1 to i32
      %sign3A_758 = arith.subi %sign3A_754, %sign3A_757 : i32
      %ne3A_759 = arith.cmpi ne, %sign3A_751, %sign3A_758 : i32
      %rem3A_760 = arith.remsi %squeeze3A_742, %jit3A_743 : i32
      %ne3A_761 = arith.constant 0 : i32
      %ne3A_762 = arith.cmpi ne, %rem3A_760, %ne3A_761 : i32
      %and3A_763 = arith.andi %ne3A_759, %ne3A_762 : i1
      %sub3A_764 = arith.constant 1 : i32
      %sub3A_765 = arith.subi %div3A_744, %sub3A_764 : i32
      %select_n3A_766 = arith.select %and3A_763, %sub3A_765, %div3A_744 : i32
      %mul3A_767 = arith.constant 128 : i32
      %mul3A_768 = arith.muli %select_n3A_766, %mul3A_767 : i32
      %multiple_of3A_769 = tpu.assume_multiple %mul3A_768, 128 : i32
      %sub3A_770 = arith.subi %squeeze3A_742, %multiple_of3A_769 : i32
      %slice3A_771 = vector.extract_strided_slice %get3A_711 {offsets = [0], sizes = [1], strides = [1]} : vector<16xi32> to vector<1xi32>
      %squeeze3A_772 = vector.extract %slice3A_771[0] : i32 from vector<1xi32>
      %jit3A_773 = arith.constant 128 : i32
      %div3A_774 = arith.divsi %squeeze3A_772, %jit3A_773 : i32
      %sign3A_775 = arith.constant 0 : i32
      %sign3A_776 = arith.cmpi sgt, %squeeze3A_772, %sign3A_775 : i32
      %sign3A_777 = arith.extui %sign3A_776 : i1 to i32
      %sign3A_778 = arith.constant 0 : i32
      %sign3A_779 = arith.cmpi slt, %squeeze3A_772, %sign3A_778 : i32
      %sign3A_780 = arith.extui %sign3A_779 : i1 to i32
      %sign3A_781 = arith.subi %sign3A_777, %sign3A_780 : i32
      %sign3A_782 = arith.constant 0 : i32
      %sign3A_783 = arith.cmpi sgt, %jit3A_773, %sign3A_782 : i32
      %sign3A_784 = arith.extui %sign3A_783 : i1 to i32
      %sign3A_785 = arith.constant 0 : i32
      %sign3A_786 = arith.cmpi slt, %jit3A_773, %sign3A_785 : i32
      %sign3A_787 = arith.extui %sign3A_786 : i1 to i32
      %sign3A_788 = arith.subi %sign3A_784, %sign3A_787 : i32
      %ne3A_789 = arith.cmpi ne, %sign3A_781, %sign3A_788 : i32
      %rem3A_790 = arith.remsi %squeeze3A_772, %jit3A_773 : i32
      %ne3A_791 = arith.constant 0 : i32
      %ne3A_792 = arith.cmpi ne, %rem3A_790, %ne3A_791 : i32
      %and3A_793 = arith.andi %ne3A_789, %ne3A_792 : i1
      %sub3A_794 = arith.constant 1 : i32
      %sub3A_795 = arith.subi %div3A_774, %sub3A_794 : i32
      %select_n3A_796 = arith.select %and3A_793, %sub3A_795, %div3A_774 : i32
      %mul3A_797 = arith.constant 128 : i32
      %mul3A_798 = arith.muli %select_n3A_796, %mul3A_797 : i32
      %multiple_of3A_799 = tpu.assume_multiple %mul3A_798, 128 : i32
      %sub3A_800 = arith.subi %squeeze3A_772, %multiple_of3A_799 : i32
      %broadcast_in_dim3A_801 = arith.constant 0 : i32
      %broadcast_in_dim3A_802 = vector.broadcast %broadcast_in_dim3A_801 : i32 to vector<16xi32>
      %broadcast_in_dim3A_803 = vector.broadcast %sub3A_770 : i32 to vector<16xi32>
      %broadcast_in_dim3A_804 = vector.broadcast %sub3A_800 : i32 to vector<16xi32>
      %gather3A = tpu.vector_load_idx %arg9[%broadcast_in_dim3A_802, %iota3A, %broadcast_in_dim3A_803] : memref<8x32x128xf32, #tpu.memory_space<vmem>>[vector<16xi32>, vector<16xi32>, vector<16xi32>], vector<16xf32>,
      %add3A_805 = arith.constant 16 : i32
      %add3A_806 = vector.broadcast %add3A_805 : i32 to vector<16xi32>
      %add3A_807 = arith.addi %iota3A, %add3A_806 : vector<16xi32>
      %gather3A_808 = tpu.vector_load_idx %arg9[%broadcast_in_dim3A_802, %add3A_807, %broadcast_in_dim3A_803] : memref<8x32x128xf32, #tpu.memory_space<vmem>>[vector<16xi32>, vector<16xi32>, vector<16xi32>], vector<16xf32>,
      %gather3A_809 = tpu.vector_load_idx %arg10[%broadcast_in_dim3A_802, %iota3A, %broadcast_in_dim3A_804] : memref<8x32x128xf32, #tpu.memory_space<vmem>>[vector<16xi32>, vector<16xi32>, vector<16xi32>], vector<16xf32>,
      %add3A_810 = arith.constant 16 : i32
      %add3A_811 = vector.broadcast %add3A_810 : i32 to vector<16xi32>
      %add3A_812 = arith.addi %iota3A, %add3A_811 : vector<16xi32>
      %gather3A_813 = tpu.vector_load_idx %arg10[%broadcast_in_dim3A_802, %add3A_812, %broadcast_in_dim3A_804] : memref<8x32x128xf32, #tpu.memory_space<vmem>>[vector<16xi32>, vector<16xi32>, vector<16xi32>], vector<16xf32>,
      %mul3A_814 = arith.mulf %gather3A, %gather3A_809 : vector<16xf32>
      %mul3A_815 = arith.mulf %gather3A_808, %gather3A_813 : vector<16xf32>
      %add3A_816 = arith.addf %mul3A_814, %mul3A_815 : vector<16xf32>
      %reduce_sum3A = arith.constant true
      %reduce_sum3A_817 = vector.broadcast %reduce_sum3A : i1 to vector<16xi1>
      %reduce_sum3A_818 = tpu.scan <sum>, %add3A_816 masked %reduce_sum3A_817 : vector<16xf32>, vector<16xi1> -> vector<16xf32>
      %reduce_sum3A_819 = vector.extract %reduce_sum3A_818[15] : f32 from vector<16xf32>
      %mul3A_820 = arith.constant 4 : i32
      %mul3A_821 = arith.muli %mul3A_703, %mul3A_820 : i32
      %add3A_822 = arith.constant 0 : i32
      %add3A_823 = arith.addi %mul3A_821, %add3A_822 : i32
      %jit3A_824 = arith.constant 16 : i32
      %eq3A = arith.constant 0 : i32
      %eq3A_825 = arith.cmpi eq, %jit3A_824, %eq3A : i32
      %jit3A_826 = arith.constant 1 : i32
      %select_n3A_827 = arith.select %eq3A_825, %jit3A_826, %jit3A_824 : i32
      %rem3A_828 = arith.remsi %add3A_823, %select_n3A_827 : i32
      %ne3A_829 = arith.constant 0 : i32
      %ne3A_830 = arith.cmpi ne, %rem3A_828, %ne3A_829 : i32
      %lt3A = arith.constant 0 : i32
      %lt3A_831 = arith.cmpi slt, %rem3A_828, %lt3A : i32
      %lt3A_832 = arith.constant 0 : i32
      %lt3A_833 = arith.cmpi slt, %select_n3A_827, %lt3A_832 : i32
      %ne3A_834 = arith.xori %lt3A_831, %lt3A_833 : i1
      %and3A_835 = arith.andi %ne3A_834, %ne3A_830 : i1
      %add3A_836 = arith.addi %rem3A_828, %select_n3A_827 : i32
      %select_n3A_837 = arith.select %and3A_835, %add3A_836, %rem3A_828 : i32
      %eq3A_838 = vector.broadcast %select_n3A_837 : i32 to vector<16xi32>
      %eq3A_839 = arith.cmpi eq, %iota3A, %eq3A_838 : vector<16xi32>
      %broadcast_in_dim3A_840 = vector.broadcast %reduce_sum3A_819 : f32 to vector<16xf32>
      %select_n3A_841 = arith.select %eq3A_839, %broadcast_in_dim3A_840, %scan3A_345 : vector<16xi1>, vector<16xf32>
      %dma_wait3A_842 = arith.constant 1 : i32
      %dma_wait3A_843 = arith.constant 0 : i32
      %dma_wait3A_844 = arith.constant 0 : i32
      %dma_wait3A_845 = tpu.memref_slice %arg9[%dma_wait3A_842, %dma_wait3A_843, %dma_wait3A_844] : memref<8x32x128xf32, #tpu.memory_space<vmem>> -> memref<1x32x128xf32, #tpu.memory_space<vmem>>
      %dma_wait3A_846 = tpu.memref_squeeze %dma_wait3A_845 : memref<1x32x128xf32, #tpu.memory_space<vmem>> -> memref<32x128xf32, #tpu.memory_space<vmem>>
      %dma_wait3A_847 = arith.constant 0 : i32
      %dma_wait3A_848 = arith.constant 0 : i32
      %dma_wait3A_849 = tpu.memref_slice %arg4[%dma_wait3A_847, %dma_wait3A_848] : memref<32x1000000xf32, #tpu.memory_space<hbm>> -> memref<32x128xf32, #tpu.memory_space<hbm>>
      %dma_wait3A_850 = arith.constant 0 : i32
      %dma_wait3A_851 = arith.constant 0 : i32
      %dma_wait3A_852 = tpu.memref_slice %arg9[%dma_wait3A_842, %dma_wait3A_850, %dma_wait3A_851] : memref<8x32x128xf32, #tpu.memory_space<vmem>> -> memref<1x32x128xf32, #tpu.memory_space<vmem>>
      %dma_wait3A_853 = tpu.memref_squeeze %dma_wait3A_852 : memref<1x32x128xf32, #tpu.memory_space<vmem>> -> memref<32x128xf32, #tpu.memory_space<vmem>>
      %dma_wait3A_854 = arith.constant 0 : i32
      %dma_wait3A_855 = arith.constant 0 : i32
      %dma_wait3A_856 = tpu.memref_slice %arg4[%dma_wait3A_854, %dma_wait3A_855] : memref<32x1000000xf32, #tpu.memory_space<hbm>> -> memref<32x128xf32, #tpu.memory_space<hbm>>
      tpu.wait_dma2 semaphore(%arg13 : memref<!tpu.dma_semaphore, #tpu.memory_space<semaphore_mem>>) src(%dma_wait3A_856 : memref<32x128xf32, #tpu.memory_space<hbm>>) dst(%dma_wait3A_853 : memref<32x128xf32, #tpu.memory_space<vmem>>)
      %dma_wait3A_857 = arith.constant 1 : i32
      %dma_wait3A_858 = arith.constant 0 : i32
      %dma_wait3A_859 = arith.constant 0 : i32
      %dma_wait3A_860 = tpu.memref_slice %arg10[%dma_wait3A_857, %dma_wait3A_858, %dma_wait3A_859] : memref<8x32x128xf32, #tpu.memory_space<vmem>> -> memref<1x32x128xf32, #tpu.memory_space<vmem>>
      %dma_wait3A_861 = tpu.memref_squeeze %dma_wait3A_860 : memref<1x32x128xf32, #tpu.memory_space<vmem>> -> memref<32x128xf32, #tpu.memory_space<vmem>>
      %dma_wait3A_862 = arith.constant 0 : i32
      %dma_wait3A_863 = arith.constant 0 : i32
      %dma_wait3A_864 = tpu.memref_slice %arg4[%dma_wait3A_862, %dma_wait3A_863] : memref<32x1000000xf32, #tpu.memory_space<hbm>> -> memref<32x128xf32, #tpu.memory_space<hbm>>
      %dma_wait3A_865 = arith.constant 0 : i32
      %dma_wait3A_866 = arith.constant 0 : i32
      %dma_wait3A_867 = tpu.memref_slice %arg10[%dma_wait3A_857, %dma_wait3A_865, %dma_wait3A_866] : memref<8x32x128xf32, #tpu.memory_space<vmem>> -> memref<1x32x128xf32, #tpu.memory_space<vmem>>
      %dma_wait3A_868 = tpu.memref_squeeze %dma_wait3A_867 : memref<1x32x128xf32, #tpu.memory_space<vmem>> -> memref<32x128xf32, #tpu.memory_space<vmem>>
      %dma_wait3A_869 = arith.constant 0 : i32
      %dma_wait3A_870 = arith.constant 0 : i32
      %dma_wait3A_871 = tpu.memref_slice %arg4[%dma_wait3A_869, %dma_wait3A_870] : memref<32x1000000xf32, #tpu.memory_space<hbm>> -> memref<32x128xf32, #tpu.memory_space<hbm>>
      tpu.wait_dma2 semaphore(%arg21 : memref<!tpu.dma_semaphore, #tpu.memory_space<semaphore_mem>>) src(%dma_wait3A_871 : memref<32x128xf32, #tpu.memory_space<hbm>>) dst(%dma_wait3A_868 : memref<32x128xf32, #tpu.memory_space<vmem>>)
      %slice3A_872 = vector.extract_strided_slice %get3A_707 {offsets = [1], sizes = [1], strides = [1]} : vector<16xi32> to vector<1xi32>
      %squeeze3A_873 = vector.extract %slice3A_872[0] : i32 from vector<1xi32>
      %jit3A_874 = arith.constant 128 : i32
      %div3A_875 = arith.divsi %squeeze3A_873, %jit3A_874 : i32
      %sign3A_876 = arith.constant 0 : i32
      %sign3A_877 = arith.cmpi sgt, %squeeze3A_873, %sign3A_876 : i32
      %sign3A_878 = arith.extui %sign3A_877 : i1 to i32
      %sign3A_879 = arith.constant 0 : i32
      %sign3A_880 = arith.cmpi slt, %squeeze3A_873, %sign3A_879 : i32
      %sign3A_881 = arith.extui %sign3A_880 : i1 to i32
      %sign3A_882 = arith.subi %sign3A_878, %sign3A_881 : i32
      %sign3A_883 = arith.constant 0 : i32
      %sign3A_884 = arith.cmpi sgt, %jit3A_874, %sign3A_883 : i32
      %sign3A_885 = arith.extui %sign3A_884 : i1 to i32
      %sign3A_886 = arith.constant 0 : i32
      %sign3A_887 = arith.cmpi slt, %jit3A_874, %sign3A_886 : i32
      %sign3A_888 = arith.extui %sign3A_887 : i1 to i32
      %sign3A_889 = arith.subi %sign3A_885, %sign3A_888 : i32
      %ne3A_890 = arith.cmpi ne, %sign3A_882, %sign3A_889 : i32
      %rem3A_891 = arith.remsi %squeeze3A_873, %jit3A_874 : i32
      %ne3A_892 = arith.constant 0 : i32
      %ne3A_893 = arith.cmpi ne, %rem3A_891, %ne3A_892 : i32
      %and3A_894 = arith.andi %ne3A_890, %ne3A_893 : i1
      %sub3A_895 = arith.constant 1 : i32
      %sub3A_896 = arith.subi %div3A_875, %sub3A_895 : i32
      %select_n3A_897 = arith.select %and3A_894, %sub3A_896, %div3A_875 : i32
      %mul3A_898 = arith.constant 128 : i32
      %mul3A_899 = arith.muli %select_n3A_897, %mul3A_898 : i32
      %multiple_of3A_900 = tpu.assume_multiple %mul3A_899, 128 : i32
      %sub3A_901 = arith.subi %squeeze3A_873, %multiple_of3A_900 : i32
      %slice3A_902 = vector.extract_strided_slice %get3A_711 {offsets = [1], sizes = [1], strides = [1]} : vector<16xi32> to vector<1xi32>
      %squeeze3A_903 = vector.extract %slice3A_902[0] : i32 from vector<1xi32>
      %jit3A_904 = arith.constant 128 : i32
      %div3A_905 = arith.divsi %squeeze3A_903, %jit3A_904 : i32
      %sign3A_906 = arith.constant 0 : i32
      %sign3A_907 = arith.cmpi sgt, %squeeze3A_903, %sign3A_906 : i32
      %sign3A_908 = arith.extui %sign3A_907 : i1 to i32
      %sign3A_909 = arith.constant 0 : i32
      %sign3A_910 = arith.cmpi slt, %squeeze3A_903, %sign3A_909 : i32
      %sign3A_911 = arith.extui %sign3A_910 : i1 to i32
      %sign3A_912 = arith.subi %sign3A_908, %sign3A_911 : i32
      %sign3A_913 = arith.constant 0 : i32
      %sign3A_914 = arith.cmpi sgt, %jit3A_904, %sign3A_913 : i32
      %sign3A_915 = arith.extui %sign3A_914 : i1 to i32
      %sign3A_916 = arith.constant 0 : i32
      %sign3A_917 = arith.cmpi slt, %jit3A_904, %sign3A_916 : i32
      %sign3A_918 = arith.extui %sign3A_917 : i1 to i32
      %sign3A_919 = arith.subi %sign3A_915, %sign3A_918 : i32
      %ne3A_920 = arith.cmpi ne, %sign3A_912, %sign3A_919 : i32
      %rem3A_921 = arith.remsi %squeeze3A_903, %jit3A_904 : i32
      %ne3A_922 = arith.constant 0 : i32
      %ne3A_923 = arith.cmpi ne, %rem3A_921, %ne3A_922 : i32
      %and3A_924 = arith.andi %ne3A_920, %ne3A_923 : i1
      %sub3A_925 = arith.constant 1 : i32
      %sub3A_926 = arith.subi %div3A_905, %sub3A_925 : i32
      %select_n3A_927 = arith.select %and3A_924, %sub3A_926, %div3A_905 : i32
      %mul3A_928 = arith.constant 128 : i32
      %mul3A_929 = arith.muli %select_n3A_927, %mul3A_928 : i32
      %multiple_of3A_930 = tpu.assume_multiple %mul3A_929, 128 : i32
      %sub3A_931 = arith.subi %squeeze3A_903, %multiple_of3A_930 : i32
      %broadcast_in_dim3A_932 = arith.constant 1 : i32
      %broadcast_in_dim3A_933 = vector.broadcast %broadcast_in_dim3A_932 : i32 to vector<16xi32>
      %broadcast_in_dim3A_934 = vector.broadcast %sub3A_901 : i32 to vector<16xi32>
      %broadcast_in_dim3A_935 = vector.broadcast %sub3A_931 : i32 to vector<16xi32>
      %gather3A_936 = tpu.vector_load_idx %arg9[%broadcast_in_dim3A_933, %iota3A, %broadcast_in_dim3A_934] : memref<8x32x128xf32, #tpu.memory_space<vmem>>[vector<16xi32>, vector<16xi32>, vector<16xi32>], vector<16xf32>,
      %add3A_937 = arith.constant 16 : i32
      %add3A_938 = vector.broadcast %add3A_937 : i32 to vector<16xi32>
      %add3A_939 = arith.addi %iota3A, %add3A_938 : vector<16xi32>
      %gather3A_940 = tpu.vector_load_idx %arg9[%broadcast_in_dim3A_933, %add3A_939, %broadcast_in_dim3A_934] : memref<8x32x128xf32, #tpu.memory_space<vmem>>[vector<16xi32>, vector<16xi32>, vector<16xi32>], vector<16xf32>,
      %gather3A_941 = tpu.vector_load_idx %arg10[%broadcast_in_dim3A_933, %iota3A, %broadcast_in_dim3A_935] : memref<8x32x128xf32, #tpu.memory_space<vmem>>[vector<16xi32>, vector<16xi32>, vector<16xi32>], vector<16xf32>,
      %add3A_942 = arith.constant 16 : i32
      %add3A_943 = vector.broadcast %add3A_942 : i32 to vector<16xi32>
      %add3A_944 = arith.addi %iota3A, %add3A_943 : vector<16xi32>
      %gather3A_945 = tpu.vector_load_idx %arg10[%broadcast_in_dim3A_933, %add3A_944, %broadcast_in_dim3A_935] : memref<8x32x128xf32, #tpu.memory_space<vmem>>[vector<16xi32>, vector<16xi32>, vector<16xi32>], vector<16xf32>,
      %mul3A_946 = arith.mulf %gather3A_936, %gather3A_941 : vector<16xf32>
      %mul3A_947 = arith.mulf %gather3A_940, %gather3A_945 : vector<16xf32>
      %add3A_948 = arith.addf %mul3A_946, %mul3A_947 : vector<16xf32>
      %reduce_sum3A_949 = arith.constant true
      %reduce_sum3A_950 = vector.broadcast %reduce_sum3A_949 : i1 to vector<16xi1>
      %reduce_sum3A_951 = tpu.scan <sum>, %add3A_948 masked %reduce_sum3A_950 : vector<16xf32>, vector<16xi1> -> vector<16xf32>
      %reduce_sum3A_952 = vector.extract %reduce_sum3A_951[15] : f32 from vector<16xf32>
      %mul3A_953 = arith.constant 4 : i32
      %mul3A_954 = arith.muli %mul3A_703, %mul3A_953 : i32
      %add3A_955 = arith.constant 1 : i32
      %add3A_956 = arith.addi %mul3A_954, %add3A_955 : i32
      %jit3A_957 = arith.constant 16 : i32
      %eq3A_958 = arith.constant 0 : i32
      %eq3A_959 = arith.cmpi eq, %jit3A_957, %eq3A_958 : i32
      %jit3A_960 = arith.constant 1 : i32
      %select_n3A_961 = arith.select %eq3A_959, %jit3A_960, %jit3A_957 : i32
      %rem3A_962 = arith.remsi %add3A_956, %select_n3A_961 : i32
      %ne3A_963 = arith.constant 0 : i32
      %ne3A_964 = arith.cmpi ne, %rem3A_962, %ne3A_963 : i32
      %lt3A_965 = arith.constant 0 : i32
      %lt3A_966 = arith.cmpi slt, %rem3A_962, %lt3A_965 : i32
      %lt3A_967 = arith.constant 0 : i32
      %lt3A_968 = arith.cmpi slt, %select_n3A_961, %lt3A_967 : i32
      %ne3A_969 = arith.xori %lt3A_966, %lt3A_968 : i1
      %and3A_970 = arith.andi %ne3A_969, %ne3A_964 : i1
      %add3A_971 = arith.addi %rem3A_962, %select_n3A_961 : i32
      %select_n3A_972 = arith.select %and3A_970, %add3A_971, %rem3A_962 : i32
      %eq3A_973 = vector.broadcast %select_n3A_972 : i32 to vector<16xi32>
      %eq3A_974 = arith.cmpi eq, %iota3A, %eq3A_973 : vector<16xi32>
      %broadcast_in_dim3A_975 = vector.broadcast %reduce_sum3A_952 : f32 to vector<16xf32>
      %select_n3A_976 = arith.select %eq3A_974, %broadcast_in_dim3A_975, %select_n3A_841 : vector<16xi1>, vector<16xf32>
      %dma_wait3A_977 = arith.constant 2 : i32
      %dma_wait3A_978 = arith.constant 0 : i32
      %dma_wait3A_979 = arith.constant 0 : i32
      %dma_wait3A_980 = tpu.memref_slice %arg9[%dma_wait3A_977, %dma_wait3A_978, %dma_wait3A_979] : memref<8x32x128xf32, #tpu.memory_space<vmem>> -> memref<1x32x128xf32, #tpu.memory_space<vmem>>
      %dma_wait3A_981 = tpu.memref_squeeze %dma_wait3A_980 : memref<1x32x128xf32, #tpu.memory_space<vmem>> -> memref<32x128xf32, #tpu.memory_space<vmem>>
      %dma_wait3A_982 = arith.constant 0 : i32
      %dma_wait3A_983 = arith.constant 0 : i32
      %dma_wait3A_984 = tpu.memref_slice %arg4[%dma_wait3A_982, %dma_wait3A_983] : memref<32x1000000xf32, #tpu.memory_space<hbm>> -> memref<32x128xf32, #tpu.memory_space<hbm>>
      %dma_wait3A_985 = arith.constant 0 : i32
      %dma_wait3A_986 = arith.constant 0 : i32
      %dma_wait3A_987 = tpu.memref_slice %arg9[%dma_wait3A_977, %dma_wait3A_985, %dma_wait3A_986] : memref<8x32x128xf32, #tpu.memory_space<vmem>> -> memref<1x32x128xf32, #tpu.memory_space<vmem>>
      %dma_wait3A_988 = tpu.memref_squeeze %dma_wait3A_987 : memref<1x32x128xf32, #tpu.memory_space<vmem>> -> memref<32x128xf32, #tpu.memory_space<vmem>>
      %dma_wait3A_989 = arith.constant 0 : i32
      %dma_wait3A_990 = arith.constant 0 : i32
      %dma_wait3A_991 = tpu.memref_slice %arg4[%dma_wait3A_989, %dma_wait3A_990] : memref<32x1000000xf32, #tpu.memory_space<hbm>> -> memref<32x128xf32, #tpu.memory_space<hbm>>
      tpu.wait_dma2 semaphore(%arg14 : memref<!tpu.dma_semaphore, #tpu.memory_space<semaphore_mem>>) src(%dma_wait3A_991 : memref<32x128xf32, #tpu.memory_space<hbm>>) dst(%dma_wait3A_988 : memref<32x128xf32, #tpu.memory_space<vmem>>)
      %dma_wait3A_992 = arith.constant 2 : i32
      %dma_wait3A_993 = arith.constant 0 : i32
      %dma_wait3A_994 = arith.constant 0 : i32
      %dma_wait3A_995 = tpu.memref_slice %arg10[%dma_wait3A_992, %dma_wait3A_993, %dma_wait3A_994] : memref<8x32x128xf32, #tpu.memory_space<vmem>> -> memref<1x32x128xf32, #tpu.memory_space<vmem>>
      %dma_wait3A_996 = tpu.memref_squeeze %dma_wait3A_995 : memref<1x32x128xf32, #tpu.memory_space<vmem>> -> memref<32x128xf32, #tpu.memory_space<vmem>>
      %dma_wait3A_997 = arith.constant 0 : i32
      %dma_wait3A_998 = arith.constant 0 : i32
      %dma_wait3A_999 = tpu.memref_slice %arg4[%dma_wait3A_997, %dma_wait3A_998] : memref<32x1000000xf32, #tpu.memory_space<hbm>> -> memref<32x128xf32, #tpu.memory_space<hbm>>
      %dma_wait3A_1000 = arith.constant 0 : i32
      %dma_wait3A_1001 = arith.constant 0 : i32
      %dma_wait3A_1002 = tpu.memref_slice %arg10[%dma_wait3A_992, %dma_wait3A_1000, %dma_wait3A_1001] : memref<8x32x128xf32, #tpu.memory_space<vmem>> -> memref<1x32x128xf32, #tpu.memory_space<vmem>>
      %dma_wait3A_1003 = tpu.memref_squeeze %dma_wait3A_1002 : memref<1x32x128xf32, #tpu.memory_space<vmem>> -> memref<32x128xf32, #tpu.memory_space<vmem>>
      %dma_wait3A_1004 = arith.constant 0 : i32
      %dma_wait3A_1005 = arith.constant 0 : i32
      %dma_wait3A_1006 = tpu.memref_slice %arg4[%dma_wait3A_1004, %dma_wait3A_1005] : memref<32x1000000xf32, #tpu.memory_space<hbm>> -> memref<32x128xf32, #tpu.memory_space<hbm>>
      tpu.wait_dma2 semaphore(%arg22 : memref<!tpu.dma_semaphore, #tpu.memory_space<semaphore_mem>>) src(%dma_wait3A_1006 : memref<32x128xf32, #tpu.memory_space<hbm>>) dst(%dma_wait3A_1003 : memref<32x128xf32, #tpu.memory_space<vmem>>)
      %slice3A_1007 = vector.extract_strided_slice %get3A_707 {offsets = [2], sizes = [1], strides = [1]} : vector<16xi32> to vector<1xi32>
      %squeeze3A_1008 = vector.extract %slice3A_1007[0] : i32 from vector<1xi32>
      %jit3A_1009 = arith.constant 128 : i32
      %div3A_1010 = arith.divsi %squeeze3A_1008, %jit3A_1009 : i32
      %sign3A_1011 = arith.constant 0 : i32
      %sign3A_1012 = arith.cmpi sgt, %squeeze3A_1008, %sign3A_1011 : i32
      %sign3A_1013 = arith.extui %sign3A_1012 : i1 to i32
      %sign3A_1014 = arith.constant 0 : i32
      %sign3A_1015 = arith.cmpi slt, %squeeze3A_1008, %sign3A_1014 : i32
      %sign3A_1016 = arith.extui %sign3A_1015 : i1 to i32
      %sign3A_1017 = arith.subi %sign3A_1013, %sign3A_1016 : i32
      %sign3A_1018 = arith.constant 0 : i32
      %sign3A_1019 = arith.cmpi sgt, %jit3A_1009, %sign3A_1018 : i32
      %sign3A_1020 = arith.extui %sign3A_1019 : i1 to i32
      %sign3A_1021 = arith.constant 0 : i32
      %sign3A_1022 = arith.cmpi slt, %jit3A_1009, %sign3A_1021 : i32
      %sign3A_1023 = arith.extui %sign3A_1022 : i1 to i32
      %sign3A_1024 = arith.subi %sign3A_1020, %sign3A_1023 : i32
      %ne3A_1025 = arith.cmpi ne, %sign3A_1017, %sign3A_1024 : i32
      %rem3A_1026 = arith.remsi %squeeze3A_1008, %jit3A_1009 : i32
      %ne3A_1027 = arith.constant 0 : i32
      %ne3A_1028 = arith.cmpi ne, %rem3A_1026, %ne3A_1027 : i32
      %and3A_1029 = arith.andi %ne3A_1025, %ne3A_1028 : i1
      %sub3A_1030 = arith.constant 1 : i32
      %sub3A_1031 = arith.subi %div3A_1010, %sub3A_1030 : i32
      %select_n3A_1032 = arith.select %and3A_1029, %sub3A_1031, %div3A_1010 : i32
      %mul3A_1033 = arith.constant 128 : i32
      %mul3A_1034 = arith.muli %select_n3A_1032, %mul3A_1033 : i32
      %multiple_of3A_1035 = tpu.assume_multiple %mul3A_1034, 128 : i32
      %sub3A_1036 = arith.subi %squeeze3A_1008, %multiple_of3A_1035 : i32
      %slice3A_1037 = vector.extract_strided_slice %get3A_711 {offsets = [2], sizes = [1], strides = [1]} : vector<16xi32> to vector<1xi32>
      %squeeze3A_1038 = vector.extract %slice3A_1037[0] : i32 from vector<1xi32>
      %jit3A_1039 = arith.constant 128 : i32
      %div3A_1040 = arith.divsi %squeeze3A_1038, %jit3A_1039 : i32
      %sign3A_1041 = arith.constant 0 : i32
      %sign3A_1042 = arith.cmpi sgt, %squeeze3A_1038, %sign3A_1041 : i32
      %sign3A_1043 = arith.extui %sign3A_1042 : i1 to i32
      %sign3A_1044 = arith.constant 0 : i32
      %sign3A_1045 = arith.cmpi slt, %squeeze3A_1038, %sign3A_1044 : i32
      %sign3A_1046 = arith.extui %sign3A_1045 : i1 to i32
      %sign3A_1047 = arith.subi %sign3A_1043, %sign3A_1046 : i32
      %sign3A_1048 = arith.constant 0 : i32
      %sign3A_1049 = arith.cmpi sgt, %jit3A_1039, %sign3A_1048 : i32
      %sign3A_1050 = arith.extui %sign3A_1049 : i1 to i32
      %sign3A_1051 = arith.constant 0 : i32
      %sign3A_1052 = arith.cmpi slt, %jit3A_1039, %sign3A_1051 : i32
      %sign3A_1053 = arith.extui %sign3A_1052 : i1 to i32
      %sign3A_1054 = arith.subi %sign3A_1050, %sign3A_1053 : i32
      %ne3A_1055 = arith.cmpi ne, %sign3A_1047, %sign3A_1054 : i32
      %rem3A_1056 = arith.remsi %squeeze3A_1038, %jit3A_1039 : i32
      %ne3A_1057 = arith.constant 0 : i32
      %ne3A_1058 = arith.cmpi ne, %rem3A_1056, %ne3A_1057 : i32
      %and3A_1059 = arith.andi %ne3A_1055, %ne3A_1058 : i1
      %sub3A_1060 = arith.constant 1 : i32
      %sub3A_1061 = arith.subi %div3A_1040, %sub3A_1060 : i32
      %select_n3A_1062 = arith.select %and3A_1059, %sub3A_1061, %div3A_1040 : i32
      %mul3A_1063 = arith.constant 128 : i32
      %mul3A_1064 = arith.muli %select_n3A_1062, %mul3A_1063 : i32
      %multiple_of3A_1065 = tpu.assume_multiple %mul3A_1064, 128 : i32
      %sub3A_1066 = arith.subi %squeeze3A_1038, %multiple_of3A_1065 : i32
      %broadcast_in_dim3A_1067 = arith.constant 2 : i32
      %broadcast_in_dim3A_1068 = vector.broadcast %broadcast_in_dim3A_1067 : i32 to vector<16xi32>
      %broadcast_in_dim3A_1069 = vector.broadcast %sub3A_1036 : i32 to vector<16xi32>
      %broadcast_in_dim3A_1070 = vector.broadcast %sub3A_1066 : i32 to vector<16xi32>
      %gather3A_1071 = tpu.vector_load_idx %arg9[%broadcast_in_dim3A_1068, %iota3A, %broadcast_in_dim3A_1069] : memref<8x32x128xf32, #tpu.memory_space<vmem>>[vector<16xi32>, vector<16xi32>, vector<16xi32>], vector<16xf32>,
      %add3A_1072 = arith.constant 16 : i32
      %add3A_1073 = vector.broadcast %add3A_1072 : i32 to vector<16xi32>
      %add3A_1074 = arith.addi %iota3A, %add3A_1073 : vector<16xi32>
      %gather3A_1075 = tpu.vector_load_idx %arg9[%broadcast_in_dim3A_1068, %add3A_1074, %broadcast_in_dim3A_1069] : memref<8x32x128xf32, #tpu.memory_space<vmem>>[vector<16xi32>, vector<16xi32>, vector<16xi32>], vector<16xf32>,
      %gather3A_1076 = tpu.vector_load_idx %arg10[%broadcast_in_dim3A_1068, %iota3A, %broadcast_in_dim3A_1070] : memref<8x32x128xf32, #tpu.memory_space<vmem>>[vector<16xi32>, vector<16xi32>, vector<16xi32>], vector<16xf32>,
      %add3A_1077 = arith.constant 16 : i32
      %add3A_1078 = vector.broadcast %add3A_1077 : i32 to vector<16xi32>
      %add3A_1079 = arith.addi %iota3A, %add3A_1078 : vector<16xi32>
      %gather3A_1080 = tpu.vector_load_idx %arg10[%broadcast_in_dim3A_1068, %add3A_1079, %broadcast_in_dim3A_1070] : memref<8x32x128xf32, #tpu.memory_space<vmem>>[vector<16xi32>, vector<16xi32>, vector<16xi32>], vector<16xf32>,
      %mul3A_1081 = arith.mulf %gather3A_1071, %gather3A_1076 : vector<16xf32>
      %mul3A_1082 = arith.mulf %gather3A_1075, %gather3A_1080 : vector<16xf32>
      %add3A_1083 = arith.addf %mul3A_1081, %mul3A_1082 : vector<16xf32>
      %reduce_sum3A_1084 = arith.constant true
      %reduce_sum3A_1085 = vector.broadcast %reduce_sum3A_1084 : i1 to vector<16xi1>
      %reduce_sum3A_1086 = tpu.scan <sum>, %add3A_1083 masked %reduce_sum3A_1085 : vector<16xf32>, vector<16xi1> -> vector<16xf32>
      %reduce_sum3A_1087 = vector.extract %reduce_sum3A_1086[15] : f32 from vector<16xf32>
      %mul3A_1088 = arith.constant 4 : i32
      %mul3A_1089 = arith.muli %mul3A_703, %mul3A_1088 : i32
      %add3A_1090 = arith.constant 2 : i32
      %add3A_1091 = arith.addi %mul3A_1089, %add3A_1090 : i32
      %jit3A_1092 = arith.constant 16 : i32
      %eq3A_1093 = arith.constant 0 : i32
      %eq3A_1094 = arith.cmpi eq, %jit3A_1092, %eq3A_1093 : i32
      %jit3A_1095 = arith.constant 1 : i32
      %select_n3A_1096 = arith.select %eq3A_1094, %jit3A_1095, %jit3A_1092 : i32
      %rem3A_1097 = arith.remsi %add3A_1091, %select_n3A_1096 : i32
      %ne3A_1098 = arith.constant 0 : i32
      %ne3A_1099 = arith.cmpi ne, %rem3A_1097, %ne3A_1098 : i32
      %lt3A_1100 = arith.constant 0 : i32
      %lt3A_1101 = arith.cmpi slt, %rem3A_1097, %lt3A_1100 : i32
      %lt3A_1102 = arith.constant 0 : i32
      %lt3A_1103 = arith.cmpi slt, %select_n3A_1096, %lt3A_1102 : i32
      %ne3A_1104 = arith.xori %lt3A_1101, %lt3A_1103 : i1
      %and3A_1105 = arith.andi %ne3A_1104, %ne3A_1099 : i1
      %add3A_1106 = arith.addi %rem3A_1097, %select_n3A_1096 : i32
      %select_n3A_1107 = arith.select %and3A_1105, %add3A_1106, %rem3A_1097 : i32
      %eq3A_1108 = vector.broadcast %select_n3A_1107 : i32 to vector<16xi32>
      %eq3A_1109 = arith.cmpi eq, %iota3A, %eq3A_1108 : vector<16xi32>
      %broadcast_in_dim3A_1110 = vector.broadcast %reduce_sum3A_1087 : f32 to vector<16xf32>
      %select_n3A_1111 = arith.select %eq3A_1109, %broadcast_in_dim3A_1110, %select_n3A_976 : vector<16xi1>, vector<16xf32>
      %dma_wait3A_1112 = arith.constant 3 : i32
      %dma_wait3A_1113 = arith.constant 0 : i32
      %dma_wait3A_1114 = arith.constant 0 : i32
      %dma_wait3A_1115 = tpu.memref_slice %arg9[%dma_wait3A_1112, %dma_wait3A_1113, %dma_wait3A_1114] : memref<8x32x128xf32, #tpu.memory_space<vmem>> -> memref<1x32x128xf32, #tpu.memory_space<vmem>>
      %dma_wait3A_1116 = tpu.memref_squeeze %dma_wait3A_1115 : memref<1x32x128xf32, #tpu.memory_space<vmem>> -> memref<32x128xf32, #tpu.memory_space<vmem>>
      %dma_wait3A_1117 = arith.constant 0 : i32
      %dma_wait3A_1118 = arith.constant 0 : i32
      %dma_wait3A_1119 = tpu.memref_slice %arg4[%dma_wait3A_1117, %dma_wait3A_1118] : memref<32x1000000xf32, #tpu.memory_space<hbm>> -> memref<32x128xf32, #tpu.memory_space<hbm>>
      %dma_wait3A_1120 = arith.constant 0 : i32
      %dma_wait3A_1121 = arith.constant 0 : i32
      %dma_wait3A_1122 = tpu.memref_slice %arg9[%dma_wait3A_1112, %dma_wait3A_1120, %dma_wait3A_1121] : memref<8x32x128xf32, #tpu.memory_space<vmem>> -> memref<1x32x128xf32, #tpu.memory_space<vmem>>
      %dma_wait3A_1123 = tpu.memref_squeeze %dma_wait3A_1122 : memref<1x32x128xf32, #tpu.memory_space<vmem>> -> memref<32x128xf32, #tpu.memory_space<vmem>>
      %dma_wait3A_1124 = arith.constant 0 : i32
      %dma_wait3A_1125 = arith.constant 0 : i32
      %dma_wait3A_1126 = tpu.memref_slice %arg4[%dma_wait3A_1124, %dma_wait3A_1125] : memref<32x1000000xf32, #tpu.memory_space<hbm>> -> memref<32x128xf32, #tpu.memory_space<hbm>>
      tpu.wait_dma2 semaphore(%arg15 : memref<!tpu.dma_semaphore, #tpu.memory_space<semaphore_mem>>) src(%dma_wait3A_1126 : memref<32x128xf32, #tpu.memory_space<hbm>>) dst(%dma_wait3A_1123 : memref<32x128xf32, #tpu.memory_space<vmem>>)
      %dma_wait3A_1127 = arith.constant 3 : i32
      %dma_wait3A_1128 = arith.constant 0 : i32
      %dma_wait3A_1129 = arith.constant 0 : i32
      %dma_wait3A_1130 = tpu.memref_slice %arg10[%dma_wait3A_1127, %dma_wait3A_1128, %dma_wait3A_1129] : memref<8x32x128xf32, #tpu.memory_space<vmem>> -> memref<1x32x128xf32, #tpu.memory_space<vmem>>
      %dma_wait3A_1131 = tpu.memref_squeeze %dma_wait3A_1130 : memref<1x32x128xf32, #tpu.memory_space<vmem>> -> memref<32x128xf32, #tpu.memory_space<vmem>>
      %dma_wait3A_1132 = arith.constant 0 : i32
      %dma_wait3A_1133 = arith.constant 0 : i32
      %dma_wait3A_1134 = tpu.memref_slice %arg4[%dma_wait3A_1132, %dma_wait3A_1133] : memref<32x1000000xf32, #tpu.memory_space<hbm>> -> memref<32x128xf32, #tpu.memory_space<hbm>>
      %dma_wait3A_1135 = arith.constant 0 : i32
      %dma_wait3A_1136 = arith.constant 0 : i32
      %dma_wait3A_1137 = tpu.memref_slice %arg10[%dma_wait3A_1127, %dma_wait3A_1135, %dma_wait3A_1136] : memref<8x32x128xf32, #tpu.memory_space<vmem>> -> memref<1x32x128xf32, #tpu.memory_space<vmem>>
      %dma_wait3A_1138 = tpu.memref_squeeze %dma_wait3A_1137 : memref<1x32x128xf32, #tpu.memory_space<vmem>> -> memref<32x128xf32, #tpu.memory_space<vmem>>
      %dma_wait3A_1139 = arith.constant 0 : i32
      %dma_wait3A_1140 = arith.constant 0 : i32
      %dma_wait3A_1141 = tpu.memref_slice %arg4[%dma_wait3A_1139, %dma_wait3A_1140] : memref<32x1000000xf32, #tpu.memory_space<hbm>> -> memref<32x128xf32, #tpu.memory_space<hbm>>
      tpu.wait_dma2 semaphore(%arg23 : memref<!tpu.dma_semaphore, #tpu.memory_space<semaphore_mem>>) src(%dma_wait3A_1141 : memref<32x128xf32, #tpu.memory_space<hbm>>) dst(%dma_wait3A_1138 : memref<32x128xf32, #tpu.memory_space<vmem>>)
      %slice3A_1142 = vector.extract_strided_slice %get3A_707 {offsets = [3], sizes = [1], strides = [1]} : vector<16xi32> to vector<1xi32>
      %squeeze3A_1143 = vector.extract %slice3A_1142[0] : i32 from vector<1xi32>
      %jit3A_1144 = arith.constant 128 : i32
      %div3A_1145 = arith.divsi %squeeze3A_1143, %jit3A_1144 : i32
      %sign3A_1146 = arith.constant 0 : i32
      %sign3A_1147 = arith.cmpi sgt, %squeeze3A_1143, %sign3A_1146 : i32
      %sign3A_1148 = arith.extui %sign3A_1147 : i1 to i32
      %sign3A_1149 = arith.constant 0 : i32
      %sign3A_1150 = arith.cmpi slt, %squeeze3A_1143, %sign3A_1149 : i32
      %sign3A_1151 = arith.extui %sign3A_1150 : i1 to i32
      %sign3A_1152 = arith.subi %sign3A_1148, %sign3A_1151 : i32
      %sign3A_1153 = arith.constant 0 : i32
      %sign3A_1154 = arith.cmpi sgt, %jit3A_1144, %sign3A_1153 : i32
      %sign3A_1155 = arith.extui %sign3A_1154 : i1 to i32
      %sign3A_1156 = arith.constant 0 : i32
      %sign3A_1157 = arith.cmpi slt, %jit3A_1144, %sign3A_1156 : i32
      %sign3A_1158 = arith.extui %sign3A_1157 : i1 to i32
      %sign3A_1159 = arith.subi %sign3A_1155, %sign3A_1158 : i32
      %ne3A_1160 = arith.cmpi ne, %sign3A_1152, %sign3A_1159 : i32
      %rem3A_1161 = arith.remsi %squeeze3A_1143, %jit3A_1144 : i32
      %ne3A_1162 = arith.constant 0 : i32
      %ne3A_1163 = arith.cmpi ne, %rem3A_1161, %ne3A_1162 : i32
      %and3A_1164 = arith.andi %ne3A_1160, %ne3A_1163 : i1
      %sub3A_1165 = arith.constant 1 : i32
      %sub3A_1166 = arith.subi %div3A_1145, %sub3A_1165 : i32
      %select_n3A_1167 = arith.select %and3A_1164, %sub3A_1166, %div3A_1145 : i32
      %mul3A_1168 = arith.constant 128 : i32
      %mul3A_1169 = arith.muli %select_n3A_1167, %mul3A_1168 : i32
      %multiple_of3A_1170 = tpu.assume_multiple %mul3A_1169, 128 : i32
      %sub3A_1171 = arith.subi %squeeze3A_1143, %multiple_of3A_1170 : i32
      %slice3A_1172 = vector.extract_strided_slice %get3A_711 {offsets = [3], sizes = [1], strides = [1]} : vector<16xi32> to vector<1xi32>
      %squeeze3A_1173 = vector.extract %slice3A_1172[0] : i32 from vector<1xi32>
      %jit3A_1174 = arith.constant 128 : i32
      %div3A_1175 = arith.divsi %squeeze3A_1173, %jit3A_1174 : i32
      %sign3A_1176 = arith.constant 0 : i32
      %sign3A_1177 = arith.cmpi sgt, %squeeze3A_1173, %sign3A_1176 : i32
      %sign3A_1178 = arith.extui %sign3A_1177 : i1 to i32
      %sign3A_1179 = arith.constant 0 : i32
      %sign3A_1180 = arith.cmpi slt, %squeeze3A_1173, %sign3A_1179 : i32
      %sign3A_1181 = arith.extui %sign3A_1180 : i1 to i32
      %sign3A_1182 = arith.subi %sign3A_1178, %sign3A_1181 : i32
      %sign3A_1183 = arith.constant 0 : i32
      %sign3A_1184 = arith.cmpi sgt, %jit3A_1174, %sign3A_1183 : i32
      %sign3A_1185 = arith.extui %sign3A_1184 : i1 to i32
      %sign3A_1186 = arith.constant 0 : i32
      %sign3A_1187 = arith.cmpi slt, %jit3A_1174, %sign3A_1186 : i32
      %sign3A_1188 = arith.extui %sign3A_1187 : i1 to i32
      %sign3A_1189 = arith.subi %sign3A_1185, %sign3A_1188 : i32
      %ne3A_1190 = arith.cmpi ne, %sign3A_1182, %sign3A_1189 : i32
      %rem3A_1191 = arith.remsi %squeeze3A_1173, %jit3A_1174 : i32
      %ne3A_1192 = arith.constant 0 : i32
      %ne3A_1193 = arith.cmpi ne, %rem3A_1191, %ne3A_1192 : i32
      %and3A_1194 = arith.andi %ne3A_1190, %ne3A_1193 : i1
      %sub3A_1195 = arith.constant 1 : i32
      %sub3A_1196 = arith.subi %div3A_1175, %sub3A_1195 : i32
      %select_n3A_1197 = arith.select %and3A_1194, %sub3A_1196, %div3A_1175 : i32
      %mul3A_1198 = arith.constant 128 : i32
      %mul3A_1199 = arith.muli %select_n3A_1197, %mul3A_1198 : i32
      %multiple_of3A_1200 = tpu.assume_multiple %mul3A_1199, 128 : i32
      %sub3A_1201 = arith.subi %squeeze3A_1173, %multiple_of3A_1200 : i32
      %broadcast_in_dim3A_1202 = arith.constant 3 : i32
      %broadcast_in_dim3A_1203 = vector.broadcast %broadcast_in_dim3A_1202 : i32 to vector<16xi32>
      %broadcast_in_dim3A_1204 = vector.broadcast %sub3A_1171 : i32 to vector<16xi32>
      %broadcast_in_dim3A_1205 = vector.broadcast %sub3A_1201 : i32 to vector<16xi32>
      %gather3A_1206 = tpu.vector_load_idx %arg9[%broadcast_in_dim3A_1203, %iota3A, %broadcast_in_dim3A_1204] : memref<8x32x128xf32, #tpu.memory_space<vmem>>[vector<16xi32>, vector<16xi32>, vector<16xi32>], vector<16xf32>,
      %add3A_1207 = arith.constant 16 : i32
      %add3A_1208 = vector.broadcast %add3A_1207 : i32 to vector<16xi32>
      %add3A_1209 = arith.addi %iota3A, %add3A_1208 : vector<16xi32>
      %gather3A_1210 = tpu.vector_load_idx %arg9[%broadcast_in_dim3A_1203, %add3A_1209, %broadcast_in_dim3A_1204] : memref<8x32x128xf32, #tpu.memory_space<vmem>>[vector<16xi32>, vector<16xi32>, vector<16xi32>], vector<16xf32>,
      %gather3A_1211 = tpu.vector_load_idx %arg10[%broadcast_in_dim3A_1203, %iota3A, %broadcast_in_dim3A_1205] : memref<8x32x128xf32, #tpu.memory_space<vmem>>[vector<16xi32>, vector<16xi32>, vector<16xi32>], vector<16xf32>,
      %add3A_1212 = arith.constant 16 : i32
      %add3A_1213 = vector.broadcast %add3A_1212 : i32 to vector<16xi32>
      %add3A_1214 = arith.addi %iota3A, %add3A_1213 : vector<16xi32>
      %gather3A_1215 = tpu.vector_load_idx %arg10[%broadcast_in_dim3A_1203, %add3A_1214, %broadcast_in_dim3A_1205] : memref<8x32x128xf32, #tpu.memory_space<vmem>>[vector<16xi32>, vector<16xi32>, vector<16xi32>], vector<16xf32>,
      %mul3A_1216 = arith.mulf %gather3A_1206, %gather3A_1211 : vector<16xf32>
      %mul3A_1217 = arith.mulf %gather3A_1210, %gather3A_1215 : vector<16xf32>
      %add3A_1218 = arith.addf %mul3A_1216, %mul3A_1217 : vector<16xf32>
      %reduce_sum3A_1219 = arith.constant true
      %reduce_sum3A_1220 = vector.broadcast %reduce_sum3A_1219 : i1 to vector<16xi1>
      %reduce_sum3A_1221 = tpu.scan <sum>, %add3A_1218 masked %reduce_sum3A_1220 : vector<16xf32>, vector<16xi1> -> vector<16xf32>
      %reduce_sum3A_1222 = vector.extract %reduce_sum3A_1221[15] : f32 from vector<16xf32>
      %mul3A_1223 = arith.constant 4 : i32
      %mul3A_1224 = arith.muli %mul3A_703, %mul3A_1223 : i32
      %add3A_1225 = arith.constant 3 : i32
      %add3A_1226 = arith.addi %mul3A_1224, %add3A_1225 : i32
      %jit3A_1227 = arith.constant 16 : i32
      %eq3A_1228 = arith.constant 0 : i32
      %eq3A_1229 = arith.cmpi eq, %jit3A_1227, %eq3A_1228 : i32
      %jit3A_1230 = arith.constant 1 : i32
      %select_n3A_1231 = arith.select %eq3A_1229, %jit3A_1230, %jit3A_1227 : i32
      %rem3A_1232 = arith.remsi %add3A_1226, %select_n3A_1231 : i32
      %ne3A_1233 = arith.constant 0 : i32
      %ne3A_1234 = arith.cmpi ne, %rem3A_1232, %ne3A_1233 : i32
      %lt3A_1235 = arith.constant 0 : i32
      %lt3A_1236 = arith.cmpi slt, %rem3A_1232, %lt3A_1235 : i32
      %lt3A_1237 = arith.constant 0 : i32
      %lt3A_1238 = arith.cmpi slt, %select_n3A_1231, %lt3A_1237 : i32
      %ne3A_1239 = arith.xori %lt3A_1236, %lt3A_1238 : i1
      %and3A_1240 = arith.andi %ne3A_1239, %ne3A_1234 : i1
      %add3A_1241 = arith.addi %rem3A_1232, %select_n3A_1231 : i32
      %select_n3A_1242 = arith.select %and3A_1240, %add3A_1241, %rem3A_1232 : i32
      %eq3A_1243 = vector.broadcast %select_n3A_1242 : i32 to vector<16xi32>
      %eq3A_1244 = arith.cmpi eq, %iota3A, %eq3A_1243 : vector<16xi32>
      %broadcast_in_dim3A_1245 = vector.broadcast %reduce_sum3A_1222 : f32 to vector<16xf32>
      %select_n3A_1246 = arith.select %eq3A_1244, %broadcast_in_dim3A_1245, %select_n3A_1111 : vector<16xi1>, vector<16xf32>
      %lt3A_1247 = arith.constant 63 : i32
      %lt3A_1248 = arith.cmpi slt, %scan3A_344, %lt3A_1247 : i32
      %convert_element_type3A = arith.extui %lt3A_1248 : i1 to i32
      %cond3A = arith.constant 0 : i32
      %cond3A_1249 = arith.cmpi ne, %convert_element_type3A, %cond3A : i32
      scf.if %cond3A_1249 {
        %mul3A_1844 = arith.constant 2 : i32
        %mul3A_1845 = arith.muli %mul3A_1844, %scan3A_344 : i32
        %add3A_1846 = arith.constant 2 : i32
        %add3A_1847 = arith.addi %mul3A_1845, %add3A_1846 : i32
        %mul3A_1848 = arith.constant 4 : i32
        %mul3A_1849 = arith.muli %add3A_1847, %mul3A_1848 : i32
        %get3A_1850 = arith.index_cast %mul3A_1849 : i32 to index
        %get3A_1851 = tpu.vector_load %arg7[%get3A_1850] {strides = array<i32>} : memref<528xi32, #tpu.memory_space<vmem>>, vector<16xi32>,
        %mul3A_1852 = arith.constant 4 : i32
        %mul3A_1853 = arith.muli %add3A_1847, %mul3A_1852 : i32
        %get3A_1854 = arith.index_cast %mul3A_1853 : i32 to index
        %get3A_1855 = tpu.vector_load %arg8[%get3A_1854] {strides = array<i32>} : memref<528xi32, #tpu.memory_space<vmem>>, vector<16xi32>,
        %slice3A_1856 = vector.extract_strided_slice %get3A_1851 {offsets = [0], sizes = [1], strides = [1]} : vector<16xi32> to vector<1xi32>
        %squeeze3A_1857 = vector.extract %slice3A_1856[0] : i32 from vector<1xi32>
        %jit3A_1858 = arith.constant 128 : i32
        %div3A_1859 = arith.divsi %squeeze3A_1857, %jit3A_1858 : i32
        %sign3A_1860 = arith.constant 0 : i32
        %sign3A_1861 = arith.cmpi sgt, %squeeze3A_1857, %sign3A_1860 : i32
        %sign3A_1862 = arith.extui %sign3A_1861 : i1 to i32
        %sign3A_1863 = arith.constant 0 : i32
        %sign3A_1864 = arith.cmpi slt, %squeeze3A_1857, %sign3A_1863 : i32
        %sign3A_1865 = arith.extui %sign3A_1864 : i1 to i32
        %sign3A_1866 = arith.subi %sign3A_1862, %sign3A_1865 : i32
        %sign3A_1867 = arith.constant 0 : i32
        %sign3A_1868 = arith.cmpi sgt, %jit3A_1858, %sign3A_1867 : i32
        %sign3A_1869 = arith.extui %sign3A_1868 : i1 to i32
        %sign3A_1870 = arith.constant 0 : i32
        %sign3A_1871 = arith.cmpi slt, %jit3A_1858, %sign3A_1870 : i32
        %sign3A_1872 = arith.extui %sign3A_1871 : i1 to i32
        %sign3A_1873 = arith.subi %sign3A_1869, %sign3A_1872 : i32
        %ne3A_1874 = arith.cmpi ne, %sign3A_1866, %sign3A_1873 : i32
        %rem3A_1875 = arith.remsi %squeeze3A_1857, %jit3A_1858 : i32
        %ne3A_1876 = arith.constant 0 : i32
        %ne3A_1877 = arith.cmpi ne, %rem3A_1875, %ne3A_1876 : i32
        %and3A_1878 = arith.andi %ne3A_1874, %ne3A_1877 : i1
        %sub3A_1879 = arith.constant 1 : i32
        %sub3A_1880 = arith.subi %div3A_1859, %sub3A_1879 : i32
        %select_n3A_1881 = arith.select %and3A_1878, %sub3A_1880, %div3A_1859 : i32
        %mul3A_1882 = arith.constant 128 : i32
        %mul3A_1883 = arith.muli %select_n3A_1881, %mul3A_1882 : i32
        %multiple_of3A_1884 = tpu.assume_multiple %mul3A_1883, 128 : i32
        %sub3A_1885 = arith.subi %squeeze3A_1857, %multiple_of3A_1884 : i32
        %slice3A_1886 = vector.extract_strided_slice %get3A_1855 {offsets = [0], sizes = [1], strides = [1]} : vector<16xi32> to vector<1xi32>
        %squeeze3A_1887 = vector.extract %slice3A_1886[0] : i32 from vector<1xi32>
        %jit3A_1888 = arith.constant 128 : i32
        %div3A_1889 = arith.divsi %squeeze3A_1887, %jit3A_1888 : i32
        %sign3A_1890 = arith.constant 0 : i32
        %sign3A_1891 = arith.cmpi sgt, %squeeze3A_1887, %sign3A_1890 : i32
        %sign3A_1892 = arith.extui %sign3A_1891 : i1 to i32
        %sign3A_1893 = arith.constant 0 : i32
        %sign3A_1894 = arith.cmpi slt, %squeeze3A_1887, %sign3A_1893 : i32
        %sign3A_1895 = arith.extui %sign3A_1894 : i1 to i32
        %sign3A_1896 = arith.subi %sign3A_1892, %sign3A_1895 : i32
        %sign3A_1897 = arith.constant 0 : i32
        %sign3A_1898 = arith.cmpi sgt, %jit3A_1888, %sign3A_1897 : i32
        %sign3A_1899 = arith.extui %sign3A_1898 : i1 to i32
        %sign3A_1900 = arith.constant 0 : i32
        %sign3A_1901 = arith.cmpi slt, %jit3A_1888, %sign3A_1900 : i32
        %sign3A_1902 = arith.extui %sign3A_1901 : i1 to i32
        %sign3A_1903 = arith.subi %sign3A_1899, %sign3A_1902 : i32
        %ne3A_1904 = arith.cmpi ne, %sign3A_1896, %sign3A_1903 : i32
        %rem3A_1905 = arith.remsi %squeeze3A_1887, %jit3A_1888 : i32
        %ne3A_1906 = arith.constant 0 : i32
        %ne3A_1907 = arith.cmpi ne, %rem3A_1905, %ne3A_1906 : i32
        %and3A_1908 = arith.andi %ne3A_1904, %ne3A_1907 : i1
        %sub3A_1909 = arith.constant 1 : i32
        %sub3A_1910 = arith.subi %div3A_1889, %sub3A_1909 : i32
        %select_n3A_1911 = arith.select %and3A_1908, %sub3A_1910, %div3A_1889 : i32
        %mul3A_1912 = arith.constant 128 : i32
        %mul3A_1913 = arith.muli %select_n3A_1911, %mul3A_1912 : i32
        %multiple_of3A_1914 = tpu.assume_multiple %mul3A_1913, 128 : i32
        %sub3A_1915 = arith.subi %squeeze3A_1887, %multiple_of3A_1914 : i32
        %dma_start3A_1916 = arith.constant 0 : i32
        %dma_start3A_1917 = arith.constant 0 : i32
        %dma_start3A_1918 = arith.constant 0 : i32
        %dma_start3A_1919 = tpu.memref_slice %arg9[%dma_start3A_1916, %dma_start3A_1917, %dma_start3A_1918] : memref<8x32x128xf32, #tpu.memory_space<vmem>> -> memref<1x32x128xf32, #tpu.memory_space<vmem>>
        %dma_start3A_1920 = tpu.memref_squeeze %dma_start3A_1919 : memref<1x32x128xf32, #tpu.memory_space<vmem>> -> memref<32x128xf32, #tpu.memory_space<vmem>>
        %dma_start3A_1921 = arith.constant 0 : i32
        %dma_start3A_1922 = tpu.memref_slice %arg4[%dma_start3A_1921, %multiple_of3A_1884] : memref<32x1000000xf32, #tpu.memory_space<hbm>> -> memref<32x128xf32, #tpu.memory_space<hbm>>
        %dma_start3A_1923 = arith.constant 0 : i32
        %dma_start3A_1924 = arith.constant 0 : i32
        %dma_start3A_1925 = tpu.memref_slice %arg9[%dma_start3A_1916, %dma_start3A_1923, %dma_start3A_1924] : memref<8x32x128xf32, #tpu.memory_space<vmem>> -> memref<1x32x128xf32, #tpu.memory_space<vmem>>
        %dma_start3A_1926 = tpu.memref_squeeze %dma_start3A_1925 : memref<1x32x128xf32, #tpu.memory_space<vmem>> -> memref<32x128xf32, #tpu.memory_space<vmem>>
        %dma_start3A_1927 = arith.constant 0 : i32
        %dma_start3A_1928 = tpu.memref_slice %arg4[%dma_start3A_1927, %multiple_of3A_1884] : memref<32x1000000xf32, #tpu.memory_space<hbm>> -> memref<32x128xf32, #tpu.memory_space<hbm>>
        tpu.enqueue_dma source(%dma_start3A_1928 : memref<32x128xf32, #tpu.memory_space<hbm>>) target(%dma_start3A_1926 : memref<32x128xf32, #tpu.memory_space<vmem>>) target_semaphore(%arg12 : memref<!tpu.dma_semaphore, #tpu.memory_space<semaphore_mem>>)
        %dma_start3A_1929 = arith.constant 0 : i32
        %dma_start3A_1930 = arith.constant 0 : i32
        %dma_start3A_1931 = arith.constant 0 : i32
        %dma_start3A_1932 = tpu.memref_slice %arg10[%dma_start3A_1929, %dma_start3A_1930, %dma_start3A_1931] : memref<8x32x128xf32, #tpu.memory_space<vmem>> -> memref<1x32x128xf32, #tpu.memory_space<vmem>>
        %dma_start3A_1933 = tpu.memref_squeeze %dma_start3A_1932 : memref<1x32x128xf32, #tpu.memory_space<vmem>> -> memref<32x128xf32, #tpu.memory_space<vmem>>
        %dma_start3A_1934 = arith.constant 0 : i32
        %dma_start3A_1935 = tpu.memref_slice %arg5[%dma_start3A_1934, %multiple_of3A_1914] : memref<32x1000000xf32, #tpu.memory_space<hbm>> -> memref<32x128xf32, #tpu.memory_space<hbm>>
        %dma_start3A_1936 = arith.constant 0 : i32
        %dma_start3A_1937 = arith.constant 0 : i32
        %dma_start3A_1938 = tpu.memref_slice %arg10[%dma_start3A_1929, %dma_start3A_1936, %dma_start3A_1937] : memref<8x32x128xf32, #tpu.memory_space<vmem>> -> memref<1x32x128xf32, #tpu.memory_space<vmem>>
        %dma_start3A_1939 = tpu.memref_squeeze %dma_start3A_1938 : memref<1x32x128xf32, #tpu.memory_space<vmem>> -> memref<32x128xf32, #tpu.memory_space<vmem>>
        %dma_start3A_1940 = arith.constant 0 : i32
        %dma_start3A_1941 = tpu.memref_slice %arg5[%dma_start3A_1940, %multiple_of3A_1914] : memref<32x1000000xf32, #tpu.memory_space<hbm>> -> memref<32x128xf32, #tpu.memory_space<hbm>>
        tpu.enqueue_dma source(%dma_start3A_1941 : memref<32x128xf32, #tpu.memory_space<hbm>>) target(%dma_start3A_1939 : memref<32x128xf32, #tpu.memory_space<vmem>>) target_semaphore(%arg20 : memref<!tpu.dma_semaphore, #tpu.memory_space<semaphore_mem>>)
        %slice3A_1942 = vector.extract_strided_slice %get3A_1851 {offsets = [1], sizes = [1], strides = [1]} : vector<16xi32> to vector<1xi32>
        %squeeze3A_1943 = vector.extract %slice3A_1942[0] : i32 from vector<1xi32>
        %jit3A_1944 = arith.constant 128 : i32
        %div3A_1945 = arith.divsi %squeeze3A_1943, %jit3A_1944 : i32
        %sign3A_1946 = arith.constant 0 : i32
        %sign3A_1947 = arith.cmpi sgt, %squeeze3A_1943, %sign3A_1946 : i32
        %sign3A_1948 = arith.extui %sign3A_1947 : i1 to i32
        %sign3A_1949 = arith.constant 0 : i32
        %sign3A_1950 = arith.cmpi slt, %squeeze3A_1943, %sign3A_1949 : i32
        %sign3A_1951 = arith.extui %sign3A_1950 : i1 to i32
        %sign3A_1952 = arith.subi %sign3A_1948, %sign3A_1951 : i32
        %sign3A_1953 = arith.constant 0 : i32
        %sign3A_1954 = arith.cmpi sgt, %jit3A_1944, %sign3A_1953 : i32
        %sign3A_1955 = arith.extui %sign3A_1954 : i1 to i32
        %sign3A_1956 = arith.constant 0 : i32
        %sign3A_1957 = arith.cmpi slt, %jit3A_1944, %sign3A_1956 : i32
        %sign3A_1958 = arith.extui %sign3A_1957 : i1 to i32
        %sign3A_1959 = arith.subi %sign3A_1955, %sign3A_1958 : i32
        %ne3A_1960 = arith.cmpi ne, %sign3A_1952, %sign3A_1959 : i32
        %rem3A_1961 = arith.remsi %squeeze3A_1943, %jit3A_1944 : i32
        %ne3A_1962 = arith.constant 0 : i32
        %ne3A_1963 = arith.cmpi ne, %rem3A_1961, %ne3A_1962 : i32
        %and3A_1964 = arith.andi %ne3A_1960, %ne3A_1963 : i1
        %sub3A_1965 = arith.constant 1 : i32
        %sub3A_1966 = arith.subi %div3A_1945, %sub3A_1965 : i32
        %select_n3A_1967 = arith.select %and3A_1964, %sub3A_1966, %div3A_1945 : i32
        %mul3A_1968 = arith.constant 128 : i32
        %mul3A_1969 = arith.muli %select_n3A_1967, %mul3A_1968 : i32
        %multiple_of3A_1970 = tpu.assume_multiple %mul3A_1969, 128 : i32
        %sub3A_1971 = arith.subi %squeeze3A_1943, %multiple_of3A_1970 : i32
        %slice3A_1972 = vector.extract_strided_slice %get3A_1855 {offsets = [1], sizes = [1], strides = [1]} : vector<16xi32> to vector<1xi32>
        %squeeze3A_1973 = vector.extract %slice3A_1972[0] : i32 from vector<1xi32>
        %jit3A_1974 = arith.constant 128 : i32
        %div3A_1975 = arith.divsi %squeeze3A_1973, %jit3A_1974 : i32
        %sign3A_1976 = arith.constant 0 : i32
        %sign3A_1977 = arith.cmpi sgt, %squeeze3A_1973, %sign3A_1976 : i32
        %sign3A_1978 = arith.extui %sign3A_1977 : i1 to i32
        %sign3A_1979 = arith.constant 0 : i32
        %sign3A_1980 = arith.cmpi slt, %squeeze3A_1973, %sign3A_1979 : i32
        %sign3A_1981 = arith.extui %sign3A_1980 : i1 to i32
        %sign3A_1982 = arith.subi %sign3A_1978, %sign3A_1981 : i32
        %sign3A_1983 = arith.constant 0 : i32
        %sign3A_1984 = arith.cmpi sgt, %jit3A_1974, %sign3A_1983 : i32
        %sign3A_1985 = arith.extui %sign3A_1984 : i1 to i32
        %sign3A_1986 = arith.constant 0 : i32
        %sign3A_1987 = arith.cmpi slt, %jit3A_1974, %sign3A_1986 : i32
        %sign3A_1988 = arith.extui %sign3A_1987 : i1 to i32
        %sign3A_1989 = arith.subi %sign3A_1985, %sign3A_1988 : i32
        %ne3A_1990 = arith.cmpi ne, %sign3A_1982, %sign3A_1989 : i32
        %rem3A_1991 = arith.remsi %squeeze3A_1973, %jit3A_1974 : i32
        %ne3A_1992 = arith.constant 0 : i32
        %ne3A_1993 = arith.cmpi ne, %rem3A_1991, %ne3A_1992 : i32
        %and3A_1994 = arith.andi %ne3A_1990, %ne3A_1993 : i1
        %sub3A_1995 = arith.constant 1 : i32
        %sub3A_1996 = arith.subi %div3A_1975, %sub3A_1995 : i32
        %select_n3A_1997 = arith.select %and3A_1994, %sub3A_1996, %div3A_1975 : i32
        %mul3A_1998 = arith.constant 128 : i32
        %mul3A_1999 = arith.muli %select_n3A_1997, %mul3A_1998 : i32
        %multiple_of3A_2000 = tpu.assume_multiple %mul3A_1999, 128 : i32
        %sub3A_2001 = arith.subi %squeeze3A_1973, %multiple_of3A_2000 : i32
        %dma_start3A_2002 = arith.constant 1 : i32
        %dma_start3A_2003 = arith.constant 0 : i32
        %dma_start3A_2004 = arith.constant 0 : i32
        %dma_start3A_2005 = tpu.memref_slice %arg9[%dma_start3A_2002, %dma_start3A_2003, %dma_start3A_2004] : memref<8x32x128xf32, #tpu.memory_space<vmem>> -> memref<1x32x128xf32, #tpu.memory_space<vmem>>
        %dma_start3A_2006 = tpu.memref_squeeze %dma_start3A_2005 : memref<1x32x128xf32, #tpu.memory_space<vmem>> -> memref<32x128xf32, #tpu.memory_space<vmem>>
        %dma_start3A_2007 = arith.constant 0 : i32
        %dma_start3A_2008 = tpu.memref_slice %arg4[%dma_start3A_2007, %multiple_of3A_1970] : memref<32x1000000xf32, #tpu.memory_space<hbm>> -> memref<32x128xf32, #tpu.memory_space<hbm>>
        %dma_start3A_2009 = arith.constant 0 : i32
        %dma_start3A_2010 = arith.constant 0 : i32
        %dma_start3A_2011 = tpu.memref_slice %arg9[%dma_start3A_2002, %dma_start3A_2009, %dma_start3A_2010] : memref<8x32x128xf32, #tpu.memory_space<vmem>> -> memref<1x32x128xf32, #tpu.memory_space<vmem>>
        %dma_start3A_2012 = tpu.memref_squeeze %dma_start3A_2011 : memref<1x32x128xf32, #tpu.memory_space<vmem>> -> memref<32x128xf32, #tpu.memory_space<vmem>>
        %dma_start3A_2013 = arith.constant 0 : i32
        %dma_start3A_2014 = tpu.memref_slice %arg4[%dma_start3A_2013, %multiple_of3A_1970] : memref<32x1000000xf32, #tpu.memory_space<hbm>> -> memref<32x128xf32, #tpu.memory_space<hbm>>
        tpu.enqueue_dma source(%dma_start3A_2014 : memref<32x128xf32, #tpu.memory_space<hbm>>) target(%dma_start3A_2012 : memref<32x128xf32, #tpu.memory_space<vmem>>) target_semaphore(%arg13 : memref<!tpu.dma_semaphore, #tpu.memory_space<semaphore_mem>>)
        %dma_start3A_2015 = arith.constant 1 : i32
        %dma_start3A_2016 = arith.constant 0 : i32
        %dma_start3A_2017 = arith.constant 0 : i32
        %dma_start3A_2018 = tpu.memref_slice %arg10[%dma_start3A_2015, %dma_start3A_2016, %dma_start3A_2017] : memref<8x32x128xf32, #tpu.memory_space<vmem>> -> memref<1x32x128xf32, #tpu.memory_space<vmem>>
        %dma_start3A_2019 = tpu.memref_squeeze %dma_start3A_2018 : memref<1x32x128xf32, #tpu.memory_space<vmem>> -> memref<32x128xf32, #tpu.memory_space<vmem>>
        %dma_start3A_2020 = arith.constant 0 : i32
        %dma_start3A_2021 = tpu.memref_slice %arg5[%dma_start3A_2020, %multiple_of3A_2000] : memref<32x1000000xf32, #tpu.memory_space<hbm>> -> memref<32x128xf32, #tpu.memory_space<hbm>>
        %dma_start3A_2022 = arith.constant 0 : i32
        %dma_start3A_2023 = arith.constant 0 : i32
        %dma_start3A_2024 = tpu.memref_slice %arg10[%dma_start3A_2015, %dma_start3A_2022, %dma_start3A_2023] : memref<8x32x128xf32, #tpu.memory_space<vmem>> -> memref<1x32x128xf32, #tpu.memory_space<vmem>>
        %dma_start3A_2025 = tpu.memref_squeeze %dma_start3A_2024 : memref<1x32x128xf32, #tpu.memory_space<vmem>> -> memref<32x128xf32, #tpu.memory_space<vmem>>
        %dma_start3A_2026 = arith.constant 0 : i32
        %dma_start3A_2027 = tpu.memref_slice %arg5[%dma_start3A_2026, %multiple_of3A_2000] : memref<32x1000000xf32, #tpu.memory_space<hbm>> -> memref<32x128xf32, #tpu.memory_space<hbm>>
        tpu.enqueue_dma source(%dma_start3A_2027 : memref<32x128xf32, #tpu.memory_space<hbm>>) target(%dma_start3A_2025 : memref<32x128xf32, #tpu.memory_space<vmem>>) target_semaphore(%arg21 : memref<!tpu.dma_semaphore, #tpu.memory_space<semaphore_mem>>)
        %slice3A_2028 = vector.extract_strided_slice %get3A_1851 {offsets = [2], sizes = [1], strides = [1]} : vector<16xi32> to vector<1xi32>
        %squeeze3A_2029 = vector.extract %slice3A_2028[0] : i32 from vector<1xi32>
        %jit3A_2030 = arith.constant 128 : i32
        %div3A_2031 = arith.divsi %squeeze3A_2029, %jit3A_2030 : i32
        %sign3A_2032 = arith.constant 0 : i32
        %sign3A_2033 = arith.cmpi sgt, %squeeze3A_2029, %sign3A_2032 : i32
        %sign3A_2034 = arith.extui %sign3A_2033 : i1 to i32
        %sign3A_2035 = arith.constant 0 : i32
        %sign3A_2036 = arith.cmpi slt, %squeeze3A_2029, %sign3A_2035 : i32
        %sign3A_2037 = arith.extui %sign3A_2036 : i1 to i32
        %sign3A_2038 = arith.subi %sign3A_2034, %sign3A_2037 : i32
        %sign3A_2039 = arith.constant 0 : i32
        %sign3A_2040 = arith.cmpi sgt, %jit3A_2030, %sign3A_2039 : i32
        %sign3A_2041 = arith.extui %sign3A_2040 : i1 to i32
        %sign3A_2042 = arith.constant 0 : i32
        %sign3A_2043 = arith.cmpi slt, %jit3A_2030, %sign3A_2042 : i32
        %sign3A_2044 = arith.extui %sign3A_2043 : i1 to i32
        %sign3A_2045 = arith.subi %sign3A_2041, %sign3A_2044 : i32
        %ne3A_2046 = arith.cmpi ne, %sign3A_2038, %sign3A_2045 : i32
        %rem3A_2047 = arith.remsi %squeeze3A_2029, %jit3A_2030 : i32
        %ne3A_2048 = arith.constant 0 : i32
        %ne3A_2049 = arith.cmpi ne, %rem3A_2047, %ne3A_2048 : i32
        %and3A_2050 = arith.andi %ne3A_2046, %ne3A_2049 : i1
        %sub3A_2051 = arith.constant 1 : i32
        %sub3A_2052 = arith.subi %div3A_2031, %sub3A_2051 : i32
        %select_n3A_2053 = arith.select %and3A_2050, %sub3A_2052, %div3A_2031 : i32
        %mul3A_2054 = arith.constant 128 : i32
        %mul3A_2055 = arith.muli %select_n3A_2053, %mul3A_2054 : i32
        %multiple_of3A_2056 = tpu.assume_multiple %mul3A_2055, 128 : i32
        %sub3A_2057 = arith.subi %squeeze3A_2029, %multiple_of3A_2056 : i32
        %slice3A_2058 = vector.extract_strided_slice %get3A_1855 {offsets = [2], sizes = [1], strides = [1]} : vector<16xi32> to vector<1xi32>
        %squeeze3A_2059 = vector.extract %slice3A_2058[0] : i32 from vector<1xi32>
        %jit3A_2060 = arith.constant 128 : i32
        %div3A_2061 = arith.divsi %squeeze3A_2059, %jit3A_2060 : i32
        %sign3A_2062 = arith.constant 0 : i32
        %sign3A_2063 = arith.cmpi sgt, %squeeze3A_2059, %sign3A_2062 : i32
        %sign3A_2064 = arith.extui %sign3A_2063 : i1 to i32
        %sign3A_2065 = arith.constant 0 : i32
        %sign3A_2066 = arith.cmpi slt, %squeeze3A_2059, %sign3A_2065 : i32
        %sign3A_2067 = arith.extui %sign3A_2066 : i1 to i32
        %sign3A_2068 = arith.subi %sign3A_2064, %sign3A_2067 : i32
        %sign3A_2069 = arith.constant 0 : i32
        %sign3A_2070 = arith.cmpi sgt, %jit3A_2060, %sign3A_2069 : i32
        %sign3A_2071 = arith.extui %sign3A_2070 : i1 to i32
        %sign3A_2072 = arith.constant 0 : i32
        %sign3A_2073 = arith.cmpi slt, %jit3A_2060, %sign3A_2072 : i32
        %sign3A_2074 = arith.extui %sign3A_2073 : i1 to i32
        %sign3A_2075 = arith.subi %sign3A_2071, %sign3A_2074 : i32
        %ne3A_2076 = arith.cmpi ne, %sign3A_2068, %sign3A_2075 : i32
        %rem3A_2077 = arith.remsi %squeeze3A_2059, %jit3A_2060 : i32
        %ne3A_2078 = arith.constant 0 : i32
        %ne3A_2079 = arith.cmpi ne, %rem3A_2077, %ne3A_2078 : i32
        %and3A_2080 = arith.andi %ne3A_2076, %ne3A_2079 : i1
        %sub3A_2081 = arith.constant 1 : i32
        %sub3A_2082 = arith.subi %div3A_2061, %sub3A_2081 : i32
        %select_n3A_2083 = arith.select %and3A_2080, %sub3A_2082, %div3A_2061 : i32
        %mul3A_2084 = arith.constant 128 : i32
        %mul3A_2085 = arith.muli %select_n3A_2083, %mul3A_2084 : i32
        %multiple_of3A_2086 = tpu.assume_multiple %mul3A_2085, 128 : i32
        %sub3A_2087 = arith.subi %squeeze3A_2059, %multiple_of3A_2086 : i32
        %dma_start3A_2088 = arith.constant 2 : i32
        %dma_start3A_2089 = arith.constant 0 : i32
        %dma_start3A_2090 = arith.constant 0 : i32
        %dma_start3A_2091 = tpu.memref_slice %arg9[%dma_start3A_2088, %dma_start3A_2089, %dma_start3A_2090] : memref<8x32x128xf32, #tpu.memory_space<vmem>> -> memref<1x32x128xf32, #tpu.memory_space<vmem>>
        %dma_start3A_2092 = tpu.memref_squeeze %dma_start3A_2091 : memref<1x32x128xf32, #tpu.memory_space<vmem>> -> memref<32x128xf32, #tpu.memory_space<vmem>>
        %dma_start3A_2093 = arith.constant 0 : i32
        %dma_start3A_2094 = tpu.memref_slice %arg4[%dma_start3A_2093, %multiple_of3A_2056] : memref<32x1000000xf32, #tpu.memory_space<hbm>> -> memref<32x128xf32, #tpu.memory_space<hbm>>
        %dma_start3A_2095 = arith.constant 0 : i32
        %dma_start3A_2096 = arith.constant 0 : i32
        %dma_start3A_2097 = tpu.memref_slice %arg9[%dma_start3A_2088, %dma_start3A_2095, %dma_start3A_2096] : memref<8x32x128xf32, #tpu.memory_space<vmem>> -> memref<1x32x128xf32, #tpu.memory_space<vmem>>
        %dma_start3A_2098 = tpu.memref_squeeze %dma_start3A_2097 : memref<1x32x128xf32, #tpu.memory_space<vmem>> -> memref<32x128xf32, #tpu.memory_space<vmem>>
        %dma_start3A_2099 = arith.constant 0 : i32
        %dma_start3A_2100 = tpu.memref_slice %arg4[%dma_start3A_2099, %multiple_of3A_2056] : memref<32x1000000xf32, #tpu.memory_space<hbm>> -> memref<32x128xf32, #tpu.memory_space<hbm>>
        tpu.enqueue_dma source(%dma_start3A_2100 : memref<32x128xf32, #tpu.memory_space<hbm>>) target(%dma_start3A_2098 : memref<32x128xf32, #tpu.memory_space<vmem>>) target_semaphore(%arg14 : memref<!tpu.dma_semaphore, #tpu.memory_space<semaphore_mem>>)
        %dma_start3A_2101 = arith.constant 2 : i32
        %dma_start3A_2102 = arith.constant 0 : i32
        %dma_start3A_2103 = arith.constant 0 : i32
        %dma_start3A_2104 = tpu.memref_slice %arg10[%dma_start3A_2101, %dma_start3A_2102, %dma_start3A_2103] : memref<8x32x128xf32, #tpu.memory_space<vmem>> -> memref<1x32x128xf32, #tpu.memory_space<vmem>>
        %dma_start3A_2105 = tpu.memref_squeeze %dma_start3A_2104 : memref<1x32x128xf32, #tpu.memory_space<vmem>> -> memref<32x128xf32, #tpu.memory_space<vmem>>
        %dma_start3A_2106 = arith.constant 0 : i32
        %dma_start3A_2107 = tpu.memref_slice %arg5[%dma_start3A_2106, %multiple_of3A_2086] : memref<32x1000000xf32, #tpu.memory_space<hbm>> -> memref<32x128xf32, #tpu.memory_space<hbm>>
        %dma_start3A_2108 = arith.constant 0 : i32
        %dma_start3A_2109 = arith.constant 0 : i32
        %dma_start3A_2110 = tpu.memref_slice %arg10[%dma_start3A_2101, %dma_start3A_2108, %dma_start3A_2109] : memref<8x32x128xf32, #tpu.memory_space<vmem>> -> memref<1x32x128xf32, #tpu.memory_space<vmem>>
        %dma_start3A_2111 = tpu.memref_squeeze %dma_start3A_2110 : memref<1x32x128xf32, #tpu.memory_space<vmem>> -> memref<32x128xf32, #tpu.memory_space<vmem>>
        %dma_start3A_2112 = arith.constant 0 : i32
        %dma_start3A_2113 = tpu.memref_slice %arg5[%dma_start3A_2112, %multiple_of3A_2086] : memref<32x1000000xf32, #tpu.memory_space<hbm>> -> memref<32x128xf32, #tpu.memory_space<hbm>>
        tpu.enqueue_dma source(%dma_start3A_2113 : memref<32x128xf32, #tpu.memory_space<hbm>>) target(%dma_start3A_2111 : memref<32x128xf32, #tpu.memory_space<vmem>>) target_semaphore(%arg22 : memref<!tpu.dma_semaphore, #tpu.memory_space<semaphore_mem>>)
        %slice3A_2114 = vector.extract_strided_slice %get3A_1851 {offsets = [3], sizes = [1], strides = [1]} : vector<16xi32> to vector<1xi32>
        %squeeze3A_2115 = vector.extract %slice3A_2114[0] : i32 from vector<1xi32>
        %jit3A_2116 = arith.constant 128 : i32
        %div3A_2117 = arith.divsi %squeeze3A_2115, %jit3A_2116 : i32
        %sign3A_2118 = arith.constant 0 : i32
        %sign3A_2119 = arith.cmpi sgt, %squeeze3A_2115, %sign3A_2118 : i32
        %sign3A_2120 = arith.extui %sign3A_2119 : i1 to i32
        %sign3A_2121 = arith.constant 0 : i32
        %sign3A_2122 = arith.cmpi slt, %squeeze3A_2115, %sign3A_2121 : i32
        %sign3A_2123 = arith.extui %sign3A_2122 : i1 to i32
        %sign3A_2124 = arith.subi %sign3A_2120, %sign3A_2123 : i32
        %sign3A_2125 = arith.constant 0 : i32
        %sign3A_2126 = arith.cmpi sgt, %jit3A_2116, %sign3A_2125 : i32
        %sign3A_2127 = arith.extui %sign3A_2126 : i1 to i32
        %sign3A_2128 = arith.constant 0 : i32
        %sign3A_2129 = arith.cmpi slt, %jit3A_2116, %sign3A_2128 : i32
        %sign3A_2130 = arith.extui %sign3A_2129 : i1 to i32
        %sign3A_2131 = arith.subi %sign3A_2127, %sign3A_2130 : i32
        %ne3A_2132 = arith.cmpi ne, %sign3A_2124, %sign3A_2131 : i32
        %rem3A_2133 = arith.remsi %squeeze3A_2115, %jit3A_2116 : i32
        %ne3A_2134 = arith.constant 0 : i32
        %ne3A_2135 = arith.cmpi ne, %rem3A_2133, %ne3A_2134 : i32
        %and3A_2136 = arith.andi %ne3A_2132, %ne3A_2135 : i1
        %sub3A_2137 = arith.constant 1 : i32
        %sub3A_2138 = arith.subi %div3A_2117, %sub3A_2137 : i32
        %select_n3A_2139 = arith.select %and3A_2136, %sub3A_2138, %div3A_2117 : i32
        %mul3A_2140 = arith.constant 128 : i32
        %mul3A_2141 = arith.muli %select_n3A_2139, %mul3A_2140 : i32
        %multiple_of3A_2142 = tpu.assume_multiple %mul3A_2141, 128 : i32
        %sub3A_2143 = arith.subi %squeeze3A_2115, %multiple_of3A_2142 : i32
        %slice3A_2144 = vector.extract_strided_slice %get3A_1855 {offsets = [3], sizes = [1], strides = [1]} : vector<16xi32> to vector<1xi32>
        %squeeze3A_2145 = vector.extract %slice3A_2144[0] : i32 from vector<1xi32>
        %jit3A_2146 = arith.constant 128 : i32
        %div3A_2147 = arith.divsi %squeeze3A_2145, %jit3A_2146 : i32
        %sign3A_2148 = arith.constant 0 : i32
        %sign3A_2149 = arith.cmpi sgt, %squeeze3A_2145, %sign3A_2148 : i32
        %sign3A_2150 = arith.extui %sign3A_2149 : i1 to i32
        %sign3A_2151 = arith.constant 0 : i32
        %sign3A_2152 = arith.cmpi slt, %squeeze3A_2145, %sign3A_2151 : i32
        %sign3A_2153 = arith.extui %sign3A_2152 : i1 to i32
        %sign3A_2154 = arith.subi %sign3A_2150, %sign3A_2153 : i32
        %sign3A_2155 = arith.constant 0 : i32
        %sign3A_2156 = arith.cmpi sgt, %jit3A_2146, %sign3A_2155 : i32
        %sign3A_2157 = arith.extui %sign3A_2156 : i1 to i32
        %sign3A_2158 = arith.constant 0 : i32
        %sign3A_2159 = arith.cmpi slt, %jit3A_2146, %sign3A_2158 : i32
        %sign3A_2160 = arith.extui %sign3A_2159 : i1 to i32
        %sign3A_2161 = arith.subi %sign3A_2157, %sign3A_2160 : i32
        %ne3A_2162 = arith.cmpi ne, %sign3A_2154, %sign3A_2161 : i32
        %rem3A_2163 = arith.remsi %squeeze3A_2145, %jit3A_2146 : i32
        %ne3A_2164 = arith.constant 0 : i32
        %ne3A_2165 = arith.cmpi ne, %rem3A_2163, %ne3A_2164 : i32
        %and3A_2166 = arith.andi %ne3A_2162, %ne3A_2165 : i1
        %sub3A_2167 = arith.constant 1 : i32
        %sub3A_2168 = arith.subi %div3A_2147, %sub3A_2167 : i32
        %select_n3A_2169 = arith.select %and3A_2166, %sub3A_2168, %div3A_2147 : i32
        %mul3A_2170 = arith.constant 128 : i32
        %mul3A_2171 = arith.muli %select_n3A_2169, %mul3A_2170 : i32
        %multiple_of3A_2172 = tpu.assume_multiple %mul3A_2171, 128 : i32
        %sub3A_2173 = arith.subi %squeeze3A_2145, %multiple_of3A_2172 : i32
        %dma_start3A_2174 = arith.constant 3 : i32
        %dma_start3A_2175 = arith.constant 0 : i32
        %dma_start3A_2176 = arith.constant 0 : i32
        %dma_start3A_2177 = tpu.memref_slice %arg9[%dma_start3A_2174, %dma_start3A_2175, %dma_start3A_2176] : memref<8x32x128xf32, #tpu.memory_space<vmem>> -> memref<1x32x128xf32, #tpu.memory_space<vmem>>
        %dma_start3A_2178 = tpu.memref_squeeze %dma_start3A_2177 : memref<1x32x128xf32, #tpu.memory_space<vmem>> -> memref<32x128xf32, #tpu.memory_space<vmem>>
        %dma_start3A_2179 = arith.constant 0 : i32
        %dma_start3A_2180 = tpu.memref_slice %arg4[%dma_start3A_2179, %multiple_of3A_2142] : memref<32x1000000xf32, #tpu.memory_space<hbm>> -> memref<32x128xf32, #tpu.memory_space<hbm>>
        %dma_start3A_2181 = arith.constant 0 : i32
        %dma_start3A_2182 = arith.constant 0 : i32
        %dma_start3A_2183 = tpu.memref_slice %arg9[%dma_start3A_2174, %dma_start3A_2181, %dma_start3A_2182] : memref<8x32x128xf32, #tpu.memory_space<vmem>> -> memref<1x32x128xf32, #tpu.memory_space<vmem>>
        %dma_start3A_2184 = tpu.memref_squeeze %dma_start3A_2183 : memref<1x32x128xf32, #tpu.memory_space<vmem>> -> memref<32x128xf32, #tpu.memory_space<vmem>>
        %dma_start3A_2185 = arith.constant 0 : i32
        %dma_start3A_2186 = tpu.memref_slice %arg4[%dma_start3A_2185, %multiple_of3A_2142] : memref<32x1000000xf32, #tpu.memory_space<hbm>> -> memref<32x128xf32, #tpu.memory_space<hbm>>
        tpu.enqueue_dma source(%dma_start3A_2186 : memref<32x128xf32, #tpu.memory_space<hbm>>) target(%dma_start3A_2184 : memref<32x128xf32, #tpu.memory_space<vmem>>) target_semaphore(%arg15 : memref<!tpu.dma_semaphore, #tpu.memory_space<semaphore_mem>>)
        %dma_start3A_2187 = arith.constant 3 : i32
        %dma_start3A_2188 = arith.constant 0 : i32
        %dma_start3A_2189 = arith.constant 0 : i32
        %dma_start3A_2190 = tpu.memref_slice %arg10[%dma_start3A_2187, %dma_start3A_2188, %dma_start3A_2189] : memref<8x32x128xf32, #tpu.memory_space<vmem>> -> memref<1x32x128xf32, #tpu.memory_space<vmem>>
        %dma_start3A_2191 = tpu.memref_squeeze %dma_start3A_2190 : memref<1x32x128xf32, #tpu.memory_space<vmem>> -> memref<32x128xf32, #tpu.memory_space<vmem>>
        %dma_start3A_2192 = arith.constant 0 : i32
        %dma_start3A_2193 = tpu.memref_slice %arg5[%dma_start3A_2192, %multiple_of3A_2172] : memref<32x1000000xf32, #tpu.memory_space<hbm>> -> memref<32x128xf32, #tpu.memory_space<hbm>>
        %dma_start3A_2194 = arith.constant 0 : i32
        %dma_start3A_2195 = arith.constant 0 : i32
        %dma_start3A_2196 = tpu.memref_slice %arg10[%dma_start3A_2187, %dma_start3A_2194, %dma_start3A_2195] : memref<8x32x128xf32, #tpu.memory_space<vmem>> -> memref<1x32x128xf32, #tpu.memory_space<vmem>>
        %dma_start3A_2197 = tpu.memref_squeeze %dma_start3A_2196 : memref<1x32x128xf32, #tpu.memory_space<vmem>> -> memref<32x128xf32, #tpu.memory_space<vmem>>
        %dma_start3A_2198 = arith.constant 0 : i32
        %dma_start3A_2199 = tpu.memref_slice %arg5[%dma_start3A_2198, %multiple_of3A_2172] : memref<32x1000000xf32, #tpu.memory_space<hbm>> -> memref<32x128xf32, #tpu.memory_space<hbm>>
        tpu.enqueue_dma source(%dma_start3A_2199 : memref<32x128xf32, #tpu.memory_space<hbm>>) target(%dma_start3A_2197 : memref<32x128xf32, #tpu.memory_space<vmem>>) target_semaphore(%arg23 : memref<!tpu.dma_semaphore, #tpu.memory_space<semaphore_mem>>)
      } else {
      }
      %mul3A_1250 = arith.constant 2 : i32
      %mul3A_1251 = arith.muli %mul3A_1250, %scan3A_344 : i32
      %add3A_1252 = arith.constant 1 : i32
      %add3A_1253 = arith.addi %mul3A_1251, %add3A_1252 : i32
      %mul3A_1254 = arith.constant 4 : i32
      %mul3A_1255 = arith.muli %add3A_1253, %mul3A_1254 : i32
      %get3A_1256 = arith.index_cast %mul3A_1255 : i32 to index
      %get3A_1257 = tpu.vector_load %arg7[%get3A_1256] {strides = array<i32>} : memref<528xi32, #tpu.memory_space<vmem>>, vector<16xi32>,
      %mul3A_1258 = arith.constant 4 : i32
      %mul3A_1259 = arith.muli %add3A_1253, %mul3A_1258 : i32
      %get3A_1260 = arith.index_cast %mul3A_1259 : i32 to index
      %get3A_1261 = tpu.vector_load %arg8[%get3A_1260] {strides = array<i32>} : memref<528xi32, #tpu.memory_space<vmem>>, vector<16xi32>,
      %dma_wait3A_1262 = arith.constant 4 : i32
      %dma_wait3A_1263 = arith.constant 0 : i32
      %dma_wait3A_1264 = arith.constant 0 : i32
      %dma_wait3A_1265 = tpu.memref_slice %arg9[%dma_wait3A_1262, %dma_wait3A_1263, %dma_wait3A_1264] : memref<8x32x128xf32, #tpu.memory_space<vmem>> -> memref<1x32x128xf32, #tpu.memory_space<vmem>>
      %dma_wait3A_1266 = tpu.memref_squeeze %dma_wait3A_1265 : memref<1x32x128xf32, #tpu.memory_space<vmem>> -> memref<32x128xf32, #tpu.memory_space<vmem>>
      %dma_wait3A_1267 = arith.constant 0 : i32
      %dma_wait3A_1268 = arith.constant 0 : i32
      %dma_wait3A_1269 = tpu.memref_slice %arg4[%dma_wait3A_1267, %dma_wait3A_1268] : memref<32x1000000xf32, #tpu.memory_space<hbm>> -> memref<32x128xf32, #tpu.memory_space<hbm>>
      %dma_wait3A_1270 = arith.constant 0 : i32
      %dma_wait3A_1271 = arith.constant 0 : i32
      %dma_wait3A_1272 = tpu.memref_slice %arg9[%dma_wait3A_1262, %dma_wait3A_1270, %dma_wait3A_1271] : memref<8x32x128xf32, #tpu.memory_space<vmem>> -> memref<1x32x128xf32, #tpu.memory_space<vmem>>
      %dma_wait3A_1273 = tpu.memref_squeeze %dma_wait3A_1272 : memref<1x32x128xf32, #tpu.memory_space<vmem>> -> memref<32x128xf32, #tpu.memory_space<vmem>>
      %dma_wait3A_1274 = arith.constant 0 : i32
      %dma_wait3A_1275 = arith.constant 0 : i32
      %dma_wait3A_1276 = tpu.memref_slice %arg4[%dma_wait3A_1274, %dma_wait3A_1275] : memref<32x1000000xf32, #tpu.memory_space<hbm>> -> memref<32x128xf32, #tpu.memory_space<hbm>>
      tpu.wait_dma2 semaphore(%arg16 : memref<!tpu.dma_semaphore, #tpu.memory_space<semaphore_mem>>) src(%dma_wait3A_1276 : memref<32x128xf32, #tpu.memory_space<hbm>>) dst(%dma_wait3A_1273 : memref<32x128xf32, #tpu.memory_space<vmem>>)
      %dma_wait3A_1277 = arith.constant 4 : i32
      %dma_wait3A_1278 = arith.constant 0 : i32
      %dma_wait3A_1279 = arith.constant 0 : i32
      %dma_wait3A_1280 = tpu.memref_slice %arg10[%dma_wait3A_1277, %dma_wait3A_1278, %dma_wait3A_1279] : memref<8x32x128xf32, #tpu.memory_space<vmem>> -> memref<1x32x128xf32, #tpu.memory_space<vmem>>
      %dma_wait3A_1281 = tpu.memref_squeeze %dma_wait3A_1280 : memref<1x32x128xf32, #tpu.memory_space<vmem>> -> memref<32x128xf32, #tpu.memory_space<vmem>>
      %dma_wait3A_1282 = arith.constant 0 : i32
      %dma_wait3A_1283 = arith.constant 0 : i32
      %dma_wait3A_1284 = tpu.memref_slice %arg4[%dma_wait3A_1282, %dma_wait3A_1283] : memref<32x1000000xf32, #tpu.memory_space<hbm>> -> memref<32x128xf32, #tpu.memory_space<hbm>>
      %dma_wait3A_1285 = arith.constant 0 : i32
      %dma_wait3A_1286 = arith.constant 0 : i32
      %dma_wait3A_1287 = tpu.memref_slice %arg10[%dma_wait3A_1277, %dma_wait3A_1285, %dma_wait3A_1286] : memref<8x32x128xf32, #tpu.memory_space<vmem>> -> memref<1x32x128xf32, #tpu.memory_space<vmem>>
      %dma_wait3A_1288 = tpu.memref_squeeze %dma_wait3A_1287 : memref<1x32x128xf32, #tpu.memory_space<vmem>> -> memref<32x128xf32, #tpu.memory_space<vmem>>
      %dma_wait3A_1289 = arith.constant 0 : i32
      %dma_wait3A_1290 = arith.constant 0 : i32
      %dma_wait3A_1291 = tpu.memref_slice %arg4[%dma_wait3A_1289, %dma_wait3A_1290] : memref<32x1000000xf32, #tpu.memory_space<hbm>> -> memref<32x128xf32, #tpu.memory_space<hbm>>
      tpu.wait_dma2 semaphore(%arg24 : memref<!tpu.dma_semaphore, #tpu.memory_space<semaphore_mem>>) src(%dma_wait3A_1291 : memref<32x128xf32, #tpu.memory_space<hbm>>) dst(%dma_wait3A_1288 : memref<32x128xf32, #tpu.memory_space<vmem>>)
      %slice3A_1292 = vector.extract_strided_slice %get3A_1257 {offsets = [0], sizes = [1], strides = [1]} : vector<16xi32> to vector<1xi32>
      %squeeze3A_1293 = vector.extract %slice3A_1292[0] : i32 from vector<1xi32>
      %jit3A_1294 = arith.constant 128 : i32
      %div3A_1295 = arith.divsi %squeeze3A_1293, %jit3A_1294 : i32
      %sign3A_1296 = arith.constant 0 : i32
      %sign3A_1297 = arith.cmpi sgt, %squeeze3A_1293, %sign3A_1296 : i32
      %sign3A_1298 = arith.extui %sign3A_1297 : i1 to i32
      %sign3A_1299 = arith.constant 0 : i32
      %sign3A_1300 = arith.cmpi slt, %squeeze3A_1293, %sign3A_1299 : i32
      %sign3A_1301 = arith.extui %sign3A_1300 : i1 to i32
      %sign3A_1302 = arith.subi %sign3A_1298, %sign3A_1301 : i32
      %sign3A_1303 = arith.constant 0 : i32
      %sign3A_1304 = arith.cmpi sgt, %jit3A_1294, %sign3A_1303 : i32
      %sign3A_1305 = arith.extui %sign3A_1304 : i1 to i32
      %sign3A_1306 = arith.constant 0 : i32
      %sign3A_1307 = arith.cmpi slt, %jit3A_1294, %sign3A_1306 : i32
      %sign3A_1308 = arith.extui %sign3A_1307 : i1 to i32
      %sign3A_1309 = arith.subi %sign3A_1305, %sign3A_1308 : i32
      %ne3A_1310 = arith.cmpi ne, %sign3A_1302, %sign3A_1309 : i32
      %rem3A_1311 = arith.remsi %squeeze3A_1293, %jit3A_1294 : i32
      %ne3A_1312 = arith.constant 0 : i32
      %ne3A_1313 = arith.cmpi ne, %rem3A_1311, %ne3A_1312 : i32
      %and3A_1314 = arith.andi %ne3A_1310, %ne3A_1313 : i1
      %sub3A_1315 = arith.constant 1 : i32
      %sub3A_1316 = arith.subi %div3A_1295, %sub3A_1315 : i32
      %select_n3A_1317 = arith.select %and3A_1314, %sub3A_1316, %div3A_1295 : i32
      %mul3A_1318 = arith.constant 128 : i32
      %mul3A_1319 = arith.muli %select_n3A_1317, %mul3A_1318 : i32
      %multiple_of3A_1320 = tpu.assume_multiple %mul3A_1319, 128 : i32
      %sub3A_1321 = arith.subi %squeeze3A_1293, %multiple_of3A_1320 : i32
      %slice3A_1322 = vector.extract_strided_slice %get3A_1261 {offsets = [0], sizes = [1], strides = [1]} : vector<16xi32> to vector<1xi32>
      %squeeze3A_1323 = vector.extract %slice3A_1322[0] : i32 from vector<1xi32>
      %jit3A_1324 = arith.constant 128 : i32
      %div3A_1325 = arith.divsi %squeeze3A_1323, %jit3A_1324 : i32
      %sign3A_1326 = arith.constant 0 : i32
      %sign3A_1327 = arith.cmpi sgt, %squeeze3A_1323, %sign3A_1326 : i32
      %sign3A_1328 = arith.extui %sign3A_1327 : i1 to i32
      %sign3A_1329 = arith.constant 0 : i32
      %sign3A_1330 = arith.cmpi slt, %squeeze3A_1323, %sign3A_1329 : i32
      %sign3A_1331 = arith.extui %sign3A_1330 : i1 to i32
      %sign3A_1332 = arith.subi %sign3A_1328, %sign3A_1331 : i32
      %sign3A_1333 = arith.constant 0 : i32
      %sign3A_1334 = arith.cmpi sgt, %jit3A_1324, %sign3A_1333 : i32
      %sign3A_1335 = arith.extui %sign3A_1334 : i1 to i32
      %sign3A_1336 = arith.constant 0 : i32
      %sign3A_1337 = arith.cmpi slt, %jit3A_1324, %sign3A_1336 : i32
      %sign3A_1338 = arith.extui %sign3A_1337 : i1 to i32
      %sign3A_1339 = arith.subi %sign3A_1335, %sign3A_1338 : i32
      %ne3A_1340 = arith.cmpi ne, %sign3A_1332, %sign3A_1339 : i32
      %rem3A_1341 = arith.remsi %squeeze3A_1323, %jit3A_1324 : i32
      %ne3A_1342 = arith.constant 0 : i32
      %ne3A_1343 = arith.cmpi ne, %rem3A_1341, %ne3A_1342 : i32
      %and3A_1344 = arith.andi %ne3A_1340, %ne3A_1343 : i1
      %sub3A_1345 = arith.constant 1 : i32
      %sub3A_1346 = arith.subi %div3A_1325, %sub3A_1345 : i32
      %select_n3A_1347 = arith.select %and3A_1344, %sub3A_1346, %div3A_1325 : i32
      %mul3A_1348 = arith.constant 128 : i32
      %mul3A_1349 = arith.muli %select_n3A_1347, %mul3A_1348 : i32
      %multiple_of3A_1350 = tpu.assume_multiple %mul3A_1349, 128 : i32
      %sub3A_1351 = arith.subi %squeeze3A_1323, %multiple_of3A_1350 : i32
      %broadcast_in_dim3A_1352 = arith.constant 4 : i32
      %broadcast_in_dim3A_1353 = vector.broadcast %broadcast_in_dim3A_1352 : i32 to vector<16xi32>
      %broadcast_in_dim3A_1354 = vector.broadcast %sub3A_1321 : i32 to vector<16xi32>
      %broadcast_in_dim3A_1355 = vector.broadcast %sub3A_1351 : i32 to vector<16xi32>
      %gather3A_1356 = tpu.vector_load_idx %arg9[%broadcast_in_dim3A_1353, %iota3A, %broadcast_in_dim3A_1354] : memref<8x32x128xf32, #tpu.memory_space<vmem>>[vector<16xi32>, vector<16xi32>, vector<16xi32>], vector<16xf32>,
      %add3A_1357 = arith.constant 16 : i32
      %add3A_1358 = vector.broadcast %add3A_1357 : i32 to vector<16xi32>
      %add3A_1359 = arith.addi %iota3A, %add3A_1358 : vector<16xi32>
      %gather3A_1360 = tpu.vector_load_idx %arg9[%broadcast_in_dim3A_1353, %add3A_1359, %broadcast_in_dim3A_1354] : memref<8x32x128xf32, #tpu.memory_space<vmem>>[vector<16xi32>, vector<16xi32>, vector<16xi32>], vector<16xf32>,
      %gather3A_1361 = tpu.vector_load_idx %arg10[%broadcast_in_dim3A_1353, %iota3A, %broadcast_in_dim3A_1355] : memref<8x32x128xf32, #tpu.memory_space<vmem>>[vector<16xi32>, vector<16xi32>, vector<16xi32>], vector<16xf32>,
      %add3A_1362 = arith.constant 16 : i32
      %add3A_1363 = vector.broadcast %add3A_1362 : i32 to vector<16xi32>
      %add3A_1364 = arith.addi %iota3A, %add3A_1363 : vector<16xi32>
      %gather3A_1365 = tpu.vector_load_idx %arg10[%broadcast_in_dim3A_1353, %add3A_1364, %broadcast_in_dim3A_1355] : memref<8x32x128xf32, #tpu.memory_space<vmem>>[vector<16xi32>, vector<16xi32>, vector<16xi32>], vector<16xf32>,
      %mul3A_1366 = arith.mulf %gather3A_1356, %gather3A_1361 : vector<16xf32>
      %mul3A_1367 = arith.mulf %gather3A_1360, %gather3A_1365 : vector<16xf32>
      %add3A_1368 = arith.addf %mul3A_1366, %mul3A_1367 : vector<16xf32>
      %reduce_sum3A_1369 = arith.constant true
      %reduce_sum3A_1370 = vector.broadcast %reduce_sum3A_1369 : i1 to vector<16xi1>
      %reduce_sum3A_1371 = tpu.scan <sum>, %add3A_1368 masked %reduce_sum3A_1370 : vector<16xf32>, vector<16xi1> -> vector<16xf32>
      %reduce_sum3A_1372 = vector.extract %reduce_sum3A_1371[15] : f32 from vector<16xf32>
      %mul3A_1373 = arith.constant 4 : i32
      %mul3A_1374 = arith.muli %add3A_1253, %mul3A_1373 : i32
      %add3A_1375 = arith.constant 0 : i32
      %add3A_1376 = arith.addi %mul3A_1374, %add3A_1375 : i32
      %jit3A_1377 = arith.constant 16 : i32
      %eq3A_1378 = arith.constant 0 : i32
      %eq3A_1379 = arith.cmpi eq, %jit3A_1377, %eq3A_1378 : i32
      %jit3A_1380 = arith.constant 1 : i32
      %select_n3A_1381 = arith.select %eq3A_1379, %jit3A_1380, %jit3A_1377 : i32
      %rem3A_1382 = arith.remsi %add3A_1376, %select_n3A_1381 : i32
      %ne3A_1383 = arith.constant 0 : i32
      %ne3A_1384 = arith.cmpi ne, %rem3A_1382, %ne3A_1383 : i32
      %lt3A_1385 = arith.constant 0 : i32
      %lt3A_1386 = arith.cmpi slt, %rem3A_1382, %lt3A_1385 : i32
      %lt3A_1387 = arith.constant 0 : i32
      %lt3A_1388 = arith.cmpi slt, %select_n3A_1381, %lt3A_1387 : i32
      %ne3A_1389 = arith.xori %lt3A_1386, %lt3A_1388 : i1
      %and3A_1390 = arith.andi %ne3A_1389, %ne3A_1384 : i1
      %add3A_1391 = arith.addi %rem3A_1382, %select_n3A_1381 : i32
      %select_n3A_1392 = arith.select %and3A_1390, %add3A_1391, %rem3A_1382 : i32
      %eq3A_1393 = vector.broadcast %select_n3A_1392 : i32 to vector<16xi32>
      %eq3A_1394 = arith.cmpi eq, %iota3A, %eq3A_1393 : vector<16xi32>
      %broadcast_in_dim3A_1395 = vector.broadcast %reduce_sum3A_1372 : f32 to vector<16xf32>
      %select_n3A_1396 = arith.select %eq3A_1394, %broadcast_in_dim3A_1395, %select_n3A_1246 : vector<16xi1>, vector<16xf32>
      %dma_wait3A_1397 = arith.constant 5 : i32
      %dma_wait3A_1398 = arith.constant 0 : i32
      %dma_wait3A_1399 = arith.constant 0 : i32
      %dma_wait3A_1400 = tpu.memref_slice %arg9[%dma_wait3A_1397, %dma_wait3A_1398, %dma_wait3A_1399] : memref<8x32x128xf32, #tpu.memory_space<vmem>> -> memref<1x32x128xf32, #tpu.memory_space<vmem>>
      %dma_wait3A_1401 = tpu.memref_squeeze %dma_wait3A_1400 : memref<1x32x128xf32, #tpu.memory_space<vmem>> -> memref<32x128xf32, #tpu.memory_space<vmem>>
      %dma_wait3A_1402 = arith.constant 0 : i32
      %dma_wait3A_1403 = arith.constant 0 : i32
      %dma_wait3A_1404 = tpu.memref_slice %arg4[%dma_wait3A_1402, %dma_wait3A_1403] : memref<32x1000000xf32, #tpu.memory_space<hbm>> -> memref<32x128xf32, #tpu.memory_space<hbm>>
      %dma_wait3A_1405 = arith.constant 0 : i32
      %dma_wait3A_1406 = arith.constant 0 : i32
      %dma_wait3A_1407 = tpu.memref_slice %arg9[%dma_wait3A_1397, %dma_wait3A_1405, %dma_wait3A_1406] : memref<8x32x128xf32, #tpu.memory_space<vmem>> -> memref<1x32x128xf32, #tpu.memory_space<vmem>>
      %dma_wait3A_1408 = tpu.memref_squeeze %dma_wait3A_1407 : memref<1x32x128xf32, #tpu.memory_space<vmem>> -> memref<32x128xf32, #tpu.memory_space<vmem>>
      %dma_wait3A_1409 = arith.constant 0 : i32
      %dma_wait3A_1410 = arith.constant 0 : i32
      %dma_wait3A_1411 = tpu.memref_slice %arg4[%dma_wait3A_1409, %dma_wait3A_1410] : memref<32x1000000xf32, #tpu.memory_space<hbm>> -> memref<32x128xf32, #tpu.memory_space<hbm>>
      tpu.wait_dma2 semaphore(%arg17 : memref<!tpu.dma_semaphore, #tpu.memory_space<semaphore_mem>>) src(%dma_wait3A_1411 : memref<32x128xf32, #tpu.memory_space<hbm>>) dst(%dma_wait3A_1408 : memref<32x128xf32, #tpu.memory_space<vmem>>)
      %dma_wait3A_1412 = arith.constant 5 : i32
      %dma_wait3A_1413 = arith.constant 0 : i32
      %dma_wait3A_1414 = arith.constant 0 : i32
      %dma_wait3A_1415 = tpu.memref_slice %arg10[%dma_wait3A_1412, %dma_wait3A_1413, %dma_wait3A_1414] : memref<8x32x128xf32, #tpu.memory_space<vmem>> -> memref<1x32x128xf32, #tpu.memory_space<vmem>>
      %dma_wait3A_1416 = tpu.memref_squeeze %dma_wait3A_1415 : memref<1x32x128xf32, #tpu.memory_space<vmem>> -> memref<32x128xf32, #tpu.memory_space<vmem>>
      %dma_wait3A_1417 = arith.constant 0 : i32
      %dma_wait3A_1418 = arith.constant 0 : i32
      %dma_wait3A_1419 = tpu.memref_slice %arg4[%dma_wait3A_1417, %dma_wait3A_1418] : memref<32x1000000xf32, #tpu.memory_space<hbm>> -> memref<32x128xf32, #tpu.memory_space<hbm>>
      %dma_wait3A_1420 = arith.constant 0 : i32
      %dma_wait3A_1421 = arith.constant 0 : i32
      %dma_wait3A_1422 = tpu.memref_slice %arg10[%dma_wait3A_1412, %dma_wait3A_1420, %dma_wait3A_1421] : memref<8x32x128xf32, #tpu.memory_space<vmem>> -> memref<1x32x128xf32, #tpu.memory_space<vmem>>
      %dma_wait3A_1423 = tpu.memref_squeeze %dma_wait3A_1422 : memref<1x32x128xf32, #tpu.memory_space<vmem>> -> memref<32x128xf32, #tpu.memory_space<vmem>>
      %dma_wait3A_1424 = arith.constant 0 : i32
      %dma_wait3A_1425 = arith.constant 0 : i32
      %dma_wait3A_1426 = tpu.memref_slice %arg4[%dma_wait3A_1424, %dma_wait3A_1425] : memref<32x1000000xf32, #tpu.memory_space<hbm>> -> memref<32x128xf32, #tpu.memory_space<hbm>>
      tpu.wait_dma2 semaphore(%arg25 : memref<!tpu.dma_semaphore, #tpu.memory_space<semaphore_mem>>) src(%dma_wait3A_1426 : memref<32x128xf32, #tpu.memory_space<hbm>>) dst(%dma_wait3A_1423 : memref<32x128xf32, #tpu.memory_space<vmem>>)
      %slice3A_1427 = vector.extract_strided_slice %get3A_1257 {offsets = [1], sizes = [1], strides = [1]} : vector<16xi32> to vector<1xi32>
      %squeeze3A_1428 = vector.extract %slice3A_1427[0] : i32 from vector<1xi32>
      %jit3A_1429 = arith.constant 128 : i32
      %div3A_1430 = arith.divsi %squeeze3A_1428, %jit3A_1429 : i32
      %sign3A_1431 = arith.constant 0 : i32
      %sign3A_1432 = arith.cmpi sgt, %squeeze3A_1428, %sign3A_1431 : i32
      %sign3A_1433 = arith.extui %sign3A_1432 : i1 to i32
      %sign3A_1434 = arith.constant 0 : i32
      %sign3A_1435 = arith.cmpi slt, %squeeze3A_1428, %sign3A_1434 : i32
      %sign3A_1436 = arith.extui %sign3A_1435 : i1 to i32
      %sign3A_1437 = arith.subi %sign3A_1433, %sign3A_1436 : i32
      %sign3A_1438 = arith.constant 0 : i32
      %sign3A_1439 = arith.cmpi sgt, %jit3A_1429, %sign3A_1438 : i32
      %sign3A_1440 = arith.extui %sign3A_1439 : i1 to i32
      %sign3A_1441 = arith.constant 0 : i32
      %sign3A_1442 = arith.cmpi slt, %jit3A_1429, %sign3A_1441 : i32
      %sign3A_1443 = arith.extui %sign3A_1442 : i1 to i32
      %sign3A_1444 = arith.subi %sign3A_1440, %sign3A_1443 : i32
      %ne3A_1445 = arith.cmpi ne, %sign3A_1437, %sign3A_1444 : i32
      %rem3A_1446 = arith.remsi %squeeze3A_1428, %jit3A_1429 : i32
      %ne3A_1447 = arith.constant 0 : i32
      %ne3A_1448 = arith.cmpi ne, %rem3A_1446, %ne3A_1447 : i32
      %and3A_1449 = arith.andi %ne3A_1445, %ne3A_1448 : i1
      %sub3A_1450 = arith.constant 1 : i32
      %sub3A_1451 = arith.subi %div3A_1430, %sub3A_1450 : i32
      %select_n3A_1452 = arith.select %and3A_1449, %sub3A_1451, %div3A_1430 : i32
      %mul3A_1453 = arith.constant 128 : i32
      %mul3A_1454 = arith.muli %select_n3A_1452, %mul3A_1453 : i32
      %multiple_of3A_1455 = tpu.assume_multiple %mul3A_1454, 128 : i32
      %sub3A_1456 = arith.subi %squeeze3A_1428, %multiple_of3A_1455 : i32
      %slice3A_1457 = vector.extract_strided_slice %get3A_1261 {offsets = [1], sizes = [1], strides = [1]} : vector<16xi32> to vector<1xi32>
      %squeeze3A_1458 = vector.extract %slice3A_1457[0] : i32 from vector<1xi32>
      %jit3A_1459 = arith.constant 128 : i32
      %div3A_1460 = arith.divsi %squeeze3A_1458, %jit3A_1459 : i32
      %sign3A_1461 = arith.constant 0 : i32
      %sign3A_1462 = arith.cmpi sgt, %squeeze3A_1458, %sign3A_1461 : i32
      %sign3A_1463 = arith.extui %sign3A_1462 : i1 to i32
      %sign3A_1464 = arith.constant 0 : i32
      %sign3A_1465 = arith.cmpi slt, %squeeze3A_1458, %sign3A_1464 : i32
      %sign3A_1466 = arith.extui %sign3A_1465 : i1 to i32
      %sign3A_1467 = arith.subi %sign3A_1463, %sign3A_1466 : i32
      %sign3A_1468 = arith.constant 0 : i32
      %sign3A_1469 = arith.cmpi sgt, %jit3A_1459, %sign3A_1468 : i32
      %sign3A_1470 = arith.extui %sign3A_1469 : i1 to i32
      %sign3A_1471 = arith.constant 0 : i32
      %sign3A_1472 = arith.cmpi slt, %jit3A_1459, %sign3A_1471 : i32
      %sign3A_1473 = arith.extui %sign3A_1472 : i1 to i32
      %sign3A_1474 = arith.subi %sign3A_1470, %sign3A_1473 : i32
      %ne3A_1475 = arith.cmpi ne, %sign3A_1467, %sign3A_1474 : i32
      %rem3A_1476 = arith.remsi %squeeze3A_1458, %jit3A_1459 : i32
      %ne3A_1477 = arith.constant 0 : i32
      %ne3A_1478 = arith.cmpi ne, %rem3A_1476, %ne3A_1477 : i32
      %and3A_1479 = arith.andi %ne3A_1475, %ne3A_1478 : i1
      %sub3A_1480 = arith.constant 1 : i32
      %sub3A_1481 = arith.subi %div3A_1460, %sub3A_1480 : i32
      %select_n3A_1482 = arith.select %and3A_1479, %sub3A_1481, %div3A_1460 : i32
      %mul3A_1483 = arith.constant 128 : i32
      %mul3A_1484 = arith.muli %select_n3A_1482, %mul3A_1483 : i32
      %multiple_of3A_1485 = tpu.assume_multiple %mul3A_1484, 128 : i32
      %sub3A_1486 = arith.subi %squeeze3A_1458, %multiple_of3A_1485 : i32
      %broadcast_in_dim3A_1487 = arith.constant 5 : i32
      %broadcast_in_dim3A_1488 = vector.broadcast %broadcast_in_dim3A_1487 : i32 to vector<16xi32>
      %broadcast_in_dim3A_1489 = vector.broadcast %sub3A_1456 : i32 to vector<16xi32>
      %broadcast_in_dim3A_1490 = vector.broadcast %sub3A_1486 : i32 to vector<16xi32>
      %gather3A_1491 = tpu.vector_load_idx %arg9[%broadcast_in_dim3A_1488, %iota3A, %broadcast_in_dim3A_1489] : memref<8x32x128xf32, #tpu.memory_space<vmem>>[vector<16xi32>, vector<16xi32>, vector<16xi32>], vector<16xf32>,
      %add3A_1492 = arith.constant 16 : i32
      %add3A_1493 = vector.broadcast %add3A_1492 : i32 to vector<16xi32>
      %add3A_1494 = arith.addi %iota3A, %add3A_1493 : vector<16xi32>
      %gather3A_1495 = tpu.vector_load_idx %arg9[%broadcast_in_dim3A_1488, %add3A_1494, %broadcast_in_dim3A_1489] : memref<8x32x128xf32, #tpu.memory_space<vmem>>[vector<16xi32>, vector<16xi32>, vector<16xi32>], vector<16xf32>,
      %gather3A_1496 = tpu.vector_load_idx %arg10[%broadcast_in_dim3A_1488, %iota3A, %broadcast_in_dim3A_1490] : memref<8x32x128xf32, #tpu.memory_space<vmem>>[vector<16xi32>, vector<16xi32>, vector<16xi32>], vector<16xf32>,
      %add3A_1497 = arith.constant 16 : i32
      %add3A_1498 = vector.broadcast %add3A_1497 : i32 to vector<16xi32>
      %add3A_1499 = arith.addi %iota3A, %add3A_1498 : vector<16xi32>
      %gather3A_1500 = tpu.vector_load_idx %arg10[%broadcast_in_dim3A_1488, %add3A_1499, %broadcast_in_dim3A_1490] : memref<8x32x128xf32, #tpu.memory_space<vmem>>[vector<16xi32>, vector<16xi32>, vector<16xi32>], vector<16xf32>,
      %mul3A_1501 = arith.mulf %gather3A_1491, %gather3A_1496 : vector<16xf32>
      %mul3A_1502 = arith.mulf %gather3A_1495, %gather3A_1500 : vector<16xf32>
      %add3A_1503 = arith.addf %mul3A_1501, %mul3A_1502 : vector<16xf32>
      %reduce_sum3A_1504 = arith.constant true
      %reduce_sum3A_1505 = vector.broadcast %reduce_sum3A_1504 : i1 to vector<16xi1>
      %reduce_sum3A_1506 = tpu.scan <sum>, %add3A_1503 masked %reduce_sum3A_1505 : vector<16xf32>, vector<16xi1> -> vector<16xf32>
      %reduce_sum3A_1507 = vector.extract %reduce_sum3A_1506[15] : f32 from vector<16xf32>
      %mul3A_1508 = arith.constant 4 : i32
      %mul3A_1509 = arith.muli %add3A_1253, %mul3A_1508 : i32
      %add3A_1510 = arith.constant 1 : i32
      %add3A_1511 = arith.addi %mul3A_1509, %add3A_1510 : i32
      %jit3A_1512 = arith.constant 16 : i32
      %eq3A_1513 = arith.constant 0 : i32
      %eq3A_1514 = arith.cmpi eq, %jit3A_1512, %eq3A_1513 : i32
      %jit3A_1515 = arith.constant 1 : i32
      %select_n3A_1516 = arith.select %eq3A_1514, %jit3A_1515, %jit3A_1512 : i32
      %rem3A_1517 = arith.remsi %add3A_1511, %select_n3A_1516 : i32
      %ne3A_1518 = arith.constant 0 : i32
      %ne3A_1519 = arith.cmpi ne, %rem3A_1517, %ne3A_1518 : i32
      %lt3A_1520 = arith.constant 0 : i32
      %lt3A_1521 = arith.cmpi slt, %rem3A_1517, %lt3A_1520 : i32
      %lt3A_1522 = arith.constant 0 : i32
      %lt3A_1523 = arith.cmpi slt, %select_n3A_1516, %lt3A_1522 : i32
      %ne3A_1524 = arith.xori %lt3A_1521, %lt3A_1523 : i1
      %and3A_1525 = arith.andi %ne3A_1524, %ne3A_1519 : i1
      %add3A_1526 = arith.addi %rem3A_1517, %select_n3A_1516 : i32
      %select_n3A_1527 = arith.select %and3A_1525, %add3A_1526, %rem3A_1517 : i32
      %eq3A_1528 = vector.broadcast %select_n3A_1527 : i32 to vector<16xi32>
      %eq3A_1529 = arith.cmpi eq, %iota3A, %eq3A_1528 : vector<16xi32>
      %broadcast_in_dim3A_1530 = vector.broadcast %reduce_sum3A_1507 : f32 to vector<16xf32>
      %select_n3A_1531 = arith.select %eq3A_1529, %broadcast_in_dim3A_1530, %select_n3A_1396 : vector<16xi1>, vector<16xf32>
      %dma_wait3A_1532 = arith.constant 6 : i32
      %dma_wait3A_1533 = arith.constant 0 : i32
      %dma_wait3A_1534 = arith.constant 0 : i32
      %dma_wait3A_1535 = tpu.memref_slice %arg9[%dma_wait3A_1532, %dma_wait3A_1533, %dma_wait3A_1534] : memref<8x32x128xf32, #tpu.memory_space<vmem>> -> memref<1x32x128xf32, #tpu.memory_space<vmem>>
      %dma_wait3A_1536 = tpu.memref_squeeze %dma_wait3A_1535 : memref<1x32x128xf32, #tpu.memory_space<vmem>> -> memref<32x128xf32, #tpu.memory_space<vmem>>
      %dma_wait3A_1537 = arith.constant 0 : i32
      %dma_wait3A_1538 = arith.constant 0 : i32
      %dma_wait3A_1539 = tpu.memref_slice %arg4[%dma_wait3A_1537, %dma_wait3A_1538] : memref<32x1000000xf32, #tpu.memory_space<hbm>> -> memref<32x128xf32, #tpu.memory_space<hbm>>
      %dma_wait3A_1540 = arith.constant 0 : i32
      %dma_wait3A_1541 = arith.constant 0 : i32
      %dma_wait3A_1542 = tpu.memref_slice %arg9[%dma_wait3A_1532, %dma_wait3A_1540, %dma_wait3A_1541] : memref<8x32x128xf32, #tpu.memory_space<vmem>> -> memref<1x32x128xf32, #tpu.memory_space<vmem>>
      %dma_wait3A_1543 = tpu.memref_squeeze %dma_wait3A_1542 : memref<1x32x128xf32, #tpu.memory_space<vmem>> -> memref<32x128xf32, #tpu.memory_space<vmem>>
      %dma_wait3A_1544 = arith.constant 0 : i32
      %dma_wait3A_1545 = arith.constant 0 : i32
      %dma_wait3A_1546 = tpu.memref_slice %arg4[%dma_wait3A_1544, %dma_wait3A_1545] : memref<32x1000000xf32, #tpu.memory_space<hbm>> -> memref<32x128xf32, #tpu.memory_space<hbm>>
      tpu.wait_dma2 semaphore(%arg18 : memref<!tpu.dma_semaphore, #tpu.memory_space<semaphore_mem>>) src(%dma_wait3A_1546 : memref<32x128xf32, #tpu.memory_space<hbm>>) dst(%dma_wait3A_1543 : memref<32x128xf32, #tpu.memory_space<vmem>>)
      %dma_wait3A_1547 = arith.constant 6 : i32
      %dma_wait3A_1548 = arith.constant 0 : i32
      %dma_wait3A_1549 = arith.constant 0 : i32
      %dma_wait3A_1550 = tpu.memref_slice %arg10[%dma_wait3A_1547, %dma_wait3A_1548, %dma_wait3A_1549] : memref<8x32x128xf32, #tpu.memory_space<vmem>> -> memref<1x32x128xf32, #tpu.memory_space<vmem>>
      %dma_wait3A_1551 = tpu.memref_squeeze %dma_wait3A_1550 : memref<1x32x128xf32, #tpu.memory_space<vmem>> -> memref<32x128xf32, #tpu.memory_space<vmem>>
      %dma_wait3A_1552 = arith.constant 0 : i32
      %dma_wait3A_1553 = arith.constant 0 : i32
      %dma_wait3A_1554 = tpu.memref_slice %arg4[%dma_wait3A_1552, %dma_wait3A_1553] : memref<32x1000000xf32, #tpu.memory_space<hbm>> -> memref<32x128xf32, #tpu.memory_space<hbm>>
      %dma_wait3A_1555 = arith.constant 0 : i32
      %dma_wait3A_1556 = arith.constant 0 : i32
      %dma_wait3A_1557 = tpu.memref_slice %arg10[%dma_wait3A_1547, %dma_wait3A_1555, %dma_wait3A_1556] : memref<8x32x128xf32, #tpu.memory_space<vmem>> -> memref<1x32x128xf32, #tpu.memory_space<vmem>>
      %dma_wait3A_1558 = tpu.memref_squeeze %dma_wait3A_1557 : memref<1x32x128xf32, #tpu.memory_space<vmem>> -> memref<32x128xf32, #tpu.memory_space<vmem>>
      %dma_wait3A_1559 = arith.constant 0 : i32
      %dma_wait3A_1560 = arith.constant 0 : i32
      %dma_wait3A_1561 = tpu.memref_slice %arg4[%dma_wait3A_1559, %dma_wait3A_1560] : memref<32x1000000xf32, #tpu.memory_space<hbm>> -> memref<32x128xf32, #tpu.memory_space<hbm>>
      tpu.wait_dma2 semaphore(%arg26 : memref<!tpu.dma_semaphore, #tpu.memory_space<semaphore_mem>>) src(%dma_wait3A_1561 : memref<32x128xf32, #tpu.memory_space<hbm>>) dst(%dma_wait3A_1558 : memref<32x128xf32, #tpu.memory_space<vmem>>)
      %slice3A_1562 = vector.extract_strided_slice %get3A_1257 {offsets = [2], sizes = [1], strides = [1]} : vector<16xi32> to vector<1xi32>
      %squeeze3A_1563 = vector.extract %slice3A_1562[0] : i32 from vector<1xi32>
      %jit3A_1564 = arith.constant 128 : i32
      %div3A_1565 = arith.divsi %squeeze3A_1563, %jit3A_1564 : i32
      %sign3A_1566 = arith.constant 0 : i32
      %sign3A_1567 = arith.cmpi sgt, %squeeze3A_1563, %sign3A_1566 : i32
      %sign3A_1568 = arith.extui %sign3A_1567 : i1 to i32
      %sign3A_1569 = arith.constant 0 : i32
      %sign3A_1570 = arith.cmpi slt, %squeeze3A_1563, %sign3A_1569 : i32
      %sign3A_1571 = arith.extui %sign3A_1570 : i1 to i32
      %sign3A_1572 = arith.subi %sign3A_1568, %sign3A_1571 : i32
      %sign3A_1573 = arith.constant 0 : i32
      %sign3A_1574 = arith.cmpi sgt, %jit3A_1564, %sign3A_1573 : i32
      %sign3A_1575 = arith.extui %sign3A_1574 : i1 to i32
      %sign3A_1576 = arith.constant 0 : i32
      %sign3A_1577 = arith.cmpi slt, %jit3A_1564, %sign3A_1576 : i32
      %sign3A_1578 = arith.extui %sign3A_1577 : i1 to i32
      %sign3A_1579 = arith.subi %sign3A_1575, %sign3A_1578 : i32
      %ne3A_1580 = arith.cmpi ne, %sign3A_1572, %sign3A_1579 : i32
      %rem3A_1581 = arith.remsi %squeeze3A_1563, %jit3A_1564 : i32
      %ne3A_1582 = arith.constant 0 : i32
      %ne3A_1583 = arith.cmpi ne, %rem3A_1581, %ne3A_1582 : i32
      %and3A_1584 = arith.andi %ne3A_1580, %ne3A_1583 : i1
      %sub3A_1585 = arith.constant 1 : i32
      %sub3A_1586 = arith.subi %div3A_1565, %sub3A_1585 : i32
      %select_n3A_1587 = arith.select %and3A_1584, %sub3A_1586, %div3A_1565 : i32
      %mul3A_1588 = arith.constant 128 : i32
      %mul3A_1589 = arith.muli %select_n3A_1587, %mul3A_1588 : i32
      %multiple_of3A_1590 = tpu.assume_multiple %mul3A_1589, 128 : i32
      %sub3A_1591 = arith.subi %squeeze3A_1563, %multiple_of3A_1590 : i32
      %slice3A_1592 = vector.extract_strided_slice %get3A_1261 {offsets = [2], sizes = [1], strides = [1]} : vector<16xi32> to vector<1xi32>
      %squeeze3A_1593 = vector.extract %slice3A_1592[0] : i32 from vector<1xi32>
      %jit3A_1594 = arith.constant 128 : i32
      %div3A_1595 = arith.divsi %squeeze3A_1593, %jit3A_1594 : i32
      %sign3A_1596 = arith.constant 0 : i32
      %sign3A_1597 = arith.cmpi sgt, %squeeze3A_1593, %sign3A_1596 : i32
      %sign3A_1598 = arith.extui %sign3A_1597 : i1 to i32
      %sign3A_1599 = arith.constant 0 : i32
      %sign3A_1600 = arith.cmpi slt, %squeeze3A_1593, %sign3A_1599 : i32
      %sign3A_1601 = arith.extui %sign3A_1600 : i1 to i32
      %sign3A_1602 = arith.subi %sign3A_1598, %sign3A_1601 : i32
      %sign3A_1603 = arith.constant 0 : i32
      %sign3A_1604 = arith.cmpi sgt, %jit3A_1594, %sign3A_1603 : i32
      %sign3A_1605 = arith.extui %sign3A_1604 : i1 to i32
      %sign3A_1606 = arith.constant 0 : i32
      %sign3A_1607 = arith.cmpi slt, %jit3A_1594, %sign3A_1606 : i32
      %sign3A_1608 = arith.extui %sign3A_1607 : i1 to i32
      %sign3A_1609 = arith.subi %sign3A_1605, %sign3A_1608 : i32
      %ne3A_1610 = arith.cmpi ne, %sign3A_1602, %sign3A_1609 : i32
      %rem3A_1611 = arith.remsi %squeeze3A_1593, %jit3A_1594 : i32
      %ne3A_1612 = arith.constant 0 : i32
      %ne3A_1613 = arith.cmpi ne, %rem3A_1611, %ne3A_1612 : i32
      %and3A_1614 = arith.andi %ne3A_1610, %ne3A_1613 : i1
      %sub3A_1615 = arith.constant 1 : i32
      %sub3A_1616 = arith.subi %div3A_1595, %sub3A_1615 : i32
      %select_n3A_1617 = arith.select %and3A_1614, %sub3A_1616, %div3A_1595 : i32
      %mul3A_1618 = arith.constant 128 : i32
      %mul3A_1619 = arith.muli %select_n3A_1617, %mul3A_1618 : i32
      %multiple_of3A_1620 = tpu.assume_multiple %mul3A_1619, 128 : i32
      %sub3A_1621 = arith.subi %squeeze3A_1593, %multiple_of3A_1620 : i32
      %broadcast_in_dim3A_1622 = arith.constant 6 : i32
      %broadcast_in_dim3A_1623 = vector.broadcast %broadcast_in_dim3A_1622 : i32 to vector<16xi32>
      %broadcast_in_dim3A_1624 = vector.broadcast %sub3A_1591 : i32 to vector<16xi32>
      %broadcast_in_dim3A_1625 = vector.broadcast %sub3A_1621 : i32 to vector<16xi32>
      %gather3A_1626 = tpu.vector_load_idx %arg9[%broadcast_in_dim3A_1623, %iota3A, %broadcast_in_dim3A_1624] : memref<8x32x128xf32, #tpu.memory_space<vmem>>[vector<16xi32>, vector<16xi32>, vector<16xi32>], vector<16xf32>,
      %add3A_1627 = arith.constant 16 : i32
      %add3A_1628 = vector.broadcast %add3A_1627 : i32 to vector<16xi32>
      %add3A_1629 = arith.addi %iota3A, %add3A_1628 : vector<16xi32>
      %gather3A_1630 = tpu.vector_load_idx %arg9[%broadcast_in_dim3A_1623, %add3A_1629, %broadcast_in_dim3A_1624] : memref<8x32x128xf32, #tpu.memory_space<vmem>>[vector<16xi32>, vector<16xi32>, vector<16xi32>], vector<16xf32>,
      %gather3A_1631 = tpu.vector_load_idx %arg10[%broadcast_in_dim3A_1623, %iota3A, %broadcast_in_dim3A_1625] : memref<8x32x128xf32, #tpu.memory_space<vmem>>[vector<16xi32>, vector<16xi32>, vector<16xi32>], vector<16xf32>,
      %add3A_1632 = arith.constant 16 : i32
      %add3A_1633 = vector.broadcast %add3A_1632 : i32 to vector<16xi32>
      %add3A_1634 = arith.addi %iota3A, %add3A_1633 : vector<16xi32>
      %gather3A_1635 = tpu.vector_load_idx %arg10[%broadcast_in_dim3A_1623, %add3A_1634, %broadcast_in_dim3A_1625] : memref<8x32x128xf32, #tpu.memory_space<vmem>>[vector<16xi32>, vector<16xi32>, vector<16xi32>], vector<16xf32>,
      %mul3A_1636 = arith.mulf %gather3A_1626, %gather3A_1631 : vector<16xf32>
      %mul3A_1637 = arith.mulf %gather3A_1630, %gather3A_1635 : vector<16xf32>
      %add3A_1638 = arith.addf %mul3A_1636, %mul3A_1637 : vector<16xf32>
      %reduce_sum3A_1639 = arith.constant true
      %reduce_sum3A_1640 = vector.broadcast %reduce_sum3A_1639 : i1 to vector<16xi1>
      %reduce_sum3A_1641 = tpu.scan <sum>, %add3A_1638 masked %reduce_sum3A_1640 : vector<16xf32>, vector<16xi1> -> vector<16xf32>
      %reduce_sum3A_1642 = vector.extract %reduce_sum3A_1641[15] : f32 from vector<16xf32>
      %mul3A_1643 = arith.constant 4 : i32
      %mul3A_1644 = arith.muli %add3A_1253, %mul3A_1643 : i32
      %add3A_1645 = arith.constant 2 : i32
      %add3A_1646 = arith.addi %mul3A_1644, %add3A_1645 : i32
      %jit3A_1647 = arith.constant 16 : i32
      %eq3A_1648 = arith.constant 0 : i32
      %eq3A_1649 = arith.cmpi eq, %jit3A_1647, %eq3A_1648 : i32
      %jit3A_1650 = arith.constant 1 : i32
      %select_n3A_1651 = arith.select %eq3A_1649, %jit3A_1650, %jit3A_1647 : i32
      %rem3A_1652 = arith.remsi %add3A_1646, %select_n3A_1651 : i32
      %ne3A_1653 = arith.constant 0 : i32
      %ne3A_1654 = arith.cmpi ne, %rem3A_1652, %ne3A_1653 : i32
      %lt3A_1655 = arith.constant 0 : i32
      %lt3A_1656 = arith.cmpi slt, %rem3A_1652, %lt3A_1655 : i32
      %lt3A_1657 = arith.constant 0 : i32
      %lt3A_1658 = arith.cmpi slt, %select_n3A_1651, %lt3A_1657 : i32
      %ne3A_1659 = arith.xori %lt3A_1656, %lt3A_1658 : i1
      %and3A_1660 = arith.andi %ne3A_1659, %ne3A_1654 : i1
      %add3A_1661 = arith.addi %rem3A_1652, %select_n3A_1651 : i32
      %select_n3A_1662 = arith.select %and3A_1660, %add3A_1661, %rem3A_1652 : i32
      %eq3A_1663 = vector.broadcast %select_n3A_1662 : i32 to vector<16xi32>
      %eq3A_1664 = arith.cmpi eq, %iota3A, %eq3A_1663 : vector<16xi32>
      %broadcast_in_dim3A_1665 = vector.broadcast %reduce_sum3A_1642 : f32 to vector<16xf32>
      %select_n3A_1666 = arith.select %eq3A_1664, %broadcast_in_dim3A_1665, %select_n3A_1531 : vector<16xi1>, vector<16xf32>
      %dma_wait3A_1667 = arith.constant 7 : i32
      %dma_wait3A_1668 = arith.constant 0 : i32
      %dma_wait3A_1669 = arith.constant 0 : i32
      %dma_wait3A_1670 = tpu.memref_slice %arg9[%dma_wait3A_1667, %dma_wait3A_1668, %dma_wait3A_1669] : memref<8x32x128xf32, #tpu.memory_space<vmem>> -> memref<1x32x128xf32, #tpu.memory_space<vmem>>
      %dma_wait3A_1671 = tpu.memref_squeeze %dma_wait3A_1670 : memref<1x32x128xf32, #tpu.memory_space<vmem>> -> memref<32x128xf32, #tpu.memory_space<vmem>>
      %dma_wait3A_1672 = arith.constant 0 : i32
      %dma_wait3A_1673 = arith.constant 0 : i32
      %dma_wait3A_1674 = tpu.memref_slice %arg4[%dma_wait3A_1672, %dma_wait3A_1673] : memref<32x1000000xf32, #tpu.memory_space<hbm>> -> memref<32x128xf32, #tpu.memory_space<hbm>>
      %dma_wait3A_1675 = arith.constant 0 : i32
      %dma_wait3A_1676 = arith.constant 0 : i32
      %dma_wait3A_1677 = tpu.memref_slice %arg9[%dma_wait3A_1667, %dma_wait3A_1675, %dma_wait3A_1676] : memref<8x32x128xf32, #tpu.memory_space<vmem>> -> memref<1x32x128xf32, #tpu.memory_space<vmem>>
      %dma_wait3A_1678 = tpu.memref_squeeze %dma_wait3A_1677 : memref<1x32x128xf32, #tpu.memory_space<vmem>> -> memref<32x128xf32, #tpu.memory_space<vmem>>
      %dma_wait3A_1679 = arith.constant 0 : i32
      %dma_wait3A_1680 = arith.constant 0 : i32
      %dma_wait3A_1681 = tpu.memref_slice %arg4[%dma_wait3A_1679, %dma_wait3A_1680] : memref<32x1000000xf32, #tpu.memory_space<hbm>> -> memref<32x128xf32, #tpu.memory_space<hbm>>
      tpu.wait_dma2 semaphore(%arg19 : memref<!tpu.dma_semaphore, #tpu.memory_space<semaphore_mem>>) src(%dma_wait3A_1681 : memref<32x128xf32, #tpu.memory_space<hbm>>) dst(%dma_wait3A_1678 : memref<32x128xf32, #tpu.memory_space<vmem>>)
      %dma_wait3A_1682 = arith.constant 7 : i32
      %dma_wait3A_1683 = arith.constant 0 : i32
      %dma_wait3A_1684 = arith.constant 0 : i32
      %dma_wait3A_1685 = tpu.memref_slice %arg10[%dma_wait3A_1682, %dma_wait3A_1683, %dma_wait3A_1684] : memref<8x32x128xf32, #tpu.memory_space<vmem>> -> memref<1x32x128xf32, #tpu.memory_space<vmem>>
      %dma_wait3A_1686 = tpu.memref_squeeze %dma_wait3A_1685 : memref<1x32x128xf32, #tpu.memory_space<vmem>> -> memref<32x128xf32, #tpu.memory_space<vmem>>
      %dma_wait3A_1687 = arith.constant 0 : i32
      %dma_wait3A_1688 = arith.constant 0 : i32
      %dma_wait3A_1689 = tpu.memref_slice %arg4[%dma_wait3A_1687, %dma_wait3A_1688] : memref<32x1000000xf32, #tpu.memory_space<hbm>> -> memref<32x128xf32, #tpu.memory_space<hbm>>
      %dma_wait3A_1690 = arith.constant 0 : i32
      %dma_wait3A_1691 = arith.constant 0 : i32
      %dma_wait3A_1692 = tpu.memref_slice %arg10[%dma_wait3A_1682, %dma_wait3A_1690, %dma_wait3A_1691] : memref<8x32x128xf32, #tpu.memory_space<vmem>> -> memref<1x32x128xf32, #tpu.memory_space<vmem>>
      %dma_wait3A_1693 = tpu.memref_squeeze %dma_wait3A_1692 : memref<1x32x128xf32, #tpu.memory_space<vmem>> -> memref<32x128xf32, #tpu.memory_space<vmem>>
      %dma_wait3A_1694 = arith.constant 0 : i32
      %dma_wait3A_1695 = arith.constant 0 : i32
      %dma_wait3A_1696 = tpu.memref_slice %arg4[%dma_wait3A_1694, %dma_wait3A_1695] : memref<32x1000000xf32, #tpu.memory_space<hbm>> -> memref<32x128xf32, #tpu.memory_space<hbm>>
      tpu.wait_dma2 semaphore(%arg27 : memref<!tpu.dma_semaphore, #tpu.memory_space<semaphore_mem>>) src(%dma_wait3A_1696 : memref<32x128xf32, #tpu.memory_space<hbm>>) dst(%dma_wait3A_1693 : memref<32x128xf32, #tpu.memory_space<vmem>>)
      %slice3A_1697 = vector.extract_strided_slice %get3A_1257 {offsets = [3], sizes = [1], strides = [1]} : vector<16xi32> to vector<1xi32>
      %squeeze3A_1698 = vector.extract %slice3A_1697[0] : i32 from vector<1xi32>
      %jit3A_1699 = arith.constant 128 : i32
      %div3A_1700 = arith.divsi %squeeze3A_1698, %jit3A_1699 : i32
      %sign3A_1701 = arith.constant 0 : i32
      %sign3A_1702 = arith.cmpi sgt, %squeeze3A_1698, %sign3A_1701 : i32
      %sign3A_1703 = arith.extui %sign3A_1702 : i1 to i32
      %sign3A_1704 = arith.constant 0 : i32
      %sign3A_1705 = arith.cmpi slt, %squeeze3A_1698, %sign3A_1704 : i32
      %sign3A_1706 = arith.extui %sign3A_1705 : i1 to i32
      %sign3A_1707 = arith.subi %sign3A_1703, %sign3A_1706 : i32
      %sign3A_1708 = arith.constant 0 : i32
      %sign3A_1709 = arith.cmpi sgt, %jit3A_1699, %sign3A_1708 : i32
      %sign3A_1710 = arith.extui %sign3A_1709 : i1 to i32
      %sign3A_1711 = arith.constant 0 : i32
      %sign3A_1712 = arith.cmpi slt, %jit3A_1699, %sign3A_1711 : i32
      %sign3A_1713 = arith.extui %sign3A_1712 : i1 to i32
      %sign3A_1714 = arith.subi %sign3A_1710, %sign3A_1713 : i32
      %ne3A_1715 = arith.cmpi ne, %sign3A_1707, %sign3A_1714 : i32
      %rem3A_1716 = arith.remsi %squeeze3A_1698, %jit3A_1699 : i32
      %ne3A_1717 = arith.constant 0 : i32
      %ne3A_1718 = arith.cmpi ne, %rem3A_1716, %ne3A_1717 : i32
      %and3A_1719 = arith.andi %ne3A_1715, %ne3A_1718 : i1
      %sub3A_1720 = arith.constant 1 : i32
      %sub3A_1721 = arith.subi %div3A_1700, %sub3A_1720 : i32
      %select_n3A_1722 = arith.select %and3A_1719, %sub3A_1721, %div3A_1700 : i32
      %mul3A_1723 = arith.constant 128 : i32
      %mul3A_1724 = arith.muli %select_n3A_1722, %mul3A_1723 : i32
      %multiple_of3A_1725 = tpu.assume_multiple %mul3A_1724, 128 : i32
      %sub3A_1726 = arith.subi %squeeze3A_1698, %multiple_of3A_1725 : i32
      %slice3A_1727 = vector.extract_strided_slice %get3A_1261 {offsets = [3], sizes = [1], strides = [1]} : vector<16xi32> to vector<1xi32>
      %squeeze3A_1728 = vector.extract %slice3A_1727[0] : i32 from vector<1xi32>
      %jit3A_1729 = arith.constant 128 : i32
      %div3A_1730 = arith.divsi %squeeze3A_1728, %jit3A_1729 : i32
      %sign3A_1731 = arith.constant 0 : i32
      %sign3A_1732 = arith.cmpi sgt, %squeeze3A_1728, %sign3A_1731 : i32
      %sign3A_1733 = arith.extui %sign3A_1732 : i1 to i32
      %sign3A_1734 = arith.constant 0 : i32
      %sign3A_1735 = arith.cmpi slt, %squeeze3A_1728, %sign3A_1734 : i32
      %sign3A_1736 = arith.extui %sign3A_1735 : i1 to i32
      %sign3A_1737 = arith.subi %sign3A_1733, %sign3A_1736 : i32
      %sign3A_1738 = arith.constant 0 : i32
      %sign3A_1739 = arith.cmpi sgt, %jit3A_1729, %sign3A_1738 : i32
      %sign3A_1740 = arith.extui %sign3A_1739 : i1 to i32
      %sign3A_1741 = arith.constant 0 : i32
      %sign3A_1742 = arith.cmpi slt, %jit3A_1729, %sign3A_1741 : i32
      %sign3A_1743 = arith.extui %sign3A_1742 : i1 to i32
      %sign3A_1744 = arith.subi %sign3A_1740, %sign3A_1743 : i32
      %ne3A_1745 = arith.cmpi ne, %sign3A_1737, %sign3A_1744 : i32
      %rem3A_1746 = arith.remsi %squeeze3A_1728, %jit3A_1729 : i32
      %ne3A_1747 = arith.constant 0 : i32
      %ne3A_1748 = arith.cmpi ne, %rem3A_1746, %ne3A_1747 : i32
      %and3A_1749 = arith.andi %ne3A_1745, %ne3A_1748 : i1
      %sub3A_1750 = arith.constant 1 : i32
      %sub3A_1751 = arith.subi %div3A_1730, %sub3A_1750 : i32
      %select_n3A_1752 = arith.select %and3A_1749, %sub3A_1751, %div3A_1730 : i32
      %mul3A_1753 = arith.constant 128 : i32
      %mul3A_1754 = arith.muli %select_n3A_1752, %mul3A_1753 : i32
      %multiple_of3A_1755 = tpu.assume_multiple %mul3A_1754, 128 : i32
      %sub3A_1756 = arith.subi %squeeze3A_1728, %multiple_of3A_1755 : i32
      %broadcast_in_dim3A_1757 = arith.constant 7 : i32
      %broadcast_in_dim3A_1758 = vector.broadcast %broadcast_in_dim3A_1757 : i32 to vector<16xi32>
      %broadcast_in_dim3A_1759 = vector.broadcast %sub3A_1726 : i32 to vector<16xi32>
      %broadcast_in_dim3A_1760 = vector.broadcast %sub3A_1756 : i32 to vector<16xi32>
      %gather3A_1761 = tpu.vector_load_idx %arg9[%broadcast_in_dim3A_1758, %iota3A, %broadcast_in_dim3A_1759] : memref<8x32x128xf32, #tpu.memory_space<vmem>>[vector<16xi32>, vector<16xi32>, vector<16xi32>], vector<16xf32>,
      %add3A_1762 = arith.constant 16 : i32
      %add3A_1763 = vector.broadcast %add3A_1762 : i32 to vector<16xi32>
      %add3A_1764 = arith.addi %iota3A, %add3A_1763 : vector<16xi32>
      %gather3A_1765 = tpu.vector_load_idx %arg9[%broadcast_in_dim3A_1758, %add3A_1764, %broadcast_in_dim3A_1759] : memref<8x32x128xf32, #tpu.memory_space<vmem>>[vector<16xi32>, vector<16xi32>, vector<16xi32>], vector<16xf32>,
      %gather3A_1766 = tpu.vector_load_idx %arg10[%broadcast_in_dim3A_1758, %iota3A, %broadcast_in_dim3A_1760] : memref<8x32x128xf32, #tpu.memory_space<vmem>>[vector<16xi32>, vector<16xi32>, vector<16xi32>], vector<16xf32>,
      %add3A_1767 = arith.constant 16 : i32
      %add3A_1768 = vector.broadcast %add3A_1767 : i32 to vector<16xi32>
      %add3A_1769 = arith.addi %iota3A, %add3A_1768 : vector<16xi32>
      %gather3A_1770 = tpu.vector_load_idx %arg10[%broadcast_in_dim3A_1758, %add3A_1769, %broadcast_in_dim3A_1760] : memref<8x32x128xf32, #tpu.memory_space<vmem>>[vector<16xi32>, vector<16xi32>, vector<16xi32>], vector<16xf32>,
      %mul3A_1771 = arith.mulf %gather3A_1761, %gather3A_1766 : vector<16xf32>
      %mul3A_1772 = arith.mulf %gather3A_1765, %gather3A_1770 : vector<16xf32>
      %add3A_1773 = arith.addf %mul3A_1771, %mul3A_1772 : vector<16xf32>
      %reduce_sum3A_1774 = arith.constant true
      %reduce_sum3A_1775 = vector.broadcast %reduce_sum3A_1774 : i1 to vector<16xi1>
      %reduce_sum3A_1776 = tpu.scan <sum>, %add3A_1773 masked %reduce_sum3A_1775 : vector<16xf32>, vector<16xi1> -> vector<16xf32>
      %reduce_sum3A_1777 = vector.extract %reduce_sum3A_1776[15] : f32 from vector<16xf32>
      %mul3A_1778 = arith.constant 4 : i32
      %mul3A_1779 = arith.muli %add3A_1253, %mul3A_1778 : i32
      %add3A_1780 = arith.constant 3 : i32
      %add3A_1781 = arith.addi %mul3A_1779, %add3A_1780 : i32
      %jit3A_1782 = arith.constant 16 : i32
      %eq3A_1783 = arith.constant 0 : i32
      %eq3A_1784 = arith.cmpi eq, %jit3A_1782, %eq3A_1783 : i32
      %jit3A_1785 = arith.constant 1 : i32
      %select_n3A_1786 = arith.select %eq3A_1784, %jit3A_1785, %jit3A_1782 : i32
      %rem3A_1787 = arith.remsi %add3A_1781, %select_n3A_1786 : i32
      %ne3A_1788 = arith.constant 0 : i32
      %ne3A_1789 = arith.cmpi ne, %rem3A_1787, %ne3A_1788 : i32
      %lt3A_1790 = arith.constant 0 : i32
      %lt3A_1791 = arith.cmpi slt, %rem3A_1787, %lt3A_1790 : i32
      %lt3A_1792 = arith.constant 0 : i32
      %lt3A_1793 = arith.cmpi slt, %select_n3A_1786, %lt3A_1792 : i32
      %ne3A_1794 = arith.xori %lt3A_1791, %lt3A_1793 : i1
      %and3A_1795 = arith.andi %ne3A_1794, %ne3A_1789 : i1
      %add3A_1796 = arith.addi %rem3A_1787, %select_n3A_1786 : i32
      %select_n3A_1797 = arith.select %and3A_1795, %add3A_1796, %rem3A_1787 : i32
      %eq3A_1798 = vector.broadcast %select_n3A_1797 : i32 to vector<16xi32>
      %eq3A_1799 = arith.cmpi eq, %iota3A, %eq3A_1798 : vector<16xi32>
      %broadcast_in_dim3A_1800 = vector.broadcast %reduce_sum3A_1777 : f32 to vector<16xf32>
      %select_n3A_1801 = arith.select %eq3A_1799, %broadcast_in_dim3A_1800, %select_n3A_1666 : vector<16xi1>, vector<16xf32>
      %jit3A_1802 = arith.constant 2 : i32
      %eq3A_1803 = arith.constant 0 : i32
      %eq3A_1804 = arith.cmpi eq, %jit3A_1802, %eq3A_1803 : i32
      %jit3A_1805 = arith.constant 1 : i32
      %select_n3A_1806 = arith.select %eq3A_1804, %jit3A_1805, %jit3A_1802 : i32
      %rem3A_1807 = arith.remsi %scan3A_344, %select_n3A_1806 : i32
      %ne3A_1808 = arith.constant 0 : i32
      %ne3A_1809 = arith.cmpi ne, %rem3A_1807, %ne3A_1808 : i32
      %lt3A_1810 = arith.constant 0 : i32
      %lt3A_1811 = arith.cmpi slt, %rem3A_1807, %lt3A_1810 : i32
      %lt3A_1812 = arith.constant 0 : i32
      %lt3A_1813 = arith.cmpi slt, %select_n3A_1806, %lt3A_1812 : i32
      %ne3A_1814 = arith.xori %lt3A_1811, %lt3A_1813 : i1
      %and3A_1815 = arith.andi %ne3A_1814, %ne3A_1809 : i1
      %add3A_1816 = arith.addi %rem3A_1807, %select_n3A_1806 : i32
      %select_n3A_1817 = arith.select %and3A_1815, %add3A_1816, %rem3A_1807 : i32
      %eq3A_1818 = arith.constant 1 : i32
      %eq3A_1819 = arith.cmpi eq, %select_n3A_1817, %eq3A_1818 : i32
      %convert_element_type3A_1820 = arith.extui %eq3A_1819 : i1 to i32
      %cond3A_1821 = arith.constant 0 : i32
      %cond3A_1822 = arith.cmpi ne, %convert_element_type3A_1820, %cond3A_1821 : i32
      scf.if %cond3A_1822 {
        %neg3A = arith.constant 0.000000e+00 : f32
        %neg3A_1844 = vector.broadcast %neg3A : f32 to vector<16xf32>
        %neg3A_1845 = arith.subf %neg3A_1844, %select_n3A_1801 : vector<16xf32>
        %exp3A = math.exp %neg3A_1845 : vector<16xf32>
        %add3A_1846 = arith.constant 1.000000e+00 : f32
        %add3A_1847 = vector.broadcast %add3A_1846 : f32 to vector<16xf32>
        %add3A_1848 = arith.addf %add3A_1847, %exp3A : vector<16xf32>
        %div3A_1849 = arith.constant 1.000000e+00 : f32
        %div3A_1850 = vector.broadcast %div3A_1849 : f32 to vector<16xf32>
        %div3A_1851 = arith.divf %div3A_1850, %add3A_1848 : vector<16xf32>
        %jit3A_1852 = arith.constant 2 : i32
        %div3A_1853 = arith.divsi %scan3A_344, %jit3A_1852 : i32
        %sign3A_1854 = arith.constant 0 : i32
        %sign3A_1855 = arith.cmpi sgt, %scan3A_344, %sign3A_1854 : i32
        %sign3A_1856 = arith.extui %sign3A_1855 : i1 to i32
        %sign3A_1857 = arith.constant 0 : i32
        %sign3A_1858 = arith.cmpi slt, %scan3A_344, %sign3A_1857 : i32
        %sign3A_1859 = arith.extui %sign3A_1858 : i1 to i32
        %sign3A_1860 = arith.subi %sign3A_1856, %sign3A_1859 : i32
        %sign3A_1861 = arith.constant 0 : i32
        %sign3A_1862 = arith.cmpi sgt, %jit3A_1852, %sign3A_1861 : i32
        %sign3A_1863 = arith.extui %sign3A_1862 : i1 to i32
        %sign3A_1864 = arith.constant 0 : i32
        %sign3A_1865 = arith.cmpi slt, %jit3A_1852, %sign3A_1864 : i32
        %sign3A_1866 = arith.extui %sign3A_1865 : i1 to i32
        %sign3A_1867 = arith.subi %sign3A_1863, %sign3A_1866 : i32
        %ne3A_1868 = arith.cmpi ne, %sign3A_1860, %sign3A_1867 : i32
        %rem3A_1869 = arith.remsi %scan3A_344, %jit3A_1852 : i32
        %ne3A_1870 = arith.constant 0 : i32
        %ne3A_1871 = arith.cmpi ne, %rem3A_1869, %ne3A_1870 : i32
        %and3A_1872 = arith.andi %ne3A_1868, %ne3A_1871 : i1
        %sub3A_1873 = arith.constant 1 : i32
        %sub3A_1874 = arith.subi %div3A_1853, %sub3A_1873 : i32
        %select_n3A_1875 = arith.select %and3A_1872, %sub3A_1874, %div3A_1853 : i32
        %mul3A_1876 = arith.constant 16 : i32
        %mul3A_1877 = arith.muli %select_n3A_1875, %mul3A_1876 : i32
        %swap3A = arith.index_cast %mul3A_1877 : i32 to index
        %swap3A_1878 = tpu.vector_load %arg11[%swap3A] {strides = array<i32>} : memref<512xf32, #tpu.memory_space<vmem>>, vector<16xf32>,
        tpu.vector_store %arg11[%swap3A], %div3A_1851 {strides = array<i32>} : memref<512xf32, #tpu.memory_space<vmem>>, vector<16xf32>,
      } else {
      }
      %jit3A_1823 = arith.constant 2 : i32
      %eq3A_1824 = arith.constant 0 : i32
      %eq3A_1825 = arith.cmpi eq, %jit3A_1823, %eq3A_1824 : i32
      %jit3A_1826 = arith.constant 1 : i32
      %select_n3A_1827 = arith.select %eq3A_1825, %jit3A_1826, %jit3A_1823 : i32
      %rem3A_1828 = arith.remsi %scan3A_344, %select_n3A_1827 : i32
      %ne3A_1829 = arith.constant 0 : i32
      %ne3A_1830 = arith.cmpi ne, %rem3A_1828, %ne3A_1829 : i32
      %lt3A_1831 = arith.constant 0 : i32
      %lt3A_1832 = arith.cmpi slt, %rem3A_1828, %lt3A_1831 : i32
      %lt3A_1833 = arith.constant 0 : i32
      %lt3A_1834 = arith.cmpi slt, %select_n3A_1827, %lt3A_1833 : i32
      %ne3A_1835 = arith.xori %lt3A_1832, %lt3A_1834 : i1
      %and3A_1836 = arith.andi %ne3A_1835, %ne3A_1830 : i1
      %add3A_1837 = arith.addi %rem3A_1828, %select_n3A_1827 : i32
      %select_n3A_1838 = arith.select %and3A_1836, %add3A_1837, %rem3A_1828 : i32
      %eq3A_1839 = arith.constant 1 : i32
      %eq3A_1840 = arith.cmpi eq, %select_n3A_1838, %eq3A_1839 : i32
      %broadcast_in_dim3A_1841 = arith.constant 0.000000e+00 : f32
      %broadcast_in_dim3A_1842 = vector.broadcast %broadcast_in_dim3A_1841 : f32 to vector<16xf32>
      %select_n3A_1843 = arith.select %eq3A_1840, %broadcast_in_dim3A_1842, %select_n3A_1801 : vector<16xf32>
      scf.yield %select_n3A_1843 : vector<16xf32>
    }
    %scan3A_343 = arith.constant 64 : i32
    "tpu.region"() ({
      %run_scoped3A = tpu.sem_alloc : memref<!tpu.dma_semaphore, #tpu.memory_space<semaphore_mem>>
      %dma_start3A_344 = tpu.memref_slice %arg6[%mul3A_2] : memref<16384xf32, #tpu.memory_space<hbm>> -> memref<512xf32, #tpu.memory_space<hbm>>
      %dma_start3A_345 = tpu.memref_slice %arg6[%mul3A_2] : memref<16384xf32, #tpu.memory_space<hbm>> -> memref<512xf32, #tpu.memory_space<hbm>>
      tpu.enqueue_dma source(%arg11 : memref<512xf32, #tpu.memory_space<vmem>>) target(%dma_start3A_345 : memref<512xf32, #tpu.memory_space<hbm>>) target_semaphore(%run_scoped3A : memref<!tpu.dma_semaphore, #tpu.memory_space<semaphore_mem>>)
      %dma_wait3A = tpu.memref_slice %arg6[%mul3A_2] : memref<16384xf32, #tpu.memory_space<hbm>> -> memref<512xf32, #tpu.memory_space<hbm>>
      %dma_wait3A_346 = tpu.memref_slice %arg6[%mul3A_2] : memref<16384xf32, #tpu.memory_space<hbm>> -> memref<512xf32, #tpu.memory_space<hbm>>
      tpu.wait_dma2 semaphore(%run_scoped3A : memref<!tpu.dma_semaphore, #tpu.memory_space<semaphore_mem>>) src(%arg11 : memref<512xf32, #tpu.memory_space<vmem>>) dst(%dma_wait3A_346 : memref<512xf32, #tpu.memory_space<hbm>>)
      tpu.yield
    }) : () -> ()
    return
  }
}

</mosaic_0001>

<sc_bundles>
// kernel: kernel.3.cloned.1.call-start
scs
__scs_entry_jumppad:
0x0: {  	(pc) =	sbr.rel $0x88, $3  }
0x1: {  	(tag) =	ssettag $0x0;
	lr =	simm.s32 $0x1  }
0x2: {  	[smem:$0x3F9D] =	sst lr;
	_ =	strace $0xD0000000  }
0x3: {  	_ = 	snop  }
0x4: {  	_ = 	snop  }
0x5: {  	_ = 	snop  }
0x6: {  	_ = 	snop  }
0x7: {  	_ = 	snop  }
__scs_overlays_trampoline_lowered:
0x8: {  	[smem:$0x3FAC] =	sst s0  }
0x9: {  	[smem:$0x3FAD] =	sst s1  }
0xa: {  	[smem:$0x3FAE] =	sst s2  }
0xb: {  	[smem:$0x3FAF] =	sst s3  }
0xc: {  	[smem:$0x3FB0] =	sst s4  }
0xd: {  	[smem:$0x3FB1] =	sst s5  }
0xe: {  	[smem:$0x3FB2] =	sst s6  }
0xf: {  	[smem:$0x3FB3] =	sst s7  }
0x10: {  	[smem:$0x3FB4] =	sst s8  }
0x11: {  	[smem:$0x3FB5] =	sst s9;
	s0 =	simm.s32 @!p0 $0x0  }
0x12: {  	s1 =	sld [smem:$0x3F9B];
	s0 =	simm.s32 @p0 $0x1  }
0x13: {  	[smem:$0x3FB6] =	sst s0;
	s0 =	simm.s32 @!p1 $0x0  }
0x14: {  	s2 =	sld [smem:$0x3F9A];
	s0 =	simm.s32 @p1 $0x1  }
0x15: {  	[smem:$0x3FB7] =	sst s0;
	s0 =	simm.s32 @!p2 $0x0  }
0x16: {  	s3 =	sld [smem:$0x3FDB];
	s0 =	simm.s32 @p2 $0x1  }
0x17: {  	s4 =	simm.s32 $0x1BF5;
	[smem:$0x3FB9] =	sst s0  }
0x18: {  	s0 =	sld [smem:$0x3F9C];
	_ =	swait.ge [sflag:s4], $0x0  }
0x19: {  	s7 =	sld [smem:$0x3F9D]  }
0x1a: {  	s8 =	sadd.s32 $0xFFFFE003, lr  }
0x1b: {  	s9 =	sadd.s32 $0xFFFFFEF7, lr;
	s5 =	simm.s32 $0xFFFFFFFF;
	p2 =	slt.u32 s8, $0xFFFFF086  }
0x1c: {  	p1 =	slt.u32 s9, $0xF7A;
	s5 =	simm.s32 @!p2 $0x0  }
0x1d: {  	s5 =	simm.s32 @p1 $0x1;
	p0 =	seq.s32 s7, s2  }
0x1e: {  	s7 =	smul.u32 @!p0 $0xF7A, s2;
	p2 =	seq.s32 @!p0 s5, $0x0  }
0x1f: {  	s9 =	smul.u32 $0xF7A, s1;
	s8 =	simm.s32 @!p0 $0x1BF5;
	p2 =	por !p2, p0  }
0x20: {  	[sflag:s8] =	ssyncset.s32 @!p0 $0xFFFFF086;
	s6 =	sadd.s32 @!p0 s3, s7;
	s7 =	simm.s32 @!p0 $0x108  }
0x21: {  	s3 =	sadd.s32 s3, s9;
	s6 =	sadd.s32 @!p0 $0x88, s6;
	s7 =	simm.s32 @p2 $0x1082  }
0x22: {  	[simem:s7], [sflag:s8] =	dma.local @!p0 [hbm:s6], $0xF7A  }
0x23: {  	s9 =	sor.u32 $0xD0000000, s2;
	s6 =	simm.s32 $0x108;
	_ =	swait.ge @!p0 [sflag:s8], $0x0  }
0x24: {  	s3 =	sadd.s32 $0x88, s3;
	s6 =	simm.s32 @!p1 $0x1082;
	[sflag:s4] =	ssyncset.s32 $0xFFFFF086  }
0x25: {  	[simem:s6], [sflag:s4] =	dma.local [hbm:s3], $0xF7A  }
0x26: {  	[smem:$0x3F9D] =	sst s1;
	(tag) =	ssettag s2;
	_ =	strace s9  }
0x27: {  	s1 =	sld [smem:$0x3FAD]  }
0x28: {  	s2 =	sld [smem:$0x3FAE]  }
0x29: {  	s4 =	sld [smem:$0x3FB0]  }
0x2a: {  	p0 =	seq.s32 s5, $0x0;
	s5 =	sld [smem:$0x3FB1]  }
0x2b: {  	s6 =	sld [smem:$0x3FB2]  }
0x2c: {  	s7 =	sld [smem:$0x3FB3]  }
0x2d: {  	s3 =	simm.s32 $0x108;
	s8 =	sld [smem:$0x3FB4]  }
0x2e: {  	s3 =	simm.s32 @!p0 $0x1082;
	s9 =	sld [smem:$0x3FB5]  }
0x2f: {  	lr =	sadd.s32 s0, s3;
	s0 =	sld [smem:$0x3FAC]  }
0x30: {  	s3 =	sld [smem:$0x3FAF]  }
0x31: {  	[smem:$0x3FB8] =	sst s10  }
0x32: {  	s10 =	sld [smem:$0x3FB6];
	_ =	sdelay $0x3  }
0x33: {  	p0 =	seq.s32 s10, $0x1;
	s10 =	sld [smem:$0x3FB8];
	_ =	sdelay $0x3  }
0x34: {  	[smem:$0x3FB8] =	sst s10  }
0x35: {  	s10 =	sld [smem:$0x3FB7];
	_ =	sdelay $0x3  }
0x36: {  	p1 =	seq.s32 s10, $0x1;
	s10 =	sld [smem:$0x3FB8];
	_ =	sdelay $0x3  }
0x37: {  	[smem:$0x3FB8] =	sst s10  }
0x38: {  	s10 =	sld [smem:$0x3FB9]  }
0x39: {  	_ = 	snop;
	(pc) =	sbr.ind lr, $3  }
0x3a: {  	_ = 	snop  }
0x3b: {  	_ = 	snop  }
0x3c: {  	p2 =	seq.s32 s10, $0x1;
	s10 =	sld [smem:$0x3FB8]  }
0x3d: {  	_ =	shalt  }
0x3e: {  	_ =	shalt  }
0x3f: {  	_ =	shalt  }
0x40: {  	_ =	shalt  }
0x41: {  	_ =	shalt  }
0x42: {  	_ =	shalt  }
0x43: {  	_ =	shalt  }
0x44: {  	_ =	shalt  }
0x45: {  	_ =	shalt  }
0x46: {  	_ =	shalt  }
0x47: {  	_ =	shalt  }
0x48: {  	_ =	shalt  }
0x49: {  	_ =	shalt  }
0x4a: {  	_ =	shalt  }
0x4b: {  	_ =	shalt  }
0x4c: {  	_ =	shalt  }
0x4d: {  	_ =	shalt  }
0x4e: {  	_ =	shalt  }
0x4f: {  	_ =	shalt  }
0x50: {  	_ =	shalt  }
0x51: {  	_ =	shalt  }
0x52: {  	_ =	shalt  }
0x53: {  	_ =	shalt  }
0x54: {  	_ =	shalt  }
0x55: {  	_ =	shalt  }
0x56: {  	_ =	shalt  }
0x57: {  	_ =	shalt  }
0x58: {  	_ =	shalt  }
0x59: {  	_ =	shalt  }
0x5a: {  	_ =	shalt  }
0x5b: {  	_ =	shalt  }
0x5c: {  	_ =	shalt  }
0x5d: {  	_ =	shalt  }
0x5e: {  	_ =	shalt  }
0x5f: {  	_ =	shalt  }
0x60: {  	_ =	shalt  }
0x61: {  	_ =	shalt  }
0x62: {  	_ =	shalt  }
0x63: {  	_ =	shalt  }
0x64: {  	_ =	shalt  }
0x65: {  	_ =	shalt  }
0x66: {  	_ =	shalt  }
0x67: {  	_ =	shalt  }
0x68: {  	_ =	shalt  }
0x69: {  	_ =	shalt  }
0x6a: {  	_ =	shalt  }
0x6b: {  	_ =	shalt  }
0x6c: {  	_ =	shalt  }
0x6d: {  	_ =	shalt  }
0x6e: {  	_ =	shalt  }
0x6f: {  	_ =	shalt  }
0x70: {  	_ =	shalt  }
0x71: {  	_ =	shalt  }
0x72: {  	_ =	shalt  }
0x73: {  	_ =	shalt  }
0x74: {  	_ =	shalt  }
0x75: {  	_ =	shalt  }
0x76: {  	_ =	shalt  }
0x77: {  	_ =	shalt  }
0x78: {  	_ =	shalt  }
0x79: {  	_ =	shalt  }
0x7a: {  	_ =	shalt  }
0x7b: {  	_ =	shalt  }
0x7c: {  	_ =	shalt  }
0x7d: {  	_ =	shalt  }
0x7e: {  	_ =	shalt  }
0x7f: {  	_ =	shalt  }
0x80: {  	_ =	shalt  }
0x81: {  	_ =	shalt  }
0x82: {  	_ =	shalt  }
0x83: {  	_ =	shalt  }
0x84: {  	_ =	shalt  }
0x85: {  	_ =	shalt  }
0x86: {  	_ =	shalt  }
0x87: {  	_ =	shalt  }
.Lfunc_end0:
.L_simem_size_0:
called_computation_lowered:
.L_overlay_start_0:
0x88: {  	s2 =	sld [smem:$0x3FD9]  }
0x89: {  	s3 =	sld [smem:$0x3FFE];
	_ =	sdelay $0x1  }
0x8a: {  	s1 =	srdreg.scid  }
0x8b: {  	s0 =	sand.u32 $0x1, s1  }
0x8c: {  	s18 =	sshll.u32 s0, $0xA;
	s2 =	sadd.s32 s3, s2  }
0x8d: {  	s2 =	sadd.s32 s2, s18  }
0x8e: {  	[smem:$0x3FC4] =	sst s2  }
0x8f: {  	_ = 	snop  }
0x90: {  	s2 =	sld [smem:$0x3FC9]  }
0x91: {  	s19 =	sld [smem:$0x3FC8]  }
0x92: {  	s4 =	sld [smem:$0x3FC7]  }
0x93: {  	s5 =	sld [smem:$0x3FC6]  }
0x94: {  	s6 =	sld [smem:$0x3FD0];
	(tm) =	ssettm $0x1  }
0x95: {  	s7 =	sld [smem:$0x3FFB];
	_ =	sdelay $0x3  }
0x96: {  	_ =	strace s7  }
0x97: {  	s7 =	sld [smem:$0x3FFC];
	_ =	sdelay $0x3  }
0x98: {  	_ =	strace s7  }
0x99: {  	s7 =	sld [smem:$0x3FFD];
	_ =	sdelay $0x3  }
0x9a: {  	_ =	strace s7  }
0x9b: {  	_ =	strace $0x8FFFFFFF  }
0x9c: {  	s20 =	sld [smem:$0x3FDB];
	_ =	sdelay $0x1  }
0x9d: {  	s8 =	simm.s32 $_scs_section_size  }
0x9e: {  	s9 =	simm.s32 $_size__tile_overlayer_lowered;
	s10 =	simm.s32 $_tile_overlayer_lowered  }
0x9f: {  	s23 =	simm.s32 $0x1BFF;
	s22 =	sshll.u32 s10, $0x1;
	s7 =	sadd.s32 s8, s20  }
0xa0: {  	s11 =	simm.s32 $0x0;
	s21 =	sshll.u32 s9, $0x1;
	s9 =	sadd.s32 s22, s7  }
0xa1: {  	[timem:s11], [sflag:s23] =	dma.local [hbm:s9], s21  }
0xa2: {  	_ =	swait.ge [sflag:s23], s21  }
0xa3: {  	s8 =	ssub.s32 $0x0, s21;
	[sflag:s23] =	ssyncset.done $0x0  }
0xa4: {  	[sflag:s23] =	ssyncadd.s32 s8;
	_ =	sdelay $0x1  }
0xa5: {  	s24 =	simm.s32 $0x1B8B  }
0xa6: {  	_ =	swait.ge [sflag:s24], $0x1  }
0xa7: {  	[sflag:s24] =	ssyncset.done $0x0  }
0xa8: {  	s25 =	simm.s32 $0x1B8E;
	[sflag:s24] =	ssyncadd.s32 $0xFFFFFFFF  }
0xa9: {  	s26 =	simm.s32 $execute0_lowered;
	[smem:$0x3FD2] =	sst s25  }
0xaa: {  	s8 =	sshll.u32 s26, $0x1;
	_ =	strace $0x80000046;
	[dreg:$0x1] =	wrdreg $0xFFFFFFFF  }
0xab: {  	s28 =	simm.s32 $_size_execute0_lowered;
	s7 =	sadd.s32 s7, s8;
	[dreg:$0x0] =	wrdreg $0x0  }
0xac: {  	s8 =	sshll.u32 s28, $0x1;
	[dreg:$0x2] =	wrdreg s7  }
0xad: {  	[dreg:$0x3] =	wrdreg s8  }
0xae: {  	[dreg:$0x4] =	wrdreg $0xC0  }
0xaf: {  	_ =	task [dreg:s11], $0x5FFFF  }
0xb0: {  	[dreg:$0x1] =	wrdreg $0xFFFFFFFF  }
0xb1: {  	[dreg:$0x0] =	wrdreg $0x60  }
0xb2: {  	[dreg:$0x2] =	wrdreg s2  }
0xb3: {  	[dreg:$0x3] =	wrdreg s19  }
0xb4: {  	[dreg:$0x4] =	wrdreg s4  }
0xb5: {  	[dreg:$0x5] =	wrdreg s5  }
0xb6: {  	[dreg:$0x6] =	wrdreg s6  }
0xb7: {  	[dreg:$0x7] =	wrdreg $0x9  }
0xb8: {  	_ =	task.clear_ibuf [dreg:s11], $0x8FFFF;
	_ =	strace $0x90000046  }
0xb9: {  	s29 =	simm.s32 $0x9;
	_ =	strace $0x80000048  }
0xba: {  	_ =	swait.ge [sflag:s29], $0x1  }
0xbb: {  	[sflag:s29] =	ssyncadd.s32 $0xFFFFFFFF  }
0xbc: {  	_ =	strace $0x90000048  }
0xbd: {  	_ =	sfence  }
0xbe: {  	s30 =	sld [smem:$0x0];
	_ =	sdelay $0x2  }
0xbf: {  	s31 =	sshll.u32 s1, $0xD;
	s1 =	sshrl.u32 s1, $0x2  }
0xc0: {  	s3 =	sand.u32 $0x4000, s31;
	s1 =	sadd.s32 s1, s30  }
0xc1: {  	s0 =	sor.u32 s3, s0;
	s1 =	sshll.u32 s1, $0x11  }
0xc2: {  	s0 =	sor.u32 s1, s0  }
0xc3: {  	s0 =	sadd.s32 $0x8F2B, s0  }
0xc4: {  	[sflag:s0] =	ssyncadd.remote.s32 $0x1  }
0xc5: {  	_ =	sfence.sel $0xFFFF  }
0xc6: {  	[dreg:$0x0] =	wrdreg $0xFFFFFFFF;
	(pc) =	sbr.abs _section_cstart, $3  }
0xc7: {  	[dreg:$0x1] =	wrdreg $0xFFFFFFFF  }
0xc8: {  	_ =	task.clear_ibuf [dreg:s11], $0x2FFFF;
	_ =	strace $0x9FFFFFFF  }
0xc9: {  	(tm) =	ssettm $0x7FFFFFFF  }
tec
execute0_lowered:
.L_overlay_start_1:
0x0: {  	(tag) =	ssettag $0x1  }
0x1: {  	s0 =	rddreg [dreg:$0x0]  }
0x2: {  	s3 =	rddreg [dreg:$0x1]  }
0x3: {  	s1 =	rddreg [dreg:$0x2]  }
0x4: {  	s2 =	rddreg [dreg:$0x3]  }
0x5: {  	s4 =	rddreg [dreg:$0x4];
	s5 =	srdreg.scid  }
0x6: {  	s21 =	simm.s32 $0x0;
	s8 =	stileid.u32;
	s23 =	simm.s32 $0x11  }
0x7: {  	s11 =	simm.s32 $0x1;
	s12 =	simm.s32 $0x400;
	s13 =	simm.s32 $0x7A1400  }
0x8: {  	s14 =	simm.s32 $0x500;
	s15 =	simm.s32 $0x8500;
	s31 =	simm.s32 $0x9  }
0x9: {  	s10 =	simm.s32 $0x3;
	s9 =	simm.s32 $0x6;
	s16 =	simm.s32 $0xE  }
0xa: {  	s17 =	simm.s32 $0x7;
	s18 =	simm.s32 $0xF;
	s19 =	simm.s32 $0x8  }
0xb: {  	s20 =	simm.s32 $0x10;
	s24 =	simm.s32 $0x0;
	s5 =	sand.u32 $0x1, s5  }
0xc: {  	v0 =	vlaneseq.u32;
	[smem:$0x7FF] =	sst s21;
	s8 =	sshll.u32 s8, $0x7;
	s6 =	ssub.s32 $0x2, s5  }
0xd: {  	v1 =	vmul.u32 $0x80, v0;
	s5 =	sshll.u32 s5, $0x6;
	_ =	strace $0x80000047;
	s7 =	sshrl.u32 s6, $0x1  }
0xe: {  	s5 =	sor.u32 s5, s8;
	s8 =	simm.s32 $0x5;
	s6 =	ssub.s32 s6, s7  }
.Ltmp0:
0xf: {  	v2 =	vor.u32 $0x800, v1;
	v3 =	vor.u32 $0x1000, v1;
	v4 =	vor.u32 $0x1800, v1;
	s0 =	sadd.s32 s0, s5;
	s28 =	sadd.s32 s3, s5;
	(pc) =	sbr.rel .LBB2_1-.Ltmp0, $4  }
0x10: {  	v5 =	vor.u32 $0x2000, v1;
	v6 =	vor.u32 $0x2800, v1;
	v7 =	vor.u32 $0x3000, v1;
	s29 =	sadd.s32 s4, s5;
	s3 =	simm.s32 $0xA;
	[dreg:$0x6] =	wrdreg s0  }
0x11: {  	v8 =	vor.u32 $0x3800, v1;
	v9 =	vor.u32 $0x4000, v1;
	v10 =	vor.u32 $0x4800, v1;
	s5 =	simm.s32 $0xB;
	s7 =	simm.s32 $0xC;
	[dreg:$0x7] =	wrdreg s28  }
0x12: {  	v11 =	vor.u32 $0x5000, v1;
	v12 =	vor.u32 $0x5800, v1;
	v13 =	vor.u32 $0x6000, v1;
	s4 =	simm.s32 $0xD;
	[dreg:$0x8] =	wrdreg s29;
	s30 =	smax.u32 s6, $0x1  }
0x13: {  	v14 =	vor.u32 $0x6800, v1;
	v15 =	vor.u32 $0x7000, v1;
	v16 =	vor.u32 $0x7800, v1;
	s0 =	simm.s32 $0x2;
	s6 =	simm.s32 $0x4;
	[dreg:$0x9] =	wrdreg s30  }
.LBB2_5:
0x14: {  	s21 =	simm.s32 $0x0;
	s22 =	rddreg [dreg:$0x8];
	s23 =	simm.s32 $0x10500  }
0x15: {  	[hbm4b:s22+s21] =	stream.linear.scatter [tilespmem:s23], [sflag:$0x11], $0x200, $0x38;
	[tilespmem:$0x10700] =	vst v63  }
0x16: {  	s23 =	simm.s32 $0x11  }
0x17: {  	_ =	swait.ge [sflag:s23], $0x200  }
0x18: {  	s24 =	rddreg [dreg:$0xa]  }
0x19: {  	s30 =	rddreg [dreg:$0x9];
	s24 =	sadd.s32 $0x1, s24  }
0x1a: {  	p0 =	sne.s32 s24, s30  }
.Ltmp1:
0x1b: {  	_ = 	snop;
	(pc) =	sbr.rel @!p0 .LBB2_6-.Ltmp1, $3  }
0x1c: {  	_ =	sdelay $0x1  }
0x1d: {  	[sflag:s23] =	ssyncset.done $0x0  }
0x1e: {  	[sflag:s23] =	ssyncadd.s32 $0xFFFFFE00  }
.LBB2_1:
0x1f: {  	[dreg:$0xa] =	wrdreg s24  }
0x20: {  	s22 =	rddreg [dreg:$0x6]  }
0x21: {  	[tilespmem:s21], [sflag:$0x11] =	stream.linear.gather [hbm4b:s22+s21], $0x200, $0x38;
	[tilespmem:$0x10700] =	vst v63  }
0x22: {  	_ =	swait.ge [sflag:s23], $0x200  }
0x23: {  	[sflag:s23] =	ssyncset.done $0x0  }
0x24: {  	s29 =	simm.s32 $0x280;
	s28 =	rddreg [dreg:$0x7];
	[sflag:s23] =	ssyncadd.s32 $0xFFFFFE00  }
0x25: {  	[tilespmem:s29], [sflag:$0x11] =	stream.linear.gather [hbm4b:s28+s21], $0x200, $0x38;
	[tilespmem:$0x10700] =	vst v63  }
0x26: {  	_ =	swait.ge [sflag:s23], $0x200  }
0x27: {  	[sflag:s23] =	ssyncset.done $0x0  }
0x28: {  	[sflag:s23] =	ssyncadd.s32 $0xFFFFFE00  }
0x29: {  	v17 =	vld [tilespmem:$0x280];
	_ =	sdelay $0x3  }
0x2a: {  	v18 =	vld [tilespmem:$0x0]  }
0x2b: {  	(v2sf) =	vpush v17, $0x0;
	_ =	sdelay $0x3  }
0x2c: {  	(v2sf) =	vpush v18, $0x0;
	_ =	sdelay $0x8  }
0x2d: {  	(v2sf) =	vpush v17, $0x1;
	_ =	sdelay $0x1  }
0x2e: {  	s30 =	spop (v2sf);
	(v2sf) =	vpush v18, $0x1;
	_ =	sdelay $0x3  }
0x2f: {  	s23 =	simm.s32 $0x1;
	s25 =	spop (v2sf)  }
0x30: {  	s24 =	sand.u32 $0x7F, s30;
	s26 =	sshra.s32 s30, $0x1F;
	s28 =	sand.u32 $0x7F, s25  }
0x31: {  	s29 =	sshra.s32 s25, $0x1F;
	p2 =	slt.s32 s25, $0x1;
	p1 =	sne.s32 s28, $0x0  }
0x32: {  	p6 =	slt.s32 s30, $0x1;
	s22 =	sshrl.u32 s29, $0x19;
	p1 =	por !p2, !p1  }
0x33: {  	p0 =	sne.s32 s24, $0x0;
	s22 =	sadd.s32 s22, s25;
	p1 =	por !p1, !p1  }
0x34: {  	s24 =	sshrl.u32 s26, $0x19;
	s22 =	sshrl.u32 s22, $0x7;
	s23 =	simm.s32 @!p1 $0x0  }
0x35: {  	s21 =	sadd.s32 s24, s30;
	p0 =	por !p6, !p0;
	s22 =	ssub.s32 s22, s23  }
0x36: {  	p0 =	por !p0, !p0;
	s23 =	simm.s32 $0x1;
	s22 =	sshll.u32 s22, $0x7  }
0x37: {  	(v2sf) =	vpush v17, $0x2;
	s21 =	sshrl.u32 s21, $0x7;
	s23 =	simm.s32 @!p0 $0x0;
	s22 =	sand.u32 $0x1FFFFF80, s22  }
0x38: {  	s30 =	spop (v2sf);
	s21 =	ssub.s32 s21, s23;
	s22 =	sadd.s32 s1, s22  }
0x39: {  	[tilespmem:s14], [sflag:$0x1] =	stream.strided.gather [hbm4b:s22+s12], $0x1000, s13, s12, $0x38;
	[tilespmem:$0x10700] =	vst v63  }
0x3a: {  	s21 =	sshll.u32 s21, $0x7;
	s25 =	spop (v2sf);
	(v2sf) =	vpush v18, $0x2  }
0x3b: {  	s24 =	sand.u32 $0x7F, s30;
	s26 =	sshra.s32 s30, $0x1F;
	s21 =	sand.u32 $0x1FFFFF80, s21  }
0x3c: {  	p6 =	slt.s32 s30, $0x1;
	p3 =	sne.s32 s24, $0x0;
	s21 =	sadd.s32 s2, s21  }
0x3d: {  	[tilespmem:s15], [sflag:$0x9] =	stream.strided.gather [hbm4b:s21+s12], $0x1000, s13, s12, $0x38;
	[tilespmem:$0x10700] =	vst v63  }
0x3e: {  	s24 =	sshrl.u32 s26, $0x19;
	p0 =	por !p6, !p3;
	s28 =	sand.u32 $0x7F, s25  }
0x3f: {  	s29 =	sshra.s32 s25, $0x1F;
	p5 =	slt.s32 s25, $0x1;
	p4 =	sne.s32 s28, $0x0  }
0x40: {  	s23 =	simm.s32 $0x1;
	s21 =	sshrl.u32 s29, $0x19;
	p1 =	por !p5, !p4  }
0x41: {  	p0 =	por !p0, !p0;
	s21 =	sadd.s32 s21, s25;
	p1 =	por !p1, !p1  }
0x42: {  	s22 =	sadd.s32 s24, s30;
	s21 =	sshrl.u32 s21, $0x7;
	s23 =	simm.s32 @!p1 $0x0  }
0x43: {  	s30 =	simm.s32 $0x1500;
	s21 =	ssub.s32 s21, s23;
	s23 =	simm.s32 $0x1  }
0x44: {  	s22 =	sshrl.u32 s22, $0x7;
	s21 =	sshll.u32 s21, $0x7;
	s23 =	simm.s32 @!p0 $0x0  }
0x45: {  	s24 =	simm.s32 $0x9500;
	s21 =	sand.u32 $0x1FFFFF80, s21;
	s22 =	ssub.s32 s22, s23  }
0x46: {  	s21 =	sadd.s32 s1, s21;
	s23 =	sshll.u32 s22, $0x7;
	s22 =	spop (v2sf)  }
0x47: {  	(v2sf) =	vpush v17, $0x3;
	[tilespmem:s30], [sflag:$0x2] =	stream.strided.gather [hbm4b:s21+s12], $0x1000, s13, s12, $0x38;
	[tilespmem:$0x10700] =	vst v63  }
0x48: {  	s21 =	sand.u32 $0x1FFFFF80, s23;
	s25 =	sand.u32 $0x7F, s22;
	s28 =	sshra.s32 s22, $0x1F  }
0x49: {  	s23 =	simm.s32 $0x1;
	s21 =	sadd.s32 s2, s21;
	s26 =	spop (v2sf);
	(v2sf) =	vpush v18, $0x3  }
0x4a: {  	[tilespmem:s24], [sflag:$0xA] =	stream.strided.gather [hbm4b:s21+s12], $0x1000, s13, s12, $0x38;
	[tilespmem:$0x10700] =	vst v63  }
0x4b: {  	p6 =	slt.s32 s22, $0x1;
	p3 =	sne.s32 s25, $0x0;
	s29 =	sand.u32 $0x7F, s26  }
0x4c: {  	s30 =	sshra.s32 s26, $0x1F;
	p5 =	slt.s32 s26, $0x1;
	p4 =	sne.s32 s29, $0x0  }
0x4d: {  	s24 =	sshrl.u32 s28, $0x19;
	s21 =	sshrl.u32 s30, $0x19;
	p1 =	por !p5, !p4  }
0x4e: {  	p0 =	por !p6, !p3;
	s21 =	sadd.s32 s21, s26;
	p1 =	por !p1, !p1  }
0x4f: {  	s22 =	sadd.s32 s24, s22;
	s21 =	sshrl.u32 s21, $0x7;
	s23 =	simm.s32 @!p1 $0x0  }
0x50: {  	p0 =	por !p0, !p0;
	s21 =	ssub.s32 s21, s23;
	s23 =	simm.s32 $0x1  }
0x51: {  	s22 =	sshrl.u32 s22, $0x7;
	s21 =	sshll.u32 s21, $0x7;
	s23 =	simm.s32 @!p0 $0x0  }
0x52: {  	s21 =	sand.u32 $0x1FFFFF80, s21;
	s22 =	ssub.s32 s22, s23  }
0x53: {  	s24 =	simm.s32 $0x2500;
	s21 =	sadd.s32 s1, s21;
	s25 =	sshll.u32 s22, $0x7  }
0x54: {  	[tilespmem:s24], [sflag:$0x3] =	stream.strided.gather [hbm4b:s21+s12], $0x1000, s13, s12, $0x38;
	[tilespmem:$0x10700] =	vst v63  }
0x55: {  	s21 =	sand.u32 $0x1FFFFF80, s25  }
0x56: {  	s26 =	simm.s32 $0xA500;
	s22 =	spop (v2sf);
	s21 =	sadd.s32 s2, s21  }
0x57: {  	[tilespmem:s26], [sflag:$0xB] =	stream.strided.gather [hbm4b:s21+s12], $0x1000, s13, s12, $0x38;
	[tilespmem:$0x10700] =	vst v63  }
0x58: {  	s23 =	simm.s32 $0x1;
	s29 =	spop (v2sf)  }
0x59: {  	s28 =	sand.u32 $0x7F, s22;
	s30 =	sshra.s32 s22, $0x1F;
	s25 =	sand.u32 $0x7F, s29  }
0x5a: {  	s26 =	sshra.s32 s29, $0x1F;
	p5 =	slt.s32 s29, $0x1;
	p4 =	sne.s32 s25, $0x0  }
0x5b: {  	p6 =	slt.s32 s22, $0x1;
	s21 =	sshrl.u32 s26, $0x19;
	p1 =	por !p5, !p4  }
0x5c: {  	p3 =	sne.s32 s28, $0x0;
	s21 =	sadd.s32 s21, s29;
	p1 =	por !p1, !p1  }
0x5d: {  	s24 =	sshrl.u32 s30, $0x19;
	s21 =	sshrl.u32 s21, $0x7;
	s23 =	simm.s32 @!p1 $0x0  }
0x5e: {  	s22 =	sadd.s32 s24, s22;
	p0 =	por !p6, !p3;
	s21 =	ssub.s32 s21, s23  }
0x5f: {  	p0 =	por !p0, !p0;
	s23 =	simm.s32 $0x1;
	s21 =	sshll.u32 s21, $0x7  }
0x60: {  	s22 =	sshrl.u32 s22, $0x7;
	s23 =	simm.s32 @!p0 $0x0;
	s21 =	sand.u32 $0x1FFFFF80, s21  }
0x61: {  	s28 =	simm.s32 $0x3500;
	s22 =	ssub.s32 s22, s23;
	s21 =	sadd.s32 s1, s21  }
0x62: {  	[tilespmem:s28], [sflag:$0x4] =	stream.strided.gather [hbm4b:s21+s12], $0x1000, s13, s12, $0x38;
	[tilespmem:$0x10700] =	vst v63  }
.Ltmp2:
0x63: {  	s29 =	sshll.u32 s22, $0x7;
	(pc) =	sbr.rel .LBB2_2-.Ltmp2, $4  }
0x64: {  	s21 =	sand.u32 $0x1FFFFF80, s29  }
0x65: {  	s30 =	simm.s32 $0xB500;
	s21 =	sadd.s32 s2, s21  }
0x66: {  	[tilespmem:s30], [sflag:$0xC] =	stream.strided.gather [hbm4b:s21+s12], $0x1000, s13, s12, $0x38;
	[tilespmem:$0x10700] =	vst v63  }
0x67: {  	v17 =	vimm.f32 $0.0e+00;
	s23 =	simm.s32 $0x0;
	s22 =	simm.s32 $0x0;
	s21 =	simm.s32 $0x0  }
.LBB2_4:
0x68: {  	v23 =	vld [tilespmem:s24+$0x4]  }
0x69: {  	v24 =	vld [tilespmem:s24+$0x284];
	_ =	swait.ge [sflag:s8], $0x1000  }
0x6a: {  	[sflag:s8] =	ssyncset.done $0x0  }
0x6b: {  	[sflag:s8] =	ssyncadd.s32 $0xFFFFF000  }
0x6c: {  	_ =	swait.ge [sflag:s4], $0x1000  }
0x6d: {  	(v2sf) =	vpush v23, $0x0;
	_ =	sdelay $0x1  }
0x6e: {  	(v2sf) =	vpush v24, $0x0;
	_ =	sdelay $0xc  }
0x6f: {  	s24 =	spop (v2sf)  }
0x70: {  	s25 =	sshra.s32 s24, $0x1F  }
0x71: {  	s26 =	sand.u32 $0x7F, s24;
	p0 =	slt.s32 s24, $0x1;
	s28 =	spop (v2sf)  }
0x72: {  	s25 =	sshrl.u32 s25, $0x19;
	p1 =	sne.s32 s26, $0x0;
	s26 =	simm.s32 $0x1  }
0x73: {  	s29 =	sand.u32 $0x7F, s28;
	s30 =	sshra.s32 s28, $0x1F;
	p0 =	por !p0, !p1  }
0x74: {  	p5 =	slt.s32 s28, $0x1;
	s25 =	sadd.s32 s25, s24;
	p0 =	por !p0, !p0  }
0x75: {  	p6 =	sne.s32 s29, $0x0;
	s25 =	sshrl.u32 s25, $0x7;
	s26 =	simm.s32 @!p0 $0x0  }
0x76: {  	s29 =	sshrl.u32 s30, $0x19;
	p0 =	por !p5, !p6;
	s25 =	ssub.s32 s26, s25  }
0x77: {  	s26 =	sadd.s32 s29, s28;
	p0 =	por !p0, !p0;
	s29 =	simm.s32 $0x1  }
0x78: {  	s25 =	sshll.u32 s25, $0x7;
	s26 =	sshrl.u32 s26, $0x7;
	s29 =	simm.s32 @!p0 $0x0  }
0x79: {  	s24 =	sadd.s32 s24, s25;
	s30 =	ssub.s32 s29, s26  }
0x7a: {  	s25 =	sshll.u32 s30, $0x7;
	v22 =	vadd.s32 s24, v9  }
0x7b: {  	v25 =	vadd.s32 s24, v10;
	s25 =	sadd.s32 s28, s25  }
0x7c: {  	v26 =	vadd.s32 s25, v9  }
0x7d: {  	[sflag:s4] =	ssyncset.done $0x0;
	v27 =	vadd.s32 s25, v10  }
0x7e: {  	[sflag:s4] =	ssyncadd.s32 $0xFFFFF000  }
0x7f: {  	v22 =	vld.idx.msk [tilespmem:v22+s14+$0x0], $0xffff  }
0x80: {  	v25 =	vld.idx.msk [tilespmem:v25+s14+$0x0], $0xffff  }
0x81: {  	v26 =	vld.idx.msk [tilespmem:v26+s15+$0x0], $0xffff  }
0x82: {  	v27 =	vld.idx.msk [tilespmem:v27+s15+$0x0], $0xffff;
	_ =	sdelay $0x4  }
0x83: {  	v22 =	vmul.f32 v26, v22;
	v25 =	vmul.f32 v27, v25;
	_ =	sdelay $0x1  }
0x84: {  	v22 =	vadd.f32 v25, v22;
	_ =	sdelay $0x1  }
0x85: {  	(xrf2) =	vadd.scan.msk.f32 $0xffff, v22;
	_ =	sdelay $0x9  }
0x86: {  	v22, _, _ =	vpop (xrf2)  }
0x87: {  	_ =	swait.ge [sflag:s9], $0x1000  }
0x88: {  	[sflag:s9] =	ssyncset.done $0x0  }
0x89: {  	[sflag:s9] =	ssyncadd.s32 $0xFFFFF000  }
0x8a: {  	_ =	swait.ge [sflag:s16], $0x1000  }
0x8b: {  	(v2sf) =	vpush v23, $0x1;
	_ =	sdelay $0x2  }
0x8c: {  	(v2sf) =	vpush v24, $0x1;
	_ =	sdelay $0xb  }
0x8d: {  	s24 =	spop (v2sf)  }
0x8e: {  	s26 =	sshra.s32 s24, $0x1F  }
0x8f: {  	s28 =	sand.u32 $0x7F, s24;
	p1 =	slt.s32 s24, $0x1;
	s25 =	sshrl.u32 s26, $0x19  }
0x90: {  	p2 =	sne.s32 s28, $0x0;
	s26 =	simm.s32 $0x1;
	s28 =	spop (v2sf)  }
0x91: {  	s25 =	sadd.s32 s25, s24;
	p0 =	por !p1, !p2;
	s29 =	sand.u32 $0x7F, s28  }
0x92: {  	s30 =	sshra.s32 s28, $0x1F;
	p3 =	slt.s32 s28, $0x1;
	p0 =	por !p0, !p0  }
0x93: {  	s25 =	sshrl.u32 s25, $0x7;
	p4 =	sne.s32 s29, $0x0;
	s26 =	simm.s32 @!p0 $0x0  }
0x94: {  	s29 =	sshrl.u32 s30, $0x19;
	p0 =	por !p3, !p4;
	s25 =	ssub.s32 s26, s25  }
0x95: {  	s26 =	sadd.s32 s29, s28;
	p0 =	por !p0, !p0;
	s29 =	simm.s32 $0x1  }
0x96: {  	s25 =	sshll.u32 s25, $0x7;
	s26 =	sshrl.u32 s26, $0x7;
	s29 =	simm.s32 @!p0 $0x0  }
0x97: {  	s24 =	sadd.s32 s24, s25;
	s30 =	ssub.s32 s29, s26  }
0x98: {  	s25 =	sshll.u32 s30, $0x7;
	v49 =	vadd.s32 s24, v11  }
0x99: {  	v50 =	vadd.s32 s24, v12;
	s25 =	sadd.s32 s28, s25  }
0x9a: {  	v51 =	vadd.s32 s25, v11  }
0x9b: {  	[sflag:s16] =	ssyncset.done $0x0;
	v28 =	vadd.s32 s25, v12  }
0x9c: {  	[sflag:s16] =	ssyncadd.s32 $0xFFFFF000  }
0x9d: {  	v25 =	vld.idx.msk [tilespmem:v49+s14+$0x0], $0xffff  }
0x9e: {  	v26 =	vld.idx.msk [tilespmem:v50+s14+$0x0], $0xffff  }
0x9f: {  	v27 =	vld.idx.msk [tilespmem:v51+s15+$0x0], $0xffff  }
0xa0: {  	v28 =	vld.idx.msk [tilespmem:v28+s15+$0x0], $0xffff;
	_ =	sdelay $0x4  }
0xa1: {  	v25 =	vmul.f32 v27, v25;
	v26 =	vmul.f32 v28, v26;
	_ =	sdelay $0x1  }
0xa2: {  	v25 =	vadd.f32 v26, v25;
	_ =	sdelay $0x1  }
0xa3: {  	(xrf2) =	vadd.scan.msk.f32 $0xffff, v25;
	_ =	sdelay $0x9  }
0xa4: {  	v25, _, _ =	vpop (xrf2)  }
0xa5: {  	_ =	swait.ge [sflag:s17], $0x1000  }
0xa6: {  	[sflag:s17] =	ssyncset.done $0x0  }
0xa7: {  	[sflag:s17] =	ssyncadd.s32 $0xFFFFF000  }
0xa8: {  	_ =	swait.ge [sflag:s18], $0x1000  }
0xa9: {  	(v2sf) =	vpush v23, $0x2;
	_ =	sdelay $0x2  }
0xaa: {  	(v2sf) =	vpush v24, $0x2;
	_ =	sdelay $0xb  }
0xab: {  	s24 =	spop (v2sf)  }
0xac: {  	s26 =	sshra.s32 s24, $0x1F  }
0xad: {  	s28 =	sand.u32 $0x7F, s24;
	p5 =	slt.s32 s24, $0x1;
	s25 =	sshrl.u32 s26, $0x19  }
0xae: {  	p6 =	sne.s32 s28, $0x0;
	s26 =	simm.s32 $0x1;
	s28 =	spop (v2sf)  }
0xaf: {  	s25 =	sadd.s32 s25, s24;
	p0 =	por !p5, !p6;
	s29 =	sand.u32 $0x7F, s28  }
0xb0: {  	s30 =	sshra.s32 s28, $0x1F;
	p1 =	slt.s32 s28, $0x1;
	p0 =	por !p0, !p0  }
0xb1: {  	s25 =	sshrl.u32 s25, $0x7;
	p2 =	sne.s32 s29, $0x0;
	s26 =	simm.s32 @!p0 $0x0  }
0xb2: {  	s29 =	sshrl.u32 s30, $0x19;
	p0 =	por !p1, !p2;
	s25 =	ssub.s32 s26, s25  }
0xb3: {  	s26 =	sadd.s32 s29, s28;
	p0 =	por !p0, !p0;
	s29 =	simm.s32 $0x1  }
0xb4: {  	s25 =	sshll.u32 s25, $0x7;
	s26 =	sshrl.u32 s26, $0x7;
	s29 =	simm.s32 @!p0 $0x0  }
0xb5: {  	s24 =	sadd.s32 s24, s25;
	s30 =	ssub.s32 s29, s26  }
0xb6: {  	s25 =	sshll.u32 s30, $0x7;
	v52 =	vadd.s32 s24, v13  }
0xb7: {  	v53 =	vadd.s32 s24, v14;
	s25 =	sadd.s32 s28, s25  }
0xb8: {  	v54 =	vadd.s32 s25, v13  }
0xb9: {  	[sflag:s18] =	ssyncset.done $0x0;
	v29 =	vadd.s32 s25, v14  }
0xba: {  	[sflag:s18] =	ssyncadd.s32 $0xFFFFF000  }
0xbb: {  	v26 =	vld.idx.msk [tilespmem:v52+s14+$0x0], $0xffff  }
0xbc: {  	v27 =	vld.idx.msk [tilespmem:v53+s14+$0x0], $0xffff  }
0xbd: {  	v28 =	vld.idx.msk [tilespmem:v54+s15+$0x0], $0xffff  }
0xbe: {  	v29 =	vld.idx.msk [tilespmem:v29+s15+$0x0], $0xffff;
	_ =	sdelay $0x4  }
0xbf: {  	v26 =	vmul.f32 v28, v26;
	v27 =	vmul.f32 v29, v27;
	_ =	sdelay $0x1  }
0xc0: {  	v26 =	vadd.f32 v27, v26;
	_ =	sdelay $0x1  }
0xc1: {  	(xrf2) =	vadd.scan.msk.f32 $0xffff, v26;
	_ =	sdelay $0x9  }
0xc2: {  	v26, _, _ =	vpop (xrf2)  }
0xc3: {  	_ =	swait.ge [sflag:s19], $0x1000  }
0xc4: {  	[sflag:s19] =	ssyncset.done $0x0  }
0xc5: {  	[sflag:s19] =	ssyncadd.s32 $0xFFFFF000  }
0xc6: {  	_ =	swait.ge [sflag:s20], $0x1000  }
0xc7: {  	(v2sf) =	vpush v23, $0x3;
	_ =	sdelay $0x2  }
0xc8: {  	(v2sf) =	vpush v24, $0x3;
	_ =	sdelay $0xb  }
0xc9: {  	s24 =	spop (v2sf)  }
0xca: {  	s26 =	sshra.s32 s24, $0x1F  }
0xcb: {  	s28 =	sand.u32 $0x7F, s24;
	p3 =	slt.s32 s24, $0x1;
	s25 =	sshrl.u32 s26, $0x19  }
0xcc: {  	p4 =	sne.s32 s28, $0x0;
	s26 =	simm.s32 $0x1;
	s28 =	spop (v2sf)  }
0xcd: {  	s25 =	sadd.s32 s25, s24;
	p0 =	por !p3, !p4;
	s29 =	sand.u32 $0x7F, s28  }
0xce: {  	s30 =	sshra.s32 s28, $0x1F;
	p5 =	slt.s32 s28, $0x1;
	p0 =	por !p0, !p0  }
0xcf: {  	s25 =	sshrl.u32 s25, $0x7;
	p6 =	sne.s32 s29, $0x0;
	s26 =	simm.s32 @!p0 $0x0  }
0xd0: {  	s29 =	sshrl.u32 s30, $0x19;
	p0 =	por !p5, !p6;
	s25 =	ssub.s32 s26, s25  }
0xd1: {  	s26 =	sadd.s32 s29, s28;
	p0 =	por !p0, !p0;
	s29 =	simm.s32 $0x1  }
0xd2: {  	s25 =	sshll.u32 s25, $0x7;
	s26 =	sshrl.u32 s26, $0x7;
	s29 =	simm.s32 @!p0 $0x0  }
0xd3: {  	s24 =	sadd.s32 s24, s25;
	s30 =	ssub.s32 s29, s26  }
0xd4: {  	s25 =	sshll.u32 s30, $0x7;
	v55 =	vadd.s32 s24, v15  }
0xd5: {  	v56 =	vadd.s32 s24, v16;
	s25 =	sadd.s32 s28, s25  }
0xd6: {  	v57 =	vadd.s32 s25, v15  }
0xd7: {  	[sflag:s20] =	ssyncset.done $0x0;
	v58 =	vadd.s32 s25, v16  }
0xd8: {  	[sflag:s20] =	ssyncadd.s32 $0xFFFFF000  }
0xd9: {  	v23 =	vld.idx.msk [tilespmem:v55+s14+$0x0], $0xffff  }
0xda: {  	v24 =	vld.idx.msk [tilespmem:v56+s14+$0x0], $0xffff  }
0xdb: {  	v27 =	vld.idx.msk [tilespmem:v57+s15+$0x0], $0xffff  }
0xdc: {  	v28 =	vld.idx.msk [tilespmem:v58+s15+$0x0], $0xffff;
	_ =	sdelay $0x4  }
0xdd: {  	v23 =	vmul.f32 v27, v23;
	v24 =	vmul.f32 v28, v24;
	_ =	sdelay $0x1  }
0xde: {  	v23 =	vadd.f32 v24, v23;
	_ =	sdelay $0x1  }
0xdf: {  	(xrf2) =	vadd.scan.msk.f32 $0xffff, v23  }
0xe0: {  	s24 =	sand.u32 $0x8, s21  }
0xe1: {  	v18 =	vbroadcast v18, $0xF;
	v59 =	vmov s24;
	s26 =	sor.u32 $0x1, s24  }
0xe2: {  	v19 =	vbroadcast v19, $0xF;
	vm0 =	veq.s32 v59, v0;
	v60 =	vmov s26  }
0xe3: {  	v61 =	vbroadcast v21, $0xF;
	s28 =	sor.u32 $0x2, s24;
	v17 =	vsel vm0, v18, v17;
	vm9 =	veq.s32 v60, v0  }
0xe4: {  	s30 =	sadd.s32 $0x4, s21;
	s29 =	sor.u32 $0x3, s24;
	v18 =	vmov s28;
	v17 =	vsel vm9, v19, v17;
	v19 =	vbroadcast v20, $0xF  }
0xe5: {  	v62 =	vbroadcast v25, $0xF;
	s26 =	sand.u32 $0xC, s30;
	vm10 =	veq.s32 v18, v0;
	v18 =	vmov s29  }
0xe6: {  	s28 =	sor.u32 $0x5, s24;
	vm11 =	veq.s32 v18, v0;
	v18 =	vmov s26;
	v17 =	vsel vm10, v19, v17  }
0xe7: {  	s29 =	sor.u32 $0x6, s24;
	v19 =	vbroadcast v22, $0xF;
	vm12 =	veq.s32 v18, v0;
	v18 =	vmov s28  }
0xe8: {  	v17 =	vsel vm11, v61, v17;
	vm13 =	veq.s32 v18, v0;
	v18 =	vmov s29  }
0xe9: {  	s24 =	sor.u32 $0x7, s24;
	v17 =	vsel vm12, v19, v17;
	v19 =	vbroadcast v26, $0xF;
	vm14 =	veq.s32 v18, v0;
	v63, _, _ =	vpop (xrf2)  }
0xea: {  	v18 =	vmov s24;
	v17 =	vsel vm13, v62, v17;
	v20 =	vbroadcast v63, $0xF  }
0xeb: {  	s30 =	sand.u32 $0x1, s23;
	vm15 =	veq.s32 v18, v0;
	v17 =	vsel vm14, v19, v17  }
0xec: {  	p0 =	seq.s32 s30, $0x0;
	v17 =	vsel vm15, v20, v17  }
0xed: {  	v18 =	vsub.f32 @!p0 $0.0e+00, v17;
	_ =	sdelay $0x1  }
0xee: {  	v18 =	vmul.f32 @!p0 $1.442695020e+00, v18;
	_ =	sdelay $0x1  }
0xef: {  	(erf) = vpow2.f32 @!p0 v18;
	_ =	sdelay $0x8  }
0xf0: {  	v18 =	vpop @!p0 (erf)  }
0xf1: {  	v18 =	vadd.f32 @!p0 $1.000000000e+00, v18;
	_ =	sdelay $0x1  }
0xf2: {  	(erf) = vrcp.f32 @!p0 v18;
	_ =	sdelay $0x3  }
0xf3: {  	s24 =	sand.u32 @!p0 $0x7C0, s22;
	s22 =	sadd.s32 $0x20, s22  }
0xf4: {  	p1 =	sne.s32 s22, $0x800  }
.Ltmp3:
0xf5: {  	_ = 	snop;
	(pc) =	sbr.rel @!p1 .LBB2_5-.Ltmp3, $3  }
0xf6: {  	_ =	sdelay $0x1  }
0xf7: {  	s24 =	sshrl.u32 @!p0 s24, $0x2;
	v18 =	vpop @!p0 (erf)  }
0xf8: {  	s21 =	sadd.s32 $0x8, s21;
	s23 =	sadd.s32 $0x1, s23;
	v17 =	vpsel !p0, $0x0, v17;
	[tilespmem:s24+$0x10500] =	vst @!p0 v18  }
.LBB2_2:
0xf9: {  	s24 =	sshra.s32 s22, $0x2  }
0xfa: {  	v18 =	vld [tilespmem:s24+$0x284]  }
0xfb: {  	v19 =	vld [tilespmem:s24+$0x4];
	_ =	sdelay $0x3  }
0xfc: {  	(v2sf) =	vpush v18, $0x0  }
0xfd: {  	(v2sf) =	vpush v19, $0x0;
	_ =	sdelay $0xd  }
0xfe: {  	s25 =	spop (v2sf)  }
0xff: {  	(v2sf) =	vpush v18, $0x1;
	s26 =	spop (v2sf)  }
0x100: {  	s29 =	sshra.s32 s25, $0x1F;
	(v2sf) =	vpush v19, $0x1;
	p5 =	slt.s32 s25, $0x1;
	s30 =	sand.u32 $0x7F, s25  }
0x101: {  	s28 =	sand.u32 $0x7F, s26;
	p0 =	slt.s32 s26, $0x1;
	p6 =	sne.s32 s30, $0x0  }
0x102: {  	p1 =	sne.s32 s28, $0x0;
	s28 =	sshrl.u32 s29, $0x19;
	s29 =	sshra.s32 s26, $0x1F  }
0x103: {  	p0 =	por !p0, !p1;
	s29 =	sshrl.u32 s29, $0x19;
	s25 =	sadd.s32 s28, s25  }
0x104: {  	s26 =	sadd.s32 s29, s26;
	p0 =	por !p0, !p0;
	s29 =	simm.s32 $0x1  }
0x105: {  	s29 =	simm.s32 @!p0 $0x0;
	s26 =	sshrl.u32 s26, $0x7;
	p0 =	por !p5, !p6  }
0x106: {  	s28 =	simm.s32 $0x1;
	s26 =	ssub.s32 s26, s29;
	p0 =	por !p0, !p0  }
0x107: {  	s25 =	sshrl.u32 s25, $0x7;
	s26 =	sshll.u32 s26, $0x7;
	s28 =	simm.s32 @!p0 $0x0  }
0x108: {  	s26 =	sand.u32 $0x1FFFFF80, s26;
	s25 =	ssub.s32 s25, s28  }
0x109: {  	s30 =	simm.s32 $0x4500;
	s26 =	sadd.s32 s1, s26;
	s25 =	sshll.u32 s25, $0x7  }
0x10a: {  	[tilespmem:s30], [sflag:$0x5] =	stream.strided.gather [hbm4b:s26+s12], $0x1000, s13, s12, $0x38;
	[tilespmem:$0x10700] =	vst v63  }
0x10b: {  	s25 =	sand.u32 $0x1FFFFF80, s25  }
0x10c: {  	s29 =	simm.s32 $0xC500;
	s25 =	sadd.s32 s2, s25  }
0x10d: {  	[tilespmem:s29], [sflag:$0xD] =	stream.strided.gather [hbm4b:s25+s12], $0x1000, s13, s12, $0x38;
	[tilespmem:$0x10700] =	vst v63  }
0x10e: {  	s25 =	spop (v2sf)  }
0x10f: {  	(v2sf) =	vpush v18, $0x2;
	s26 =	spop (v2sf)  }
0x110: {  	s30 =	sshra.s32 s25, $0x1F;
	(v2sf) =	vpush v19, $0x2;
	p3 =	slt.s32 s25, $0x1;
	s28 =	sand.u32 $0x7F, s26  }
0x111: {  	p1 =	slt.s32 s26, $0x1;
	s29 =	sshra.s32 s26, $0x1F;
	p2 =	sne.s32 s28, $0x0  }
0x112: {  	s28 =	sshrl.u32 s30, $0x19;
	s30 =	sand.u32 $0x7F, s25;
	s29 =	sshrl.u32 s29, $0x19  }
0x113: {  	p0 =	por !p1, !p2;
	s26 =	sadd.s32 s29, s26;
	s29 =	simm.s32 $0x1  }
0x114: {  	p4 =	sne.s32 s30, $0x0;
	s25 =	sadd.s32 s28, s25;
	p0 =	por !p0, !p0  }
0x115: {  	s26 =	sshrl.u32 s26, $0x7;
	s29 =	simm.s32 @!p0 $0x0;
	p0 =	por !p3, !p4  }
0x116: {  	s28 =	simm.s32 $0x1;
	s26 =	ssub.s32 s26, s29;
	p0 =	por !p0, !p0  }
0x117: {  	s25 =	sshrl.u32 s25, $0x7;
	s26 =	sshll.u32 s26, $0x7;
	s28 =	simm.s32 @!p0 $0x0  }
0x118: {  	s26 =	sand.u32 $0x1FFFFF80, s26;
	s25 =	ssub.s32 s25, s28  }
0x119: {  	s30 =	simm.s32 $0x5500;
	s26 =	sadd.s32 s1, s26;
	s25 =	sshll.u32 s25, $0x7  }
0x11a: {  	[tilespmem:s30], [sflag:$0x6] =	stream.strided.gather [hbm4b:s26+s12], $0x1000, s13, s12, $0x38;
	[tilespmem:$0x10700] =	vst v63  }
0x11b: {  	s25 =	sand.u32 $0x1FFFFF80, s25  }
0x11c: {  	s29 =	simm.s32 $0xD500;
	s25 =	sadd.s32 s2, s25  }
0x11d: {  	[tilespmem:s29], [sflag:$0xE] =	stream.strided.gather [hbm4b:s25+s12], $0x1000, s13, s12, $0x38;
	[tilespmem:$0x10700] =	vst v63  }
0x11e: {  	s25 =	spop (v2sf)  }
0x11f: {  	(v2sf) =	vpush v18, $0x3;
	s26 =	spop (v2sf)  }
0x120: {  	s30 =	sshra.s32 s25, $0x1F;
	(v2sf) =	vpush v19, $0x3;
	p2 =	slt.s32 s25, $0x1;
	s28 =	sand.u32 $0x7F, s26  }
0x121: {  	p5 =	slt.s32 s26, $0x1;
	s29 =	sshra.s32 s26, $0x1F;
	p6 =	sne.s32 s28, $0x0  }
0x122: {  	s28 =	sshrl.u32 s30, $0x19;
	s30 =	sand.u32 $0x7F, s25;
	s29 =	sshrl.u32 s29, $0x19  }
0x123: {  	p0 =	por !p5, !p6;
	s26 =	sadd.s32 s29, s26;
	s29 =	simm.s32 $0x1  }
0x124: {  	p3 =	sne.s32 s30, $0x0;
	s25 =	sadd.s32 s28, s25;
	p0 =	por !p0, !p0  }
0x125: {  	s26 =	sshrl.u32 s26, $0x7;
	s29 =	simm.s32 @!p0 $0x0;
	p0 =	por !p2, !p3  }
0x126: {  	s28 =	simm.s32 $0x1;
	s26 =	ssub.s32 s26, s29;
	p0 =	por !p0, !p0  }
0x127: {  	s25 =	sshrl.u32 s25, $0x7;
	s26 =	sshll.u32 s26, $0x7;
	s28 =	simm.s32 @!p0 $0x0  }
0x128: {  	s26 =	sand.u32 $0x1FFFFF80, s26;
	s25 =	ssub.s32 s25, s28  }
0x129: {  	s30 =	simm.s32 $0x6500;
	s26 =	sadd.s32 s1, s26;
	s25 =	sshll.u32 s25, $0x7  }
0x12a: {  	[tilespmem:s30], [sflag:$0x7] =	stream.strided.gather [hbm4b:s26+s12], $0x1000, s13, s12, $0x38;
	[tilespmem:$0x10700] =	vst v63  }
0x12b: {  	s25 =	sand.u32 $0x1FFFFF80, s25  }
0x12c: {  	s29 =	simm.s32 $0xE500;
	s25 =	sadd.s32 s2, s25  }
0x12d: {  	[tilespmem:s29], [sflag:$0xF] =	stream.strided.gather [hbm4b:s25+s12], $0x1000, s13, s12, $0x38;
	[tilespmem:$0x10700] =	vst v63  }
0x12e: {  	s25 =	spop (v2sf)  }
0x12f: {  	s26 =	spop (v2sf)  }
0x130: {  	s30 =	sshra.s32 s25, $0x1F;
	p6 =	slt.s32 s25, $0x1;
	s28 =	sand.u32 $0x7F, s26  }
0x131: {  	p4 =	slt.s32 s26, $0x1;
	s29 =	sshra.s32 s26, $0x1F;
	p5 =	sne.s32 s28, $0x0  }
0x132: {  	s28 =	sshrl.u32 s30, $0x19;
	s30 =	sand.u32 $0x7F, s25;
	s29 =	sshrl.u32 s29, $0x19  }
0x133: {  	p0 =	por !p4, !p5;
	s26 =	sadd.s32 s29, s26;
	s29 =	simm.s32 $0x1  }
0x134: {  	p2 =	sne.s32 s30, $0x0;
	s25 =	sadd.s32 s28, s25;
	p0 =	por !p0, !p0  }
0x135: {  	s26 =	sshrl.u32 s26, $0x7;
	s29 =	simm.s32 @!p0 $0x0;
	p0 =	por !p6, !p2  }
0x136: {  	s28 =	simm.s32 $0x1;
	s26 =	ssub.s32 s26, s29;
	p0 =	por !p0, !p0  }
0x137: {  	s25 =	sshrl.u32 s25, $0x7;
	s26 =	sshll.u32 s26, $0x7;
	s28 =	simm.s32 @!p0 $0x0  }
0x138: {  	s26 =	sand.u32 $0x1FFFFF80, s26;
	s25 =	ssub.s32 s25, s28  }
0x139: {  	s30 =	simm.s32 $0x7500;
	s26 =	sadd.s32 s1, s26;
	s25 =	sshll.u32 s25, $0x7  }
0x13a: {  	[tilespmem:s30], [sflag:$0x8] =	stream.strided.gather [hbm4b:s26+s12], $0x1000, s13, s12, $0x38;
	[tilespmem:$0x10700] =	vst v63  }
0x13b: {  	s25 =	sand.u32 $0x1FFFFF80, s25  }
0x13c: {  	s29 =	simm.s32 $0xF500;
	s25 =	sadd.s32 s2, s25  }
0x13d: {  	[tilespmem:s29], [sflag:$0x10] =	stream.strided.gather [hbm4b:s25+s12], $0x1000, s13, s12, $0x38;
	[tilespmem:$0x10700] =	vst v63  }
0x13e: {  	v21 =	vld [tilespmem:s24+$0x0]  }
0x13f: {  	v22 =	vld [tilespmem:s24+$0x280];
	_ =	swait.ge [sflag:s11], $0x1000  }
0x140: {  	[sflag:s11] =	ssyncset.done $0x0  }
0x141: {  	[sflag:s11] =	ssyncadd.s32 $0xFFFFF000  }
0x142: {  	_ =	swait.ge [sflag:s31], $0x1000  }
0x143: {  	(v2sf) =	vpush v21, $0x0;
	_ =	sdelay $0x1  }
0x144: {  	(v2sf) =	vpush v22, $0x0;
	_ =	sdelay $0xc  }
0x145: {  	s28 =	simm.s32 $0x1;
	s25 =	spop (v2sf)  }
0x146: {  	s30 =	sshra.s32 s25, $0x1F;
	s29 =	sand.u32 $0x7F, s25;
	p3 =	slt.s32 s25, $0x1  }
0x147: {  	s26 =	sshrl.u32 s30, $0x19;
	p4 =	sne.s32 s29, $0x0;
	s29 =	spop (v2sf)  }
0x148: {  	s26 =	sadd.s32 s26, s25;
	p0 =	por !p3, !p4;
	s30 =	sand.u32 $0x7F, s29  }
0x149: {  	p6 =	slt.s32 s29, $0x1;
	p0 =	por !p0, !p0;
	s26 =	sshrl.u32 s26, $0x7  }
0x14a: {  	p5 =	sne.s32 s30, $0x0;
	s30 =	sshra.s32 s29, $0x1F;
	s28 =	simm.s32 @!p0 $0x0  }
0x14b: {  	s30 =	sshrl.u32 s30, $0x19;
	p0 =	por !p6, !p5;
	s26 =	ssub.s32 s28, s26  }
0x14c: {  	s28 =	sadd.s32 s30, s29;
	p0 =	por !p0, !p0;
	s30 =	simm.s32 $0x1  }
0x14d: {  	s26 =	sshll.u32 s26, $0x7;
	s28 =	sshrl.u32 s28, $0x7;
	s30 =	simm.s32 @!p0 $0x0  }
0x14e: {  	s25 =	sadd.s32 s25, s26;
	s28 =	ssub.s32 s30, s28  }
0x14f: {  	s26 =	sshll.u32 s28, $0x7;
	v18 =	vadd.s32 s25, v1  }
0x150: {  	v19 =	vadd.s32 s25, v2;
	s26 =	sadd.s32 s29, s26  }
0x151: {  	v20 =	vadd.s32 s26, v1  }
0x152: {  	[sflag:s31] =	ssyncset.done $0x0;
	v23 =	vadd.s32 s26, v2  }
0x153: {  	[sflag:s31] =	ssyncadd.s32 $0xFFFFF000  }
0x154: {  	v18 =	vld.idx.msk [tilespmem:v18+s14+$0x0], $0xffff  }
0x155: {  	v19 =	vld.idx.msk [tilespmem:v19+s14+$0x0], $0xffff  }
0x156: {  	v20 =	vld.idx.msk [tilespmem:v20+s15+$0x0], $0xffff  }
0x157: {  	v23 =	vld.idx.msk [tilespmem:v23+s15+$0x0], $0xffff;
	_ =	sdelay $0x4  }
0x158: {  	v18 =	vmul.f32 v20, v18;
	v19 =	vmul.f32 v23, v19;
	_ =	sdelay $0x1  }
0x159: {  	v18 =	vadd.f32 v19, v18;
	_ =	sdelay $0x1  }
0x15a: {  	(xrf2) =	vadd.scan.msk.f32 $0xffff, v18;
	_ =	sdelay $0x9  }
0x15b: {  	v18, _, _ =	vpop (xrf2)  }
0x15c: {  	_ =	swait.ge [sflag:s0], $0x1000  }
0x15d: {  	[sflag:s0] =	ssyncset.done $0x0  }
0x15e: {  	[sflag:s0] =	ssyncadd.s32 $0xFFFFF000  }
0x15f: {  	_ =	swait.ge [sflag:s3], $0x1000  }
0x160: {  	(v2sf) =	vpush v21, $0x1;
	_ =	sdelay $0x1  }
0x161: {  	(v2sf) =	vpush v22, $0x1;
	_ =	sdelay $0xc  }
0x162: {  	s28 =	simm.s32 $0x1;
	s25 =	spop (v2sf)  }
0x163: {  	s30 =	sshra.s32 s25, $0x1F;
	s29 =	sand.u32 $0x7F, s25;
	p1 =	slt.s32 s25, $0x1  }
0x164: {  	s26 =	sshrl.u32 s30, $0x19;
	p2 =	sne.s32 s29, $0x0;
	s29 =	spop (v2sf)  }
0x165: {  	s26 =	sadd.s32 s26, s25;
	p0 =	por !p1, !p2;
	s30 =	sand.u32 $0x7F, s29  }
0x166: {  	p4 =	slt.s32 s29, $0x1;
	p0 =	por !p0, !p0;
	s26 =	sshrl.u32 s26, $0x7  }
0x167: {  	p3 =	sne.s32 s30, $0x0;
	s30 =	sshra.s32 s29, $0x1F;
	s28 =	simm.s32 @!p0 $0x0  }
0x168: {  	s30 =	sshrl.u32 s30, $0x19;
	p0 =	por !p4, !p3;
	s26 =	ssub.s32 s28, s26  }
0x169: {  	s28 =	sadd.s32 s30, s29;
	p0 =	por !p0, !p0;
	s30 =	simm.s32 $0x1  }
0x16a: {  	s26 =	sshll.u32 s26, $0x7;
	s28 =	sshrl.u32 s28, $0x7;
	s30 =	simm.s32 @!p0 $0x0  }
0x16b: {  	s25 =	sadd.s32 s25, s26;
	s28 =	ssub.s32 s30, s28  }
0x16c: {  	s26 =	sshll.u32 s28, $0x7;
	v19 =	vadd.s32 s25, v3  }
0x16d: {  	v20 =	vadd.s32 s25, v4;
	s26 =	sadd.s32 s29, s26  }
0x16e: {  	v23 =	vadd.s32 s26, v3  }
0x16f: {  	[sflag:s3] =	ssyncset.done $0x0;
	v24 =	vadd.s32 s26, v4  }
0x170: {  	[sflag:s3] =	ssyncadd.s32 $0xFFFFF000  }
0x171: {  	v19 =	vld.idx.msk [tilespmem:v19+s14+$0x0], $0xffff  }
0x172: {  	v20 =	vld.idx.msk [tilespmem:v20+s14+$0x0], $0xffff  }
0x173: {  	v23 =	vld.idx.msk [tilespmem:v23+s15+$0x0], $0xffff  }
0x174: {  	v24 =	vld.idx.msk [tilespmem:v24+s15+$0x0], $0xffff;
	_ =	sdelay $0x4  }
0x175: {  	v19 =	vmul.f32 v23, v19;
	v20 =	vmul.f32 v24, v20;
	_ =	sdelay $0x1  }
0x176: {  	v19 =	vadd.f32 v20, v19;
	_ =	sdelay $0x1  }
0x177: {  	(xrf2) =	vadd.scan.msk.f32 $0xffff, v19;
	_ =	sdelay $0x9  }
0x178: {  	v19, _, _ =	vpop (xrf2)  }
0x179: {  	_ =	swait.ge [sflag:s10], $0x1000  }
0x17a: {  	[sflag:s10] =	ssyncset.done $0x0  }
0x17b: {  	[sflag:s10] =	ssyncadd.s32 $0xFFFFF000  }
0x17c: {  	_ =	swait.ge [sflag:s5], $0x1000  }
0x17d: {  	(v2sf) =	vpush v21, $0x2;
	_ =	sdelay $0x1  }
0x17e: {  	(v2sf) =	vpush v22, $0x2;
	_ =	sdelay $0xc  }
0x17f: {  	s28 =	simm.s32 $0x1;
	s25 =	spop (v2sf)  }
0x180: {  	s30 =	sshra.s32 s25, $0x1F;
	s29 =	sand.u32 $0x7F, s25;
	p5 =	slt.s32 s25, $0x1  }
0x181: {  	s26 =	sshrl.u32 s30, $0x19;
	p6 =	sne.s32 s29, $0x0;
	s29 =	spop (v2sf)  }
0x182: {  	s26 =	sadd.s32 s26, s25;
	p0 =	por !p5, !p6;
	s30 =	sand.u32 $0x7F, s29  }
0x183: {  	p2 =	slt.s32 s29, $0x1;
	p0 =	por !p0, !p0;
	s26 =	sshrl.u32 s26, $0x7  }
0x184: {  	p1 =	sne.s32 s30, $0x0;
	s30 =	sshra.s32 s29, $0x1F;
	s28 =	simm.s32 @!p0 $0x0  }
0x185: {  	s30 =	sshrl.u32 s30, $0x19;
	p0 =	por !p2, !p1;
	s26 =	ssub.s32 s28, s26  }
0x186: {  	s28 =	sadd.s32 s30, s29;
	p0 =	por !p0, !p0;
	s30 =	simm.s32 $0x1  }
0x187: {  	s26 =	sshll.u32 s26, $0x7;
	s28 =	sshrl.u32 s28, $0x7;
	s30 =	simm.s32 @!p0 $0x0  }
0x188: {  	s25 =	sadd.s32 s25, s26;
	s28 =	ssub.s32 s30, s28  }
0x189: {  	s26 =	sshll.u32 s28, $0x7;
	v20 =	vadd.s32 s25, v5  }
0x18a: {  	v23 =	vadd.s32 s25, v6;
	s26 =	sadd.s32 s29, s26  }
0x18b: {  	v62 =	vadd.s32 s26, v5  }
0x18c: {  	[sflag:s5] =	ssyncset.done $0x0;
	v25 =	vadd.s32 s26, v6  }
0x18d: {  	[sflag:s5] =	ssyncadd.s32 $0xFFFFF000  }
0x18e: {  	v20 =	vld.idx.msk [tilespmem:v20+s14+$0x0], $0xffff  }
0x18f: {  	v23 =	vld.idx.msk [tilespmem:v23+s14+$0x0], $0xffff  }
0x190: {  	v24 =	vld.idx.msk [tilespmem:v62+s15+$0x0], $0xffff  }
0x191: {  	v25 =	vld.idx.msk [tilespmem:v25+s15+$0x0], $0xffff;
	_ =	sdelay $0x4  }
0x192: {  	v20 =	vmul.f32 v24, v20;
	v23 =	vmul.f32 v25, v23;
	_ =	sdelay $0x1  }
0x193: {  	v20 =	vadd.f32 v23, v20;
	_ =	sdelay $0x1  }
0x194: {  	(xrf2) =	vadd.scan.msk.f32 $0xffff, v20;
	_ =	sdelay $0x9  }
0x195: {  	v20, _, _ =	vpop (xrf2)  }
0x196: {  	_ =	swait.ge [sflag:s6], $0x1000  }
0x197: {  	[sflag:s6] =	ssyncset.done $0x0  }
0x198: {  	[sflag:s6] =	ssyncadd.s32 $0xFFFFF000  }
0x199: {  	_ =	swait.ge [sflag:s7], $0x1000  }
0x19a: {  	(v2sf) =	vpush v21, $0x3;
	_ =	sdelay $0x1  }
0x19b: {  	(v2sf) =	vpush v22, $0x3;
	_ =	sdelay $0xc  }
0x19c: {  	s28 =	simm.s32 $0x1;
	s25 =	spop (v2sf)  }
0x19d: {  	s30 =	sshra.s32 s25, $0x1F;
	s29 =	sand.u32 $0x7F, s25;
	p3 =	slt.s32 s25, $0x1  }
0x19e: {  	s26 =	sshrl.u32 s30, $0x19;
	p4 =	sne.s32 s29, $0x0;
	s29 =	spop (v2sf)  }
0x19f: {  	s26 =	sadd.s32 s26, s25;
	p0 =	por !p3, !p4;
	s30 =	sand.u32 $0x7F, s29  }
0x1a0: {  	p6 =	slt.s32 s29, $0x1;
	p0 =	por !p0, !p0;
	s26 =	sshrl.u32 s26, $0x7  }
0x1a1: {  	p5 =	sne.s32 s30, $0x0;
	s30 =	sshra.s32 s29, $0x1F;
	s28 =	simm.s32 @!p0 $0x0  }
0x1a2: {  	s30 =	sshrl.u32 s30, $0x19;
	p0 =	por !p6, !p5;
	s26 =	ssub.s32 s28, s26  }
0x1a3: {  	s28 =	sadd.s32 s30, s29;
	p0 =	por !p0, !p0;
	s30 =	simm.s32 $0x1  }
0x1a4: {  	s26 =	sshll.u32 s26, $0x7;
	s28 =	sshrl.u32 s28, $0x7;
	s30 =	simm.s32 @!p0 $0x0  }
0x1a5: {  	s25 =	sadd.s32 s25, s26;
	s30 =	ssub.s32 s30, s28  }
0x1a6: {  	s26 =	sshll.u32 s30, $0x7;
	v21 =	vadd.s32 s25, v7  }
0x1a7: {  	v22 =	vadd.s32 s25, v8;
	s26 =	sadd.s32 s29, s26  }
0x1a8: {  	v23 =	vadd.s32 s26, v7  }
0x1a9: {  	[sflag:s7] =	ssyncset.done $0x0;
	v63 =	vadd.s32 s26, v8  }
0x1aa: {  	[sflag:s7] =	ssyncadd.s32 $0xFFFFF000  }
0x1ab: {  	v21 =	vld.idx.msk [tilespmem:v21+s14+$0x0], $0xffff  }
0x1ac: {  	v22 =	vld.idx.msk [tilespmem:v22+s14+$0x0], $0xffff  }
0x1ad: {  	v23 =	vld.idx.msk [tilespmem:v23+s15+$0x0], $0xffff  }
0x1ae: {  	v24 =	vld.idx.msk [tilespmem:v63+s15+$0x0], $0xffff;
	_ =	sdelay $0x4  }
0x1af: {  	v21 =	vmul.f32 v23, v21;
	v22 =	vmul.f32 v24, v22;
	_ =	sdelay $0x1  }
0x1b0: {  	v21 =	vadd.f32 v22, v21;
	_ =	sdelay $0x1  }
0x1b1: {  	(xrf2) =	vadd.scan.msk.f32 $0xffff, v21;
	_ =	sdelay $0x4  }
0x1b2: {  	p0 =	seq.s32 s22, $0x7E0  }
.Ltmp4:
0x1b3: {  	_ = 	snop;
	(pc) =	sbr.rel @p0 .LBB2_4-.Ltmp4, $2  }
0x1b4: {  	_ =	sdelay $0x2  }
0x1b5: {  	v21, _, _ =	vpop (xrf2)  }
0x1b6: {  	v22 =	vld [tilespmem:s24+$0x288];
	_ =	sdelay $0x2  }
0x1b7: {  	v23 =	vld [tilespmem:s24+$0x8];
	_ =	sdelay $0x1  }
0x1b8: {  	(v2sf) =	vpush v22, $0x0;
	_ =	sdelay $0x2  }
0x1b9: {  	(v2sf) =	vpush v23, $0x0;
	_ =	sdelay $0xa  }
0x1ba: {  	(v2sf) =	vpush v22, $0x1  }
0x1bb: {  	s25 =	spop (v2sf);
	(v2sf) =	vpush v23, $0x1;
	_ =	sdelay $0x2  }
0x1bc: {  	s26 =	sand.u32 $0x7F, s25;
	s28 =	spop (v2sf)  }
0x1bd: {  	s29 =	sshra.s32 s25, $0x1F;
	p6 =	slt.s32 s25, $0x1;
	s30 =	sand.u32 $0x7F, s28  }
0x1be: {  	p2 =	slt.s32 s28, $0x1;
	p1 =	sne.s32 s30, $0x0;
	s30 =	sshra.s32 s28, $0x1F  }
0x1bf: {  	p0 =	sne.s32 s26, $0x0;
	s26 =	sshrl.u32 s30, $0x19;
	p1 =	por !p2, !p1  }
0x1c0: {  	s26 =	sadd.s32 s26, s28;
	p1 =	por !p1, !p1;
	s28 =	simm.s32 $0x1  }
0x1c1: {  	s29 =	sshrl.u32 s29, $0x19;
	s26 =	sshrl.u32 s26, $0x7;
	s28 =	simm.s32 @!p1 $0x0  }
0x1c2: {  	s25 =	sadd.s32 s29, s25;
	p0 =	por !p6, !p0;
	s26 =	ssub.s32 s26, s28  }
0x1c3: {  	p0 =	por !p0, !p0;
	s28 =	simm.s32 $0x1;
	s26 =	sshll.u32 s26, $0x7  }
0x1c4: {  	s25 =	sshrl.u32 s25, $0x7;
	s28 =	simm.s32 @!p0 $0x0;
	s26 =	sand.u32 $0x1FFFFF80, s26  }
0x1c5: {  	(v2sf) =	vpush v22, $0x2;
	s25 =	ssub.s32 s25, s28;
	s26 =	sadd.s32 s1, s26  }
0x1c6: {  	[tilespmem:s14], [sflag:$0x1] =	stream.strided.gather [hbm4b:s26+s12], $0x1000, s13, s12, $0x38;
	[tilespmem:$0x10700] =	vst v63  }
0x1c7: {  	s25 =	sshll.u32 s25, $0x7;
	s26 =	spop (v2sf)  }
0x1c8: {  	s25 =	sand.u32 $0x1FFFFF80, s25;
	s28 =	spop (v2sf);
	(v2sf) =	vpush v23, $0x2  }
0x1c9: {  	s25 =	sadd.s32 s2, s25;
	s29 =	sshra.s32 s26, $0x1F  }
0x1ca: {  	[tilespmem:s15], [sflag:$0x9] =	stream.strided.gather [hbm4b:s25+s12], $0x1000, s13, s12, $0x38;
	[tilespmem:$0x10700] =	vst v63  }
0x1cb: {  	s30 =	sand.u32 $0x7F, s26;
	p6 =	slt.s32 s26, $0x1;
	s29 =	sshrl.u32 s29, $0x19  }
0x1cc: {  	p3 =	sne.s32 s30, $0x0;
	s26 =	sadd.s32 s29, s26;
	s30 =	sand.u32 $0x7F, s28  }
0x1cd: {  	p5 =	slt.s32 s28, $0x1;
	p4 =	sne.s32 s30, $0x0;
	s30 =	sshra.s32 s28, $0x1F  }
0x1ce: {  	p0 =	por !p6, !p3;
	s25 =	sshrl.u32 s30, $0x19;
	p1 =	por !p5, !p4  }
0x1cf: {  	s25 =	sadd.s32 s25, s28;
	p1 =	por !p1, !p1;
	s28 =	simm.s32 $0x1  }
0x1d0: {  	s29 =	simm.s32 $0x9500;
	s25 =	sshrl.u32 s25, $0x7;
	s28 =	simm.s32 @!p1 $0x0  }
0x1d1: {  	p0 =	por !p0, !p0;
	s25 =	ssub.s32 s25, s28;
	s28 =	simm.s32 $0x1  }
0x1d2: {  	s26 =	sshrl.u32 s26, $0x7;
	s25 =	sshll.u32 s25, $0x7;
	s28 =	simm.s32 @!p0 $0x0  }
0x1d3: {  	s30 =	simm.s32 $0x1500;
	s25 =	sand.u32 $0x1FFFFF80, s25;
	s26 =	ssub.s32 s26, s28  }
0x1d4: {  	s25 =	sadd.s32 s1, s25;
	s28 =	sshll.u32 s26, $0x7;
	s26 =	spop (v2sf);
	(v2sf) =	vpush v22, $0x3  }
0x1d5: {  	[tilespmem:s30], [sflag:$0x2] =	stream.strided.gather [hbm4b:s25+s12], $0x1000, s13, s12, $0x38;
	[tilespmem:$0x10700] =	vst v63  }
0x1d6: {  	s25 =	sand.u32 $0x1FFFFF80, s28;
	s30 =	sand.u32 $0x7F, s26;
	p6 =	slt.s32 s26, $0x1  }
0x1d7: {  	s25 =	sadd.s32 s2, s25;
	p3 =	sne.s32 s30, $0x0;
	s28 =	spop (v2sf);
	(v2sf) =	vpush v23, $0x3  }
0x1d8: {  	[tilespmem:s29], [sflag:$0xA] =	stream.strided.gather [hbm4b:s25+s12], $0x1000, s13, s12, $0x38;
	[tilespmem:$0x10700] =	vst v63  }
0x1d9: {  	s29 =	sshra.s32 s26, $0x1F;
	p0 =	por !p6, !p3;
	s30 =	sand.u32 $0x7F, s28  }
0x1da: {  	p5 =	slt.s32 s28, $0x1;
	p4 =	sne.s32 s30, $0x0;
	s30 =	sshra.s32 s28, $0x1F  }
0x1db: {  	s29 =	sshrl.u32 s29, $0x19;
	s25 =	sshrl.u32 s30, $0x19;
	p1 =	por !p5, !p4  }
0x1dc: {  	s25 =	sadd.s32 s25, s28;
	p1 =	por !p1, !p1;
	s28 =	simm.s32 $0x1  }
0x1dd: {  	p0 =	por !p0, !p0;
	s25 =	sshrl.u32 s25, $0x7;
	s28 =	simm.s32 @!p1 $0x0  }
0x1de: {  	s26 =	sadd.s32 s29, s26;
	s25 =	ssub.s32 s25, s28;
	s28 =	simm.s32 $0x1  }
0x1df: {  	s26 =	sshrl.u32 s26, $0x7;
	s25 =	sshll.u32 s25, $0x7;
	s28 =	simm.s32 @!p0 $0x0  }
0x1e0: {  	s25 =	sand.u32 $0x1FFFFF80, s25;
	s26 =	ssub.s32 s26, s28  }
0x1e1: {  	s30 =	simm.s32 $0x2500;
	s25 =	sadd.s32 s1, s25;
	s28 =	sshll.u32 s26, $0x7  }
0x1e2: {  	[tilespmem:s30], [sflag:$0x3] =	stream.strided.gather [hbm4b:s25+s12], $0x1000, s13, s12, $0x38;
	[tilespmem:$0x10700] =	vst v63  }
0x1e3: {  	s26 =	spop (v2sf);
	s25 =	sand.u32 $0x1FFFFF80, s28  }
0x1e4: {  	s29 =	simm.s32 $0xA500;
	s30 =	sand.u32 $0x7F, s26;
	s25 =	sadd.s32 s2, s25  }
0x1e5: {  	[tilespmem:s29], [sflag:$0xB] =	stream.strided.gather [hbm4b:s25+s12], $0x1000, s13, s12, $0x38;
	[tilespmem:$0x10700] =	vst v63  }
0x1e6: {  	p6 =	slt.s32 s26, $0x1;
	p3 =	sne.s32 s30, $0x0;
	s28 =	spop (v2sf)  }
0x1e7: {  	s29 =	sshra.s32 s26, $0x1F;
	p0 =	por !p6, !p3;
	s30 =	sand.u32 $0x7F, s28  }
0x1e8: {  	p5 =	slt.s32 s28, $0x1;
	p4 =	sne.s32 s30, $0x0;
	s30 =	sshra.s32 s28, $0x1F  }
0x1e9: {  	s29 =	sshrl.u32 s29, $0x19;
	p1 =	por !p5, !p4;
	s25 =	sshrl.u32 s30, $0x19  }
0x1ea: {  	s25 =	sadd.s32 s25, s28;
	p1 =	por !p1, !p1;
	s28 =	simm.s32 $0x1  }
0x1eb: {  	p0 =	por !p0, !p0;
	s28 =	simm.s32 @!p1 $0x0;
	s25 =	sshrl.u32 s25, $0x7  }
0x1ec: {  	s26 =	sadd.s32 s29, s26;
	s25 =	ssub.s32 s25, s28;
	s28 =	simm.s32 $0x1  }
0x1ed: {  	s26 =	sshrl.u32 s26, $0x7;
	s25 =	sshll.u32 s25, $0x7;
	s28 =	simm.s32 @!p0 $0x0  }
0x1ee: {  	s30 =	simm.s32 $0x3500;
	s25 =	sand.u32 $0x1FFFFF80, s25;
	s26 =	ssub.s32 s26, s28  }
.Ltmp5:
0x1ef: {  	s25 =	sadd.s32 s1, s25;
	s29 =	sshll.u32 s26, $0x7;
	(pc) =	sbr.rel .LBB2_4-.Ltmp5, $4  }
0x1f0: {  	[tilespmem:s30], [sflag:$0x4] =	stream.strided.gather [hbm4b:s25+s12], $0x1000, s13, s12, $0x38;
	[tilespmem:$0x10700] =	vst v63  }
0x1f1: {  	s25 =	sand.u32 $0x1FFFFF80, s29  }
0x1f2: {  	s30 =	simm.s32 $0xB500;
	s25 =	sadd.s32 s2, s25  }
0x1f3: {  	[tilespmem:s30], [sflag:$0xC] =	stream.strided.gather [hbm4b:s25+s12], $0x1000, s13, s12, $0x38;
	[tilespmem:$0x10700] =	vst v63  }
.LBB2_6:
0x1f4: {  	_ =	sfence.sel $0x180000  }
0x1f5: {  	[bflag:$0x0] =	sbarrier.arrive $0xFFFF  }
0x1f6: {  	_ =	strace $0x90000047  }
0x1f7: {  	s0 =	stileid.u32;
	[bflag:$0x2] =	sbarrier.arrive $0xFFFF  }
0x1f8: {  	p0 =	sne.s32 s0, $0x0;
	s0 =	rddreg [dreg:$0x5]  }
0x1f9: {  	s0 =	sadd.s32 @!p0 $0x100000, s0  }
0x1fa: {  	[sflag:s0] =	ssyncadd.tile.s32 @!p0 $0x1;
	_ =	shalt  }
.Lfunc_end2:
_tile_overlayer_lowered:
.L_overlay_start_2:
0x1fb: {  	(tag) =	ssettag $0x2  }
0x1fc: {  	s0 =	rddreg [dreg:$0x0];
	s2 =	stileid.u32  }
0x1fd: {  	s1 =	rddreg [dreg:$0x1];
	p0 =	sne.s32 s2, $0x0  }
0x1fe: {  	s3 =	rddreg [dreg:$0x2];
	[bflag:$0x3] =	sbarrier.arrive $0xFFFF;
	s2 =	simm.s32 @!p0 $0x1C11  }
0x1ff: {  	[timem:s3], [sflag:s2] =	dma.local @!p0 [hbm:s0], s1  }
0x200: {  	s0 =	simm.s32 @!p0 $0x11  }
0x201: {  	_ =	swait.ge @!p0 [sflag:s0], s1  }
0x202: {  	s1 =	ssub.s32 @!p0 $0x0, s1;
	[sflag:s0] =	ssyncset.done @!p0 $0x0  }
0x203: {  	[sflag:s0] =	ssyncadd.s32 @!p0 s1  }
0x204: {  	[bflag:$0x3] =	sbarrier.arrive $0xFFFF  }
0x205: {  	_ =	shalt  }

</sc_bundles>
